<compile_context>
chip_gen: v7x
topology: tpu7x:2x2x1
jax: 0.10.2.dev20260603
libtpu: 0.0.44.dev20260713+nightly
codegen_flags: <defaults>
</compile_context>

<pallas_src>
import functools

import jax
import jax.numpy as jnp
from jax import lax
from jax.experimental import pallas as pl
from jax.experimental.pallas import tpu as pltpu
from jax.experimental.pallas import tpu_sc as plsc

N = 10000
H = 128
E = 320000
G = 256
DEPTH_ = 3
BN_EPS_ = 1e-5

NC = 2
NS = 16
NT = NC * NS
CHUNK = 128
CMAX = 80
CLAST = 20
AGG_ROWS = 10112
ZROWS = AGG_ROWS // NS
OROWS = 632

RB = 2000
NB = N // RB



_sc_mesh = plsc.VectorSubcoreMesh(
    core_axis_name="c", subcore_axis_name="s", num_cores=NC, num_subcores=NS
)


@functools.partial(
    pl.kernel,
    out_type=jax.ShapeDtypeStruct((NC, N, H), jnp.float32),
    mesh=_sc_mesh,
    scratch_types=[
        pltpu.VMEM((CHUNK,), jnp.int32),
        pltpu.VMEM((CHUNK,), jnp.int32),
        pltpu.VMEM((CHUNK,), jnp.int32),
        pltpu.VMEM((CHUNK,), jnp.int32),
        pltpu.VMEM((CHUNK,), jnp.int32),
        pltpu.VMEM((CHUNK,), jnp.int32),
        pltpu.VMEM((CHUNK, H), jnp.float32),
        pltpu.VMEM((CHUNK, H), jnp.float32),
        pltpu.VMEM((CHUNK, H), jnp.float32),
        pltpu.VMEM_SHARED((AGG_ROWS, H), jnp.float32),
        pltpu.SemaphoreType.DMA,
        pltpu.SemaphoreType.DMA,
        pltpu.SemaphoreType.DMA,
        pltpu.SemaphoreType.DMA,
        pltpu.SemaphoreType.DMA,
        pltpu.SemaphoreType.DMA,
        pltpu.SemaphoreType.DMA,
        pltpu.SemaphoreType.DMA,
        pltpu.SemaphoreType.DMA,
    ],
)
def _sc_scatter(x_hbm, src_hbm, tgt_hbm, out_hbm,
                sidx0, sidx1, sidx2, tidx0, tidx1, tidx2,
                rows0_v, rows1_v, rows2_v, agg_sh,
                is0, is1, is2, it0, it1, it2, gs0, gs1, gs2):
    cid = lax.axis_index("c")
    sid = lax.axis_index("s")

    zz = jnp.zeros((16,), jnp.float32)

    def _zrow(i, _):
        r = i // 8
        c = (i % 8) * 16
        rows0_v[r, pl.ds(c, 16)] = zz
        return 0

    lax.fori_loop(0, CHUNK * 8, _zrow, 0)

    def _zcopy(k, _):
        pltpu.sync_copy(
            rows0_v,
            agg_sh.at[pl.ds(sid * ZROWS + k * CHUNK, CHUNK)],
        )
        return 0

    lax.fori_loop(0, ZROWS // CHUNK, _zcopy, 0)
    pltpu.sync_copy(
        rows0_v.at[pl.ds(0, ZROWS - (ZROWS // CHUNK) * CHUNK)],
        agg_sh.at[pl.ds(sid * ZROWS + (ZROWS // CHUNK) * CHUNK,
                        ZROWS - (ZROWS // CHUNK) * CHUNK)],
    )
    plsc.subcore_barrier()

    wid = cid * NS + sid
    nch = jnp.where(wid < NT - 1, CMAX, CLAST)
    ebase = wid * CMAX * CHUNK

    sidx = (sidx0, sidx1, sidx2)
    tidx = (tidx0, tidx1, tidx2)
    rows = (rows0_v, rows1_v, rows2_v)
    isem = (is0, is1, is2)
    item = (it0, it1, it2)
    gsem = (gs0, gs1, gs2)

    def idx_load(k, slot):
        pltpu.async_copy(
            src_hbm.at[pl.ds(ebase + k * CHUNK, CHUNK)], sidx[slot],
            isem[slot],
        )
        pltpu.async_copy(
            tgt_hbm.at[pl.ds(ebase + k * CHUNK, CHUNK)], tidx[slot],
            item[slot],
        )

    def idx_wait(which, slot):
        pltpu.make_async_copy(
            tgt_hbm.at[pl.ds(ebase, CHUNK)], which[0][slot], which[1][slot]
        ).wait()

    def gather(slot):
        pltpu.async_copy(x_hbm.at[sidx[slot]], rows[slot], gsem[slot])

    def gather_wait(slot):
        pltpu.make_async_copy(
            x_hbm.at[sidx[slot]], rows[slot], gsem[slot]
        ).wait()

    idx_load(0, 0)
    idx_load(1, 1)
    idx_load(2, 2)
    idx_wait((sidx, isem), 0)
    gather(0)
    idx_wait((sidx, isem), 1)
    gather(1)

    @pl.loop(0, nch - 2, step=3)
    def _edge(j):
        for p in range(3):
            k = j + p
            gather_wait(p)
            idx_wait((tidx, item), p)
            pltpu.sync_copy(rows[p], agg_sh.at[tidx[p]], add=True)

            @pl.when(k + 3 < nch)
            def _():
                idx_load(k + 3, p)

            q = (p + 2) % 3

            @pl.when(k + 2 < nch)
            def _():
                idx_wait((sidx, isem), q)
                gather(q)

    gather_wait(0)
    idx_wait((tidx, item), 0)
    pltpu.sync_copy(rows[0], agg_sh.at[tidx[0]], add=True)
    gather_wait(1)
    idx_wait((tidx, item), 1)
    pltpu.sync_copy(rows[1], agg_sh.at[tidx[1]], add=True)

    plsc.subcore_barrier()

    @pl.when(sid < NS - 1)
    def _():
        pltpu.sync_copy(
            agg_sh.at[pl.ds(sid * OROWS, OROWS)],
            out_hbm.at[cid, pl.ds(sid * OROWS, OROWS)],
        )

    @pl.when(sid == NS - 1)
    def _():
        pltpu.sync_copy(
            agg_sh.at[pl.ds((NS - 1) * OROWS, N - (NS - 1) * OROWS)],
            out_hbm.at[cid, pl.ds((NS - 1) * OROWS, N - (NS - 1) * OROWS)],
        )



def _proj_body(f_ref, w_ref, b_ref, o_ref):
    o_ref[...] = jnp.maximum(
        jnp.dot(f_ref[...], w_ref[...], preferred_element_type=jnp.float32)
        + b_ref[...],
        0.0,
    )


def _proj(f_atoms, W_in, b_in2):
    return pl.pallas_call(
        _proj_body,
        grid=(NB,),
        in_specs=[
            pl.BlockSpec((RB, H), lambda i: (i, 0)),
            pl.BlockSpec((H, H), lambda i: (0, 0)),
            pl.BlockSpec((1, H), lambda i: (0, 0)),
        ],
        out_specs=pl.BlockSpec((RB, H), lambda i: (i, 0)),
        out_shape=jax.ShapeDtypeStruct((N, H), jnp.float32),
    )(f_atoms, W_in, b_in2)


def _layer_body(a_ref, x_ref, w1_ref, b1_ref, w2_ref, b2_ref,
                ep_ref, g_ref, be_ref, xo_ref, h_sc, st_sc):
    p = pl.program_id(0)
    i = pl.program_id(1)

    @pl.when(p == 0)
    def _():
        out = a_ref[0] + a_ref[1] + ep_ref[0, 0] * x_ref[...]
        h1 = jnp.maximum(
            jnp.dot(out, w1_ref[...], preferred_element_type=jnp.float32)
            + b1_ref[...],
            0.0,
        )
        h = (
            jnp.dot(h1, w2_ref[...], preferred_element_type=jnp.float32)
            + b2_ref[...]
        )
        h_sc[pl.ds(i * RB, RB), :] = h

        @pl.when(i == 0)
        def _():
            st_sc[...] = jnp.zeros_like(st_sc)

        st_sc[0:1, :] += jnp.sum(h, axis=0, keepdims=True)
        st_sc[1:2, :] += jnp.sum(h * h, axis=0, keepdims=True)

    @pl.when(p == 1)
    def _():
        mu = st_sc[0:1, :] * (1.0 / N)
        var = st_sc[1:2, :] * (1.0 / N) - mu * mu
        inv = lax.rsqrt(var + BN_EPS_) * g_ref[...]
        h = h_sc[pl.ds(i * RB, RB), :]
        xo_ref[...] = jnp.maximum((h - mu) * inv + be_ref[...], 0.0)


def _layer(partials, x, W1l, b1l2, W2l, b2l2, ep11, gl2, bl2):
    blk = lambda p, i: (jnp.where(p == 0, i, NB - 1), 0)
    ablk = lambda p, i: (0, jnp.where(p == 0, i, NB - 1), 0)
    full = lambda p, i: (0, 0)
    return pl.pallas_call(
        _layer_body,
        grid=(2, NB),
        in_specs=[
            pl.BlockSpec((NC, RB, H), ablk),
            pl.BlockSpec((RB, H), blk),
            pl.BlockSpec((H, H), full),
            pl.BlockSpec((1, H), full),
            pl.BlockSpec((H, H), full),
            pl.BlockSpec((1, H), full),
            pl.BlockSpec(memory_space=pltpu.SMEM),
            pl.BlockSpec((1, H), full),
            pl.BlockSpec((1, H), full),
        ],
        out_specs=pl.BlockSpec((RB, H), lambda p, i: (i, 0)),
        out_shape=jax.ShapeDtypeStruct((N, H), jnp.float32),
        scratch_shapes=[
            pltpu.VMEM((N, H), jnp.float32),
            pltpu.VMEM((8, H), jnp.float32),
        ],
    )(partials, x, W1l, b1l2, W2l, b2l2, ep11, gl2, bl2)


def _pool_body(x_ref, gid_ref, mol_ref, sums_ref, cnts_ref):
    i = pl.program_id(0)

    @pl.when(i == 0)
    def _():
        sums_ref[...] = jnp.zeros_like(sums_ref)
        cnts_ref[...] = jnp.zeros_like(cnts_ref)
        mol_ref[...] = jnp.zeros_like(mol_ref)

    gid = gid_ref[0, 0, :]
    oh = (
        gid[:, None]
        == lax.broadcasted_iota(jnp.int32, (RB, G), 1)
    ).astype(jnp.float32)
    x = x_ref[...]
    sums_ref[...] += lax.dot_general(
        oh, x, (((0,), (0,)), ((), ())), preferred_element_type=jnp.float32
    )
    cnts_ref[...] += lax.dot_general(
        oh, jnp.ones((RB, H), jnp.float32), (((0,), (0,)), ((), ())),
        preferred_element_type=jnp.float32,
    )

    @pl.when(i == NB - 1)
    def _():
        mol_ref[...] = sums_ref[...] / jnp.maximum(cnts_ref[...], 1.0)


def _pool(x, gid3):
    return pl.pallas_call(
        _pool_body,
        grid=(NB,),
        in_specs=[
            pl.BlockSpec((RB, H), lambda i: (i, 0)),
            pl.BlockSpec((1, 1, RB), lambda i: (i, 0, 0)),
        ],
        out_specs=pl.BlockSpec((G, H), lambda i: (0, 0)),
        out_shape=jax.ShapeDtypeStruct((G, H), jnp.float32),
        scratch_shapes=[
            pltpu.VMEM((G, H), jnp.float32),
            pltpu.VMEM((G, H), jnp.float32),
        ],
    )(x, gid3)



def kernel(f_atoms, edge_index, graph_ids, W_in, b_in, W1, b1, W2, b2,
           gamma, beta, eps):
    src1 = edge_index[0].astype(jnp.int32)
    tgt1 = edge_index[1].astype(jnp.int32)
    gid3 = graph_ids.astype(jnp.int32).reshape(NB, 1, RB)

    x = _proj(f_atoms, W_in, b_in.reshape(1, H))
    for l in range(DEPTH_):
        partials = _sc_scatter(x, src1, tgt1)
        x = _layer(
            partials, x,
            W1[l], b1[l].reshape(1, H), W2[l], b2[l].reshape(1, H),
            (1.0 + eps[l]).reshape(1, 1),
            gamma[l].reshape(1, H), beta[l].reshape(1, H),
        )
    return _pool(x, gid3)

# --- scband reference (transcript-rebuilt; emitter-appended) ---
"""Pipeline reference for scband-ginencoder-15049565405786 (READ-ONLY COPY).

The authoritative reference and input builder live on the scoring server;
editing this copy changes nothing except your own understanding.
"""

import jax, jax.numpy as jnp
import numpy as np

N_NODES = 10000
N_EDGES = 320000
ATOM_FDIM = 128
HIDDEN = 128
DEPTH = 3
N_GRAPHS = 256
BN_EPS = 1e-5


def setup_inputs(seed: int = 0) -> dict:
    key = jax.random.key(seed)
    ks = jax.random.split(key, 12)
    f_atoms = jax.random.normal(ks[0], (N_NODES, ATOM_FDIM), dtype=jnp.float32)
    edge_index = jax.random.randint(ks[1], (2, N_EDGES), 0, N_NODES, dtype=jnp.int64)
    graph_ids = jnp.sort(jax.random.randint(ks[2], (N_NODES,), 0, N_GRAPHS, dtype=jnp.int64))
    s_in = 1.0 / np.sqrt(ATOM_FDIM)
    s_h = 1.0 / np.sqrt(HIDDEN)
    W_in = jax.random.uniform(ks[3], (ATOM_FDIM, HIDDEN), dtype=jnp.float32, minval=-s_in, maxval=s_in)
    b_in = jax.random.uniform(ks[4], (HIDDEN,), dtype=jnp.float32, minval=-s_in, maxval=s_in)
    W1 = jax.random.uniform(ks[5], (DEPTH, HIDDEN, HIDDEN), dtype=jnp.float32, minval=-s_h, maxval=s_h)
    b1 = jax.random.uniform(ks[6], (DEPTH, HIDDEN), dtype=jnp.float32, minval=-s_h, maxval=s_h)
    W2 = jax.random.uniform(ks[7], (DEPTH, HIDDEN, HIDDEN), dtype=jnp.float32, minval=-s_h, maxval=s_h)
    b2 = jax.random.uniform(ks[8], (DEPTH, HIDDEN), dtype=jnp.float32, minval=-s_h, maxval=s_h)
    gamma = jnp.ones((DEPTH, HIDDEN), dtype=jnp.float32)
    beta = jnp.zeros((DEPTH, HIDDEN), dtype=jnp.float32)
    eps = jnp.zeros((DEPTH,), dtype=jnp.float32)
    return {"f_atoms": f_atoms, "edge_index": edge_index, "graph_ids": graph_ids,
            "W_in": W_in, "b_in": b_in, "W1": W1, "b1": b1, "W2": W2, "b2": b2,
            "gamma": gamma, "beta": beta, "eps": eps}


def reference(f_atoms, edge_index, graph_ids, W_in, b_in, W1, b1, W2, b2, gamma, beta, eps):
    src = edge_index[0]
    tgt = edge_index[1]
    # input projection
    x = jax.nn.relu(f_atoms @ W_in + b_in)
    for l in range(DEPTH):
        # GIN aggregation: scatter-add of source features to target nodes
        agg = jnp.zeros_like(x).at[tgt].add(x[src])
        out = agg + (1.0 + eps[l]) * x
        # MLP: Linear -> ReLU -> Linear -> BatchNorm1d (training stats) -> ReLU
        h = jax.nn.relu(out @ W1[l] + b1[l])
        h = h @ W2[l] + b2[l]
        mu = jnp.mean(h, axis=0)
        var = jnp.var(h, axis=0)
        h = (h - mu) / jnp.sqrt(var + BN_EPS) * gamma[l] + beta[l]
        x = jax.nn.relu(h)
        # dropout p=0.0 -> identity
    # per-graph mean pooling (a_scope equivalent via segment ids)
    sums = jax.ops.segment_sum(x, graph_ids, num_segments=N_GRAPHS)
    counts = jax.ops.segment_sum(jnp.ones((x.shape[0],), dtype=x.dtype), graph_ids, num_segments=N_GRAPHS)
    mol_vecs = sums / jnp.maximum(counts, 1.0)[:, None]
    return mol_vecs

if __name__ == "__main__":
    import jax
    _d = setup_inputs()
    print(jax.jit(kernel)(*tuple(_d.values())))

</pallas_src>

<mosaic_0001>
#map = affine_map<(d0, d1) -> (0, 0)>
#map1 = affine_map<(d0, d1) -> (0)>
#map2 = affine_map<(d0, d1) -> (0, 0, 0)>
module attributes {stable_mosaic.version = 14 : i64} {
  func.func @_sc_scatter(%arg0: i32, %arg1: i32, %arg2: memref<10000x128xf32, #tpu.memory_space<hbm>>, %arg3: memref<320000xi32, #tpu.memory_space<hbm>>, %arg4: memref<320000xi32, #tpu.memory_space<hbm>>, %arg5: memref<2x10000x128xf32, #tpu.memory_space<hbm>>, %arg6: memref<128xi32, #tpu.memory_space<vmem>>, %arg7: memref<128xi32, #tpu.memory_space<vmem>>, %arg8: memref<128xi32, #tpu.memory_space<vmem>>, %arg9: memref<128xi32, #tpu.memory_space<vmem>>, %arg10: memref<128xi32, #tpu.memory_space<vmem>>, %arg11: memref<128xi32, #tpu.memory_space<vmem>>, %arg12: memref<128x128xf32, #tpu.memory_space<vmem>>, %arg13: memref<128x128xf32, #tpu.memory_space<vmem>>, %arg14: memref<128x128xf32, #tpu.memory_space<vmem>>, %arg15: memref<10112x128xf32, #tpu.memory_space<vmem_shared>>, %arg16: memref<!tpu.dma_semaphore, #tpu.memory_space<semaphore_mem>>, %arg17: memref<!tpu.dma_semaphore, #tpu.memory_space<semaphore_mem>>, %arg18: memref<!tpu.dma_semaphore, #tpu.memory_space<semaphore_mem>>, %arg19: memref<!tpu.dma_semaphore, #tpu.memory_space<semaphore_mem>>, %arg20: memref<!tpu.dma_semaphore, #tpu.memory_space<semaphore_mem>>, %arg21: memref<!tpu.dma_semaphore, #tpu.memory_space<semaphore_mem>>, %arg22: memref<!tpu.dma_semaphore, #tpu.memory_space<semaphore_mem>>, %arg23: memref<!tpu.dma_semaphore, #tpu.memory_space<semaphore_mem>>, %arg24: memref<!tpu.dma_semaphore, #tpu.memory_space<semaphore_mem>>) attributes {dimension_semantics = [#tpu.dimension_semantics<core_parallel>, #tpu.dimension_semantics<subcore_parallel>], iteration_bounds = array<i64: 2, 16>, scalar_prefetch = 0 : i64, scratch_operands = 19 : i64, tpu.core_type = #tpu.core_type<sc_vector_subcore>, window_params = [{transform_indices = #map}, {transform_indices = #map1}, {transform_indices = #map1}, {transform_indices = #map2}]} {
    %broadcast_in_dim3A = arith.constant 0.000000e+00 : f32
    %broadcast_in_dim3A_0 = vector.broadcast %broadcast_in_dim3A : f32 to vector<16xf32>
    %scan3A = arith.constant 0 : i32
    %scan3A_1 = arith.constant 0 : i32
    %scan3A_2 = arith.constant 1024 : i32
    %scan3A_3 = arith.addi %scan3A_1, %scan3A_2 : i32
    %scan3A_4 = arith.constant 1 : i32
    %scan3A_5 = scf.for %scan3A_93 = %scan3A_1 to %scan3A_3 step %scan3A_4 iter_args(%scan3A_94 = %scan3A) -> (i32)  : i32 {
      %jit3A_95 = arith.constant 8 : i32
      %div3A_96 = arith.divsi %scan3A_93, %jit3A_95 : i32
      %sign3A = arith.constant 0 : i32
      %sign3A_97 = arith.cmpi sgt, %scan3A_93, %sign3A : i32
      %sign3A_98 = arith.extui %sign3A_97 : i1 to i32
      %sign3A_99 = arith.constant 0 : i32
      %sign3A_100 = arith.cmpi slt, %scan3A_93, %sign3A_99 : i32
      %sign3A_101 = arith.extui %sign3A_100 : i1 to i32
      %sign3A_102 = arith.subi %sign3A_98, %sign3A_101 : i32
      %sign3A_103 = arith.constant 0 : i32
      %sign3A_104 = arith.cmpi sgt, %jit3A_95, %sign3A_103 : i32
      %sign3A_105 = arith.extui %sign3A_104 : i1 to i32
      %sign3A_106 = arith.constant 0 : i32
      %sign3A_107 = arith.cmpi slt, %jit3A_95, %sign3A_106 : i32
      %sign3A_108 = arith.extui %sign3A_107 : i1 to i32
      %sign3A_109 = arith.subi %sign3A_105, %sign3A_108 : i32
      %ne3A = arith.cmpi ne, %sign3A_102, %sign3A_109 : i32
      %rem3A = arith.remsi %scan3A_93, %jit3A_95 : i32
      %ne3A_110 = arith.constant 0 : i32
      %ne3A_111 = arith.cmpi ne, %rem3A, %ne3A_110 : i32
      %and3A = arith.andi %ne3A, %ne3A_111 : i1
      %sub3A_112 = arith.constant 1 : i32
      %sub3A_113 = arith.subi %div3A_96, %sub3A_112 : i32
      %select_n3A_114 = arith.select %and3A, %sub3A_113, %div3A_96 : i32
      %jit3A_115 = arith.constant 8 : i32
      %eq3A_116 = arith.constant 0 : i32
      %eq3A_117 = arith.cmpi eq, %jit3A_115, %eq3A_116 : i32
      %jit3A_118 = arith.constant 1 : i32
      %select_n3A_119 = arith.select %eq3A_117, %jit3A_118, %jit3A_115 : i32
      %rem3A_120 = arith.remsi %scan3A_93, %select_n3A_119 : i32
      %ne3A_121 = arith.constant 0 : i32
      %ne3A_122 = arith.cmpi ne, %rem3A_120, %ne3A_121 : i32
      %lt3A_123 = arith.constant 0 : i32
      %lt3A_124 = arith.cmpi slt, %rem3A_120, %lt3A_123 : i32
      %lt3A_125 = arith.constant 0 : i32
      %lt3A_126 = arith.cmpi slt, %select_n3A_119, %lt3A_125 : i32
      %ne3A_127 = arith.xori %lt3A_124, %lt3A_126 : i1
      %and3A_128 = arith.andi %ne3A_127, %ne3A_122 : i1
      %add3A_129 = arith.addi %rem3A_120, %select_n3A_119 : i32
      %select_n3A_130 = arith.select %and3A_128, %add3A_129, %rem3A_120 : i32
      %mul3A_131 = arith.constant 16 : i32
      %mul3A_132 = arith.muli %select_n3A_130, %mul3A_131 : i32
      %swap3A = arith.index_cast %select_n3A_114 : i32 to index
      %swap3A_133 = arith.index_cast %mul3A_132 : i32 to index
      %swap3A_134 = tpu.vector_load %arg12[%swap3A, %swap3A_133] {strides = array<i32>} : memref<128x128xf32, #tpu.memory_space<vmem>>, vector<1x16xf32>,
      %swap3A_135 = vector.shape_cast %swap3A_134 : vector<1x16xf32> to vector<16xf32>
      %swap3A_136 = vector.shape_cast %broadcast_in_dim3A_0 : vector<16xf32> to vector<1x16xf32>
      tpu.vector_store %arg12[%swap3A, %swap3A_133], %swap3A_136 {strides = array<i32>} : memref<128x128xf32, #tpu.memory_space<vmem>>, vector<1x16xf32>,
      %scan3A_137 = arith.constant 0 : i32
      scf.yield %scan3A_137 : i32
    }
    %scan3A_6 = arith.constant 1024 : i32
    %scan3A_7 = arith.constant 0 : i32
    %scan3A_8 = arith.constant 0 : i32
    %scan3A_9 = arith.constant 4 : i32
    %scan3A_10 = arith.addi %scan3A_8, %scan3A_9 : i32
    %scan3A_11 = arith.constant 1 : i32
    %scan3A_12 = scf.for %scan3A_93 = %scan3A_8 to %scan3A_10 step %scan3A_11 iter_args(%scan3A_94 = %scan3A_7) -> (i32)  : i32 {
      %mul3A_95 = arith.constant 632 : i32
      %mul3A_96 = arith.muli %arg1, %mul3A_95 : i32
      %mul3A_97 = arith.constant 128 : i32
      %mul3A_98 = arith.muli %scan3A_93, %mul3A_97 : i32
      %add3A_99 = arith.addi %mul3A_96, %mul3A_98 : i32
      "tpu.region"() ({
        %run_scoped3A = tpu.sem_alloc : memref<!tpu.dma_semaphore, #tpu.memory_space<semaphore_mem>>
        %dma_start3A_101 = arith.constant 0 : i32
        %dma_start3A_102 = tpu.memref_slice %arg15[%add3A_99, %dma_start3A_101] : memref<10112x128xf32, #tpu.memory_space<vmem_shared>> -> memref<128x128xf32, #tpu.memory_space<vmem_shared>>
        %dma_start3A_103 = arith.constant 0 : i32
        %dma_start3A_104 = tpu.memref_slice %arg15[%add3A_99, %dma_start3A_103] : memref<10112x128xf32, #tpu.memory_space<vmem_shared>> -> memref<128x128xf32, #tpu.memory_space<vmem_shared>>
        tpu.enqueue_dma source(%arg12 : memref<128x128xf32, #tpu.memory_space<vmem>>) target(%dma_start3A_104 : memref<128x128xf32, #tpu.memory_space<vmem_shared>>) target_semaphore(%run_scoped3A : memref<!tpu.dma_semaphore, #tpu.memory_space<semaphore_mem>>)
        %dma_wait3A_105 = arith.constant 0 : i32
        %dma_wait3A_106 = tpu.memref_slice %arg15[%add3A_99, %dma_wait3A_105] : memref<10112x128xf32, #tpu.memory_space<vmem_shared>> -> memref<128x128xf32, #tpu.memory_space<vmem_shared>>
        %dma_wait3A_107 = arith.constant 0 : i32
        %dma_wait3A_108 = tpu.memref_slice %arg15[%add3A_99, %dma_wait3A_107] : memref<10112x128xf32, #tpu.memory_space<vmem_shared>> -> memref<128x128xf32, #tpu.memory_space<vmem_shared>>
        tpu.wait_dma2 semaphore(%run_scoped3A : memref<!tpu.dma_semaphore, #tpu.memory_space<semaphore_mem>>) src(%arg12 : memref<128x128xf32, #tpu.memory_space<vmem>>) dst(%dma_wait3A_108 : memref<128x128xf32, #tpu.memory_space<vmem_shared>>)
        tpu.yield
      }) : () -> ()
      %scan3A_100 = arith.constant 0 : i32
      scf.yield %scan3A_100 : i32
    }
    %scan3A_13 = arith.constant 4 : i32
    %mul3A = arith.constant 632 : i32
    %mul3A_14 = arith.muli %arg1, %mul3A : i32
    %add3A = arith.constant 512 : i32
    %add3A_15 = arith.addi %mul3A_14, %add3A : i32
    "tpu.region"() ({
      %run_scoped3A = tpu.sem_alloc : memref<!tpu.dma_semaphore, #tpu.memory_space<semaphore_mem>>
      %dma_start3A_93 = arith.constant 0 : i32
      %dma_start3A_94 = arith.constant 0 : i32
      %dma_start3A_95 = tpu.memref_slice %arg12[%dma_start3A_93, %dma_start3A_94] : memref<128x128xf32, #tpu.memory_space<vmem>> -> memref<120x128xf32, #tpu.memory_space<vmem>>
      %dma_start3A_96 = arith.constant 0 : i32
      %dma_start3A_97 = tpu.memref_slice %arg15[%add3A_15, %dma_start3A_96] : memref<10112x128xf32, #tpu.memory_space<vmem_shared>> -> memref<120x128xf32, #tpu.memory_space<vmem_shared>>
      %dma_start3A_98 = arith.constant 0 : i32
      %dma_start3A_99 = tpu.memref_slice %arg15[%add3A_15, %dma_start3A_98] : memref<10112x128xf32, #tpu.memory_space<vmem_shared>> -> memref<120x128xf32, #tpu.memory_space<vmem_shared>>
      %dma_start3A_100 = arith.constant 0 : i32
      %dma_start3A_101 = arith.constant 0 : i32
      %dma_start3A_102 = tpu.memref_slice %arg12[%dma_start3A_100, %dma_start3A_101] : memref<128x128xf32, #tpu.memory_space<vmem>> -> memref<120x128xf32, #tpu.memory_space<vmem>>
      tpu.enqueue_dma source(%dma_start3A_102 : memref<120x128xf32, #tpu.memory_space<vmem>>) target(%dma_start3A_99 : memref<120x128xf32, #tpu.memory_space<vmem_shared>>) target_semaphore(%run_scoped3A : memref<!tpu.dma_semaphore, #tpu.memory_space<semaphore_mem>>)
      %dma_wait3A_103 = arith.constant 0 : i32
      %dma_wait3A_104 = arith.constant 0 : i32
      %dma_wait3A_105 = tpu.memref_slice %arg12[%dma_wait3A_103, %dma_wait3A_104] : memref<128x128xf32, #tpu.memory_space<vmem>> -> memref<120x128xf32, #tpu.memory_space<vmem>>
      %dma_wait3A_106 = arith.constant 0 : i32
      %dma_wait3A_107 = tpu.memref_slice %arg15[%add3A_15, %dma_wait3A_106] : memref<10112x128xf32, #tpu.memory_space<vmem_shared>> -> memref<120x128xf32, #tpu.memory_space<vmem_shared>>
      %dma_wait3A_108 = arith.constant 0 : i32
      %dma_wait3A_109 = tpu.memref_slice %arg15[%add3A_15, %dma_wait3A_108] : memref<10112x128xf32, #tpu.memory_space<vmem_shared>> -> memref<120x128xf32, #tpu.memory_space<vmem_shared>>
      %dma_wait3A_110 = arith.constant 0 : i32
      %dma_wait3A_111 = arith.constant 0 : i32
      %dma_wait3A_112 = tpu.memref_slice %arg12[%dma_wait3A_110, %dma_wait3A_111] : memref<128x128xf32, #tpu.memory_space<vmem>> -> memref<120x128xf32, #tpu.memory_space<vmem>>
      tpu.wait_dma2 semaphore(%run_scoped3A : memref<!tpu.dma_semaphore, #tpu.memory_space<semaphore_mem>>) src(%dma_wait3A_112 : memref<120x128xf32, #tpu.memory_space<vmem>>) dst(%dma_wait3A_109 : memref<120x128xf32, #tpu.memory_space<vmem_shared>>)
      tpu.yield
    }) : () -> ()
    %barrier3A = arith.constant 0 : index
    tpu.barrier barrier_id(%barrier3A)
    %mul3A_16 = arith.constant 16 : i32
    %mul3A_17 = arith.muli %arg0, %mul3A_16 : i32
    %add3A_18 = arith.addi %mul3A_17, %arg1 : i32
    %lt3A = arith.constant 31 : i32
    %lt3A_19 = arith.cmpi slt, %add3A_18, %lt3A : i32
    %jit3A = arith.constant 80 : i32
    %jit3A_20 = arith.constant 20 : i32
    %select_n3A = arith.select %lt3A_19, %jit3A, %jit3A_20 : i32
    %mul3A_21 = arith.constant 80 : i32
    %mul3A_22 = arith.muli %add3A_18, %mul3A_21 : i32
    %mul3A_23 = arith.constant 128 : i32
    %mul3A_24 = arith.muli %mul3A_22, %mul3A_23 : i32
    %add3A_25 = arith.constant 0 : i32
    %add3A_26 = arith.addi %mul3A_24, %add3A_25 : i32
    %dma_start3A = tpu.memref_slice %arg3[%add3A_26] : memref<320000xi32, #tpu.memory_space<hbm>> -> memref<128xi32, #tpu.memory_space<hbm>>
    %dma_start3A_27 = tpu.memref_slice %arg3[%add3A_26] : memref<320000xi32, #tpu.memory_space<hbm>> -> memref<128xi32, #tpu.memory_space<hbm>>
    tpu.enqueue_dma source(%dma_start3A_27 : memref<128xi32, #tpu.memory_space<hbm>>) target(%arg6 : memref<128xi32, #tpu.memory_space<vmem>>) target_semaphore(%arg16 : memref<!tpu.dma_semaphore, #tpu.memory_space<semaphore_mem>>)
    %add3A_28 = arith.constant 0 : i32
    %add3A_29 = arith.addi %mul3A_24, %add3A_28 : i32
    %dma_start3A_30 = tpu.memref_slice %arg4[%add3A_29] : memref<320000xi32, #tpu.memory_space<hbm>> -> memref<128xi32, #tpu.memory_space<hbm>>
    %dma_start3A_31 = tpu.memref_slice %arg4[%add3A_29] : memref<320000xi32, #tpu.memory_space<hbm>> -> memref<128xi32, #tpu.memory_space<hbm>>
    tpu.enqueue_dma source(%dma_start3A_31 : memref<128xi32, #tpu.memory_space<hbm>>) target(%arg9 : memref<128xi32, #tpu.memory_space<vmem>>) target_semaphore(%arg19 : memref<!tpu.dma_semaphore, #tpu.memory_space<semaphore_mem>>)
    %add3A_32 = arith.constant 128 : i32
    %add3A_33 = arith.addi %mul3A_24, %add3A_32 : i32
    %dma_start3A_34 = tpu.memref_slice %arg3[%add3A_33] : memref<320000xi32, #tpu.memory_space<hbm>> -> memref<128xi32, #tpu.memory_space<hbm>>
    %dma_start3A_35 = tpu.memref_slice %arg3[%add3A_33] : memref<320000xi32, #tpu.memory_space<hbm>> -> memref<128xi32, #tpu.memory_space<hbm>>
    tpu.enqueue_dma source(%dma_start3A_35 : memref<128xi32, #tpu.memory_space<hbm>>) target(%arg7 : memref<128xi32, #tpu.memory_space<vmem>>) target_semaphore(%arg17 : memref<!tpu.dma_semaphore, #tpu.memory_space<semaphore_mem>>)
    %add3A_36 = arith.constant 128 : i32
    %add3A_37 = arith.addi %mul3A_24, %add3A_36 : i32
    %dma_start3A_38 = tpu.memref_slice %arg4[%add3A_37] : memref<320000xi32, #tpu.memory_space<hbm>> -> memref<128xi32, #tpu.memory_space<hbm>>
    %dma_start3A_39 = tpu.memref_slice %arg4[%add3A_37] : memref<320000xi32, #tpu.memory_space<hbm>> -> memref<128xi32, #tpu.memory_space<hbm>>
    tpu.enqueue_dma source(%dma_start3A_39 : memref<128xi32, #tpu.memory_space<hbm>>) target(%arg10 : memref<128xi32, #tpu.memory_space<vmem>>) target_semaphore(%arg20 : memref<!tpu.dma_semaphore, #tpu.memory_space<semaphore_mem>>)
    %add3A_40 = arith.constant 256 : i32
    %add3A_41 = arith.addi %mul3A_24, %add3A_40 : i32
    %dma_start3A_42 = tpu.memref_slice %arg3[%add3A_41] : memref<320000xi32, #tpu.memory_space<hbm>> -> memref<128xi32, #tpu.memory_space<hbm>>
    %dma_start3A_43 = tpu.memref_slice %arg3[%add3A_41] : memref<320000xi32, #tpu.memory_space<hbm>> -> memref<128xi32, #tpu.memory_space<hbm>>
    tpu.enqueue_dma source(%dma_start3A_43 : memref<128xi32, #tpu.memory_space<hbm>>) target(%arg8 : memref<128xi32, #tpu.memory_space<vmem>>) target_semaphore(%arg18 : memref<!tpu.dma_semaphore, #tpu.memory_space<semaphore_mem>>)
    %add3A_44 = arith.constant 256 : i32
    %add3A_45 = arith.addi %mul3A_24, %add3A_44 : i32
    %dma_start3A_46 = tpu.memref_slice %arg4[%add3A_45] : memref<320000xi32, #tpu.memory_space<hbm>> -> memref<128xi32, #tpu.memory_space<hbm>>
    %dma_start3A_47 = tpu.memref_slice %arg4[%add3A_45] : memref<320000xi32, #tpu.memory_space<hbm>> -> memref<128xi32, #tpu.memory_space<hbm>>
    tpu.enqueue_dma source(%dma_start3A_47 : memref<128xi32, #tpu.memory_space<hbm>>) target(%arg11 : memref<128xi32, #tpu.memory_space<vmem>>) target_semaphore(%arg21 : memref<!tpu.dma_semaphore, #tpu.memory_space<semaphore_mem>>)
    %dma_wait3A = tpu.memref_slice %arg4[%mul3A_24] : memref<320000xi32, #tpu.memory_space<hbm>> -> memref<128xi32, #tpu.memory_space<hbm>>
    %dma_wait3A_48 = tpu.memref_slice %arg4[%mul3A_24] : memref<320000xi32, #tpu.memory_space<hbm>> -> memref<128xi32, #tpu.memory_space<hbm>>
    tpu.wait_dma2 semaphore(%arg16 : memref<!tpu.dma_semaphore, #tpu.memory_space<semaphore_mem>>) src(%dma_wait3A_48 : memref<128xi32, #tpu.memory_space<hbm>>) dst(%arg6 : memref<128xi32, #tpu.memory_space<vmem>>)
    %dma_start3A_49 = arith.constant 0 : i32
    %dma_start3A_50 = arith.constant 0 : i32
    %dma_start3A_51 = tpu.memref_slice %arg2[%dma_start3A_49, %dma_start3A_50] : memref<10000x128xf32, #tpu.memory_space<hbm>> -> memref<10000x128xf32, #tpu.memory_space<hbm>>
    tpu.enqueue_indirect_dma source(%dma_start3A_51 : memref<10000x128xf32, #tpu.memory_space<hbm>>) target(%arg12 : memref<128x128xf32, #tpu.memory_space<vmem>>) offsets(%arg6 : memref<128xi32, #tpu.memory_space<vmem>>) semaphore(%arg22 : memref<!tpu.dma_semaphore, #tpu.memory_space<semaphore_mem>>)
    %dma_wait3A_52 = tpu.memref_slice %arg4[%mul3A_24] : memref<320000xi32, #tpu.memory_space<hbm>> -> memref<128xi32, #tpu.memory_space<hbm>>
    %dma_wait3A_53 = tpu.memref_slice %arg4[%mul3A_24] : memref<320000xi32, #tpu.memory_space<hbm>> -> memref<128xi32, #tpu.memory_space<hbm>>
    tpu.wait_dma2 semaphore(%arg17 : memref<!tpu.dma_semaphore, #tpu.memory_space<semaphore_mem>>) src(%dma_wait3A_53 : memref<128xi32, #tpu.memory_space<hbm>>) dst(%arg7 : memref<128xi32, #tpu.memory_space<vmem>>)
    %dma_start3A_54 = arith.constant 0 : i32
    %dma_start3A_55 = arith.constant 0 : i32
    %dma_start3A_56 = tpu.memref_slice %arg2[%dma_start3A_54, %dma_start3A_55] : memref<10000x128xf32, #tpu.memory_space<hbm>> -> memref<10000x128xf32, #tpu.memory_space<hbm>>
    tpu.enqueue_indirect_dma source(%dma_start3A_56 : memref<10000x128xf32, #tpu.memory_space<hbm>>) target(%arg13 : memref<128x128xf32, #tpu.memory_space<vmem>>) offsets(%arg7 : memref<128xi32, #tpu.memory_space<vmem>>) semaphore(%arg23 : memref<!tpu.dma_semaphore, #tpu.memory_space<semaphore_mem>>)
    %sub3A = arith.constant 2 : i32
    %sub3A_57 = arith.subi %select_n3A, %sub3A : i32
    %sub3A_58 = arith.constant 0 : i32
    %sub3A_59 = arith.subi %sub3A_57, %sub3A_58 : i32
    %sub3A_60 = arith.constant 3 : i32
    %sub3A_61 = arith.constant 1 : i32
    %sub3A_62 = arith.subi %sub3A_60, %sub3A_61 : i32
    %add3A_63 = arith.addi %sub3A_59, %sub3A_62 : i32
    %div3A = arith.constant 3 : i32
    %div3A_64 = arith.divsi %add3A_63, %div3A : i32
    %while3A = arith.constant 3 : i32
    %while3A_65 = arith.constant 0 : i32
    %while3A_66 = arith.constant 0 : i32
    %while3A_67 = arith.subi %div3A_64, %while3A_66 : i32
    %while3A_68 = arith.addi %while3A_66, %while3A_67 : i32
    %while3A_69 = arith.constant 1 : i32
    %while3A_70 = arith.divsi %while3A_67, %while3A_69 : i32
    %while3A_71 = arith.muli %while3A_70, %while3A_69 : i32
    %while3A_72 = arith.addi %while3A_66, %while3A_71 : i32
    %while3A_73 = arith.constant 1 : i32
    scf.for %while3A_93 = %while3A_66 to %while3A_72 step %while3A_73  : i32 {
      %mul3A_94 = arith.muli %while3A_93, %while3A : i32
      %add3A_95 = arith.addi %while3A_65, %mul3A_94 : i32
      %add3A_96 = arith.constant 0 : i32
      %add3A_97 = arith.addi %add3A_95, %add3A_96 : i32
      %dma_wait3A_98 = arith.constant 0 : i32
      %dma_wait3A_99 = arith.constant 0 : i32
      %dma_wait3A_100 = tpu.memref_slice %arg2[%dma_wait3A_98, %dma_wait3A_99] : memref<10000x128xf32, #tpu.memory_space<hbm>> -> memref<10000x128xf32, #tpu.memory_space<hbm>>
      tpu.wait_indirect_dma semaphore(%arg22 : memref<!tpu.dma_semaphore, #tpu.memory_space<semaphore_mem>>) src(%dma_wait3A_100 : memref<10000x128xf32, #tpu.memory_space<hbm>>) dst(%arg12 : memref<128x128xf32, #tpu.memory_space<vmem>>)
      %dma_wait3A_101 = tpu.memref_slice %arg4[%mul3A_24] : memref<320000xi32, #tpu.memory_space<hbm>> -> memref<128xi32, #tpu.memory_space<hbm>>
      %dma_wait3A_102 = tpu.memref_slice %arg4[%mul3A_24] : memref<320000xi32, #tpu.memory_space<hbm>> -> memref<128xi32, #tpu.memory_space<hbm>>
      tpu.wait_dma2 semaphore(%arg19 : memref<!tpu.dma_semaphore, #tpu.memory_space<semaphore_mem>>) src(%dma_wait3A_102 : memref<128xi32, #tpu.memory_space<hbm>>) dst(%arg9 : memref<128xi32, #tpu.memory_space<vmem>>)
      "tpu.region"() ({
        %run_scoped3A = tpu.sem_alloc : memref<!tpu.dma_semaphore, #tpu.memory_space<semaphore_mem>>
        %dma_start3A_153 = arith.constant 0 : i32
        %dma_start3A_154 = arith.constant 0 : i32
        %dma_start3A_155 = tpu.memref_slice %arg15[%dma_start3A_153, %dma_start3A_154] : memref<10112x128xf32, #tpu.memory_space<vmem_shared>> -> memref<10112x128xf32, #tpu.memory_space<vmem_shared>>
        tpu.enqueue_indirect_dma source(%arg12 : memref<128x128xf32, #tpu.memory_space<vmem>>) target(%dma_start3A_155 : memref<10112x128xf32, #tpu.memory_space<vmem_shared>>) offsets(%arg9 : memref<128xi32, #tpu.memory_space<vmem>>) semaphore(%run_scoped3A : memref<!tpu.dma_semaphore, #tpu.memory_space<semaphore_mem>>) {add = true}
        %dma_wait3A_156 = arith.constant 0 : i32
        %dma_wait3A_157 = arith.constant 0 : i32
        %dma_wait3A_158 = tpu.memref_slice %arg15[%dma_wait3A_156, %dma_wait3A_157] : memref<10112x128xf32, #tpu.memory_space<vmem_shared>> -> memref<10112x128xf32, #tpu.memory_space<vmem_shared>>
        tpu.wait_indirect_dma semaphore(%run_scoped3A : memref<!tpu.dma_semaphore, #tpu.memory_space<semaphore_mem>>) src(%arg12 : memref<128x128xf32, #tpu.memory_space<vmem>>) dst(%dma_wait3A_158 : memref<10112x128xf32, #tpu.memory_space<vmem_shared>>)
        tpu.yield
      }) : () -> ()
      %add3A_103 = arith.constant 3 : i32
      %add3A_104 = arith.addi %add3A_97, %add3A_103 : i32
      %lt3A_105 = arith.cmpi slt, %add3A_104, %select_n3A : i32
      %convert_element_type3A_106 = arith.extui %lt3A_105 : i1 to i32
      %cond3A_107 = arith.constant 0 : i32
      %cond3A_108 = arith.cmpi ne, %convert_element_type3A_106, %cond3A_107 : i32
      scf.if %cond3A_108 {
        %add3A_153 = arith.constant 3 : i32
        %add3A_154 = arith.addi %add3A_97, %add3A_153 : i32
        %mul3A_155 = arith.constant 128 : i32
        %mul3A_156 = arith.muli %add3A_154, %mul3A_155 : i32
        %add3A_157 = arith.addi %mul3A_24, %mul3A_156 : i32
        %dma_start3A_158 = tpu.memref_slice %arg3[%add3A_157] : memref<320000xi32, #tpu.memory_space<hbm>> -> memref<128xi32, #tpu.memory_space<hbm>>
        %dma_start3A_159 = tpu.memref_slice %arg3[%add3A_157] : memref<320000xi32, #tpu.memory_space<hbm>> -> memref<128xi32, #tpu.memory_space<hbm>>
        tpu.enqueue_dma source(%dma_start3A_159 : memref<128xi32, #tpu.memory_space<hbm>>) target(%arg6 : memref<128xi32, #tpu.memory_space<vmem>>) target_semaphore(%arg16 : memref<!tpu.dma_semaphore, #tpu.memory_space<semaphore_mem>>)
        %mul3A_160 = arith.constant 128 : i32
        %mul3A_161 = arith.muli %add3A_154, %mul3A_160 : i32
        %add3A_162 = arith.addi %mul3A_24, %mul3A_161 : i32
        %dma_start3A_163 = tpu.memref_slice %arg4[%add3A_162] : memref<320000xi32, #tpu.memory_space<hbm>> -> memref<128xi32, #tpu.memory_space<hbm>>
        %dma_start3A_164 = tpu.memref_slice %arg4[%add3A_162] : memref<320000xi32, #tpu.memory_space<hbm>> -> memref<128xi32, #tpu.memory_space<hbm>>
        tpu.enqueue_dma source(%dma_start3A_164 : memref<128xi32, #tpu.memory_space<hbm>>) target(%arg9 : memref<128xi32, #tpu.memory_space<vmem>>) target_semaphore(%arg19 : memref<!tpu.dma_semaphore, #tpu.memory_space<semaphore_mem>>)
      } else {
      }
      %add3A_109 = arith.constant 2 : i32
      %add3A_110 = arith.addi %add3A_97, %add3A_109 : i32
      %lt3A_111 = arith.cmpi slt, %add3A_110, %select_n3A : i32
      %convert_element_type3A_112 = arith.extui %lt3A_111 : i1 to i32
      %cond3A_113 = arith.constant 0 : i32
      %cond3A_114 = arith.cmpi ne, %convert_element_type3A_112, %cond3A_113 : i32
      scf.if %cond3A_114 {
        %dma_wait3A_153 = tpu.memref_slice %arg4[%mul3A_24] : memref<320000xi32, #tpu.memory_space<hbm>> -> memref<128xi32, #tpu.memory_space<hbm>>
        %dma_wait3A_154 = tpu.memref_slice %arg4[%mul3A_24] : memref<320000xi32, #tpu.memory_space<hbm>> -> memref<128xi32, #tpu.memory_space<hbm>>
        tpu.wait_dma2 semaphore(%arg18 : memref<!tpu.dma_semaphore, #tpu.memory_space<semaphore_mem>>) src(%dma_wait3A_154 : memref<128xi32, #tpu.memory_space<hbm>>) dst(%arg8 : memref<128xi32, #tpu.memory_space<vmem>>)
        %dma_start3A_155 = arith.constant 0 : i32
        %dma_start3A_156 = arith.constant 0 : i32
        %dma_start3A_157 = tpu.memref_slice %arg2[%dma_start3A_155, %dma_start3A_156] : memref<10000x128xf32, #tpu.memory_space<hbm>> -> memref<10000x128xf32, #tpu.memory_space<hbm>>
        tpu.enqueue_indirect_dma source(%dma_start3A_157 : memref<10000x128xf32, #tpu.memory_space<hbm>>) target(%arg14 : memref<128x128xf32, #tpu.memory_space<vmem>>) offsets(%arg8 : memref<128xi32, #tpu.memory_space<vmem>>) semaphore(%arg24 : memref<!tpu.dma_semaphore, #tpu.memory_space<semaphore_mem>>)
      } else {
      }
      %add3A_115 = arith.constant 1 : i32
      %add3A_116 = arith.addi %add3A_95, %add3A_115 : i32
      %dma_wait3A_117 = arith.constant 0 : i32
      %dma_wait3A_118 = arith.constant 0 : i32
      %dma_wait3A_119 = tpu.memref_slice %arg2[%dma_wait3A_117, %dma_wait3A_118] : memref<10000x128xf32, #tpu.memory_space<hbm>> -> memref<10000x128xf32, #tpu.memory_space<hbm>>
      tpu.wait_indirect_dma semaphore(%arg23 : memref<!tpu.dma_semaphore, #tpu.memory_space<semaphore_mem>>) src(%dma_wait3A_119 : memref<10000x128xf32, #tpu.memory_space<hbm>>) dst(%arg13 : memref<128x128xf32, #tpu.memory_space<vmem>>)
      %dma_wait3A_120 = tpu.memref_slice %arg4[%mul3A_24] : memref<320000xi32, #tpu.memory_space<hbm>> -> memref<128xi32, #tpu.memory_space<hbm>>
      %dma_wait3A_121 = tpu.memref_slice %arg4[%mul3A_24] : memref<320000xi32, #tpu.memory_space<hbm>> -> memref<128xi32, #tpu.memory_space<hbm>>
      tpu.wait_dma2 semaphore(%arg20 : memref<!tpu.dma_semaphore, #tpu.memory_space<semaphore_mem>>) src(%dma_wait3A_121 : memref<128xi32, #tpu.memory_space<hbm>>) dst(%arg10 : memref<128xi32, #tpu.memory_space<vmem>>)
      "tpu.region"() ({
        %run_scoped3A = tpu.sem_alloc : memref<!tpu.dma_semaphore, #tpu.memory_space<semaphore_mem>>
        %dma_start3A_153 = arith.constant 0 : i32
        %dma_start3A_154 = arith.constant 0 : i32
        %dma_start3A_155 = tpu.memref_slice %arg15[%dma_start3A_153, %dma_start3A_154] : memref<10112x128xf32, #tpu.memory_space<vmem_shared>> -> memref<10112x128xf32, #tpu.memory_space<vmem_shared>>
        tpu.enqueue_indirect_dma source(%arg13 : memref<128x128xf32, #tpu.memory_space<vmem>>) target(%dma_start3A_155 : memref<10112x128xf32, #tpu.memory_space<vmem_shared>>) offsets(%arg10 : memref<128xi32, #tpu.memory_space<vmem>>) semaphore(%run_scoped3A : memref<!tpu.dma_semaphore, #tpu.memory_space<semaphore_mem>>) {add = true}
        %dma_wait3A_156 = arith.constant 0 : i32
        %dma_wait3A_157 = arith.constant 0 : i32
        %dma_wait3A_158 = tpu.memref_slice %arg15[%dma_wait3A_156, %dma_wait3A_157] : memref<10112x128xf32, #tpu.memory_space<vmem_shared>> -> memref<10112x128xf32, #tpu.memory_space<vmem_shared>>
        tpu.wait_indirect_dma semaphore(%run_scoped3A : memref<!tpu.dma_semaphore, #tpu.memory_space<semaphore_mem>>) src(%arg13 : memref<128x128xf32, #tpu.memory_space<vmem>>) dst(%dma_wait3A_158 : memref<10112x128xf32, #tpu.memory_space<vmem_shared>>)
        tpu.yield
      }) : () -> ()
      %add3A_122 = arith.constant 3 : i32
      %add3A_123 = arith.addi %add3A_116, %add3A_122 : i32
      %lt3A_124 = arith.cmpi slt, %add3A_123, %select_n3A : i32
      %convert_element_type3A_125 = arith.extui %lt3A_124 : i1 to i32
      %cond3A_126 = arith.constant 0 : i32
      %cond3A_127 = arith.cmpi ne, %convert_element_type3A_125, %cond3A_126 : i32
      scf.if %cond3A_127 {
        %add3A_153 = arith.constant 3 : i32
        %add3A_154 = arith.addi %add3A_116, %add3A_153 : i32
        %mul3A_155 = arith.constant 128 : i32
        %mul3A_156 = arith.muli %add3A_154, %mul3A_155 : i32
        %add3A_157 = arith.addi %mul3A_24, %mul3A_156 : i32
        %dma_start3A_158 = tpu.memref_slice %arg3[%add3A_157] : memref<320000xi32, #tpu.memory_space<hbm>> -> memref<128xi32, #tpu.memory_space<hbm>>
        %dma_start3A_159 = tpu.memref_slice %arg3[%add3A_157] : memref<320000xi32, #tpu.memory_space<hbm>> -> memref<128xi32, #tpu.memory_space<hbm>>
        tpu.enqueue_dma source(%dma_start3A_159 : memref<128xi32, #tpu.memory_space<hbm>>) target(%arg7 : memref<128xi32, #tpu.memory_space<vmem>>) target_semaphore(%arg17 : memref<!tpu.dma_semaphore, #tpu.memory_space<semaphore_mem>>)
        %mul3A_160 = arith.constant 128 : i32
        %mul3A_161 = arith.muli %add3A_154, %mul3A_160 : i32
        %add3A_162 = arith.addi %mul3A_24, %mul3A_161 : i32
        %dma_start3A_163 = tpu.memref_slice %arg4[%add3A_162] : memref<320000xi32, #tpu.memory_space<hbm>> -> memref<128xi32, #tpu.memory_space<hbm>>
        %dma_start3A_164 = tpu.memref_slice %arg4[%add3A_162] : memref<320000xi32, #tpu.memory_space<hbm>> -> memref<128xi32, #tpu.memory_space<hbm>>
        tpu.enqueue_dma source(%dma_start3A_164 : memref<128xi32, #tpu.memory_space<hbm>>) target(%arg10 : memref<128xi32, #tpu.memory_space<vmem>>) target_semaphore(%arg20 : memref<!tpu.dma_semaphore, #tpu.memory_space<semaphore_mem>>)
      } else {
      }
      %add3A_128 = arith.constant 2 : i32
      %add3A_129 = arith.addi %add3A_116, %add3A_128 : i32
      %lt3A_130 = arith.cmpi slt, %add3A_129, %select_n3A : i32
      %convert_element_type3A_131 = arith.extui %lt3A_130 : i1 to i32
      %cond3A_132 = arith.constant 0 : i32
      %cond3A_133 = arith.cmpi ne, %convert_element_type3A_131, %cond3A_132 : i32
      scf.if %cond3A_133 {
        %dma_wait3A_153 = tpu.memref_slice %arg4[%mul3A_24] : memref<320000xi32, #tpu.memory_space<hbm>> -> memref<128xi32, #tpu.memory_space<hbm>>
        %dma_wait3A_154 = tpu.memref_slice %arg4[%mul3A_24] : memref<320000xi32, #tpu.memory_space<hbm>> -> memref<128xi32, #tpu.memory_space<hbm>>
        tpu.wait_dma2 semaphore(%arg16 : memref<!tpu.dma_semaphore, #tpu.memory_space<semaphore_mem>>) src(%dma_wait3A_154 : memref<128xi32, #tpu.memory_space<hbm>>) dst(%arg6 : memref<128xi32, #tpu.memory_space<vmem>>)
        %dma_start3A_155 = arith.constant 0 : i32
        %dma_start3A_156 = arith.constant 0 : i32
        %dma_start3A_157 = tpu.memref_slice %arg2[%dma_start3A_155, %dma_start3A_156] : memref<10000x128xf32, #tpu.memory_space<hbm>> -> memref<10000x128xf32, #tpu.memory_space<hbm>>
        tpu.enqueue_indirect_dma source(%dma_start3A_157 : memref<10000x128xf32, #tpu.memory_space<hbm>>) target(%arg12 : memref<128x128xf32, #tpu.memory_space<vmem>>) offsets(%arg6 : memref<128xi32, #tpu.memory_space<vmem>>) semaphore(%arg22 : memref<!tpu.dma_semaphore, #tpu.memory_space<semaphore_mem>>)
      } else {
      }
      %add3A_134 = arith.constant 2 : i32
      %add3A_135 = arith.addi %add3A_95, %add3A_134 : i32
      %dma_wait3A_136 = arith.constant 0 : i32
      %dma_wait3A_137 = arith.constant 0 : i32
      %dma_wait3A_138 = tpu.memref_slice %arg2[%dma_wait3A_136, %dma_wait3A_137] : memref<10000x128xf32, #tpu.memory_space<hbm>> -> memref<10000x128xf32, #tpu.memory_space<hbm>>
      tpu.wait_indirect_dma semaphore(%arg24 : memref<!tpu.dma_semaphore, #tpu.memory_space<semaphore_mem>>) src(%dma_wait3A_138 : memref<10000x128xf32, #tpu.memory_space<hbm>>) dst(%arg14 : memref<128x128xf32, #tpu.memory_space<vmem>>)
      %dma_wait3A_139 = tpu.memref_slice %arg4[%mul3A_24] : memref<320000xi32, #tpu.memory_space<hbm>> -> memref<128xi32, #tpu.memory_space<hbm>>
      %dma_wait3A_140 = tpu.memref_slice %arg4[%mul3A_24] : memref<320000xi32, #tpu.memory_space<hbm>> -> memref<128xi32, #tpu.memory_space<hbm>>
      tpu.wait_dma2 semaphore(%arg21 : memref<!tpu.dma_semaphore, #tpu.memory_space<semaphore_mem>>) src(%dma_wait3A_140 : memref<128xi32, #tpu.memory_space<hbm>>) dst(%arg11 : memref<128xi32, #tpu.memory_space<vmem>>)
      "tpu.region"() ({
        %run_scoped3A = tpu.sem_alloc : memref<!tpu.dma_semaphore, #tpu.memory_space<semaphore_mem>>
        %dma_start3A_153 = arith.constant 0 : i32
        %dma_start3A_154 = arith.constant 0 : i32
        %dma_start3A_155 = tpu.memref_slice %arg15[%dma_start3A_153, %dma_start3A_154] : memref<10112x128xf32, #tpu.memory_space<vmem_shared>> -> memref<10112x128xf32, #tpu.memory_space<vmem_shared>>
        tpu.enqueue_indirect_dma source(%arg14 : memref<128x128xf32, #tpu.memory_space<vmem>>) target(%dma_start3A_155 : memref<10112x128xf32, #tpu.memory_space<vmem_shared>>) offsets(%arg11 : memref<128xi32, #tpu.memory_space<vmem>>) semaphore(%run_scoped3A : memref<!tpu.dma_semaphore, #tpu.memory_space<semaphore_mem>>) {add = true}
        %dma_wait3A_156 = arith.constant 0 : i32
        %dma_wait3A_157 = arith.constant 0 : i32
        %dma_wait3A_158 = tpu.memref_slice %arg15[%dma_wait3A_156, %dma_wait3A_157] : memref<10112x128xf32, #tpu.memory_space<vmem_shared>> -> memref<10112x128xf32, #tpu.memory_space<vmem_shared>>
        tpu.wait_indirect_dma semaphore(%run_scoped3A : memref<!tpu.dma_semaphore, #tpu.memory_space<semaphore_mem>>) src(%arg14 : memref<128x128xf32, #tpu.memory_space<vmem>>) dst(%dma_wait3A_158 : memref<10112x128xf32, #tpu.memory_space<vmem_shared>>)
        tpu.yield
      }) : () -> ()
      %add3A_141 = arith.constant 3 : i32
      %add3A_142 = arith.addi %add3A_135, %add3A_141 : i32
      %lt3A_143 = arith.cmpi slt, %add3A_142, %select_n3A : i32
      %convert_element_type3A_144 = arith.extui %lt3A_143 : i1 to i32
      %cond3A_145 = arith.constant 0 : i32
      %cond3A_146 = arith.cmpi ne, %convert_element_type3A_144, %cond3A_145 : i32
      scf.if %cond3A_146 {
        %add3A_153 = arith.constant 3 : i32
        %add3A_154 = arith.addi %add3A_135, %add3A_153 : i32
        %mul3A_155 = arith.constant 128 : i32
        %mul3A_156 = arith.muli %add3A_154, %mul3A_155 : i32
        %add3A_157 = arith.addi %mul3A_24, %mul3A_156 : i32
        %dma_start3A_158 = tpu.memref_slice %arg3[%add3A_157] : memref<320000xi32, #tpu.memory_space<hbm>> -> memref<128xi32, #tpu.memory_space<hbm>>
        %dma_start3A_159 = tpu.memref_slice %arg3[%add3A_157] : memref<320000xi32, #tpu.memory_space<hbm>> -> memref<128xi32, #tpu.memory_space<hbm>>
        tpu.enqueue_dma source(%dma_start3A_159 : memref<128xi32, #tpu.memory_space<hbm>>) target(%arg8 : memref<128xi32, #tpu.memory_space<vmem>>) target_semaphore(%arg18 : memref<!tpu.dma_semaphore, #tpu.memory_space<semaphore_mem>>)
        %mul3A_160 = arith.constant 128 : i32
        %mul3A_161 = arith.muli %add3A_154, %mul3A_160 : i32
        %add3A_162 = arith.addi %mul3A_24, %mul3A_161 : i32
        %dma_start3A_163 = tpu.memref_slice %arg4[%add3A_162] : memref<320000xi32, #tpu.memory_space<hbm>> -> memref<128xi32, #tpu.memory_space<hbm>>
        %dma_start3A_164 = tpu.memref_slice %arg4[%add3A_162] : memref<320000xi32, #tpu.memory_space<hbm>> -> memref<128xi32, #tpu.memory_space<hbm>>
        tpu.enqueue_dma source(%dma_start3A_164 : memref<128xi32, #tpu.memory_space<hbm>>) target(%arg11 : memref<128xi32, #tpu.memory_space<vmem>>) target_semaphore(%arg21 : memref<!tpu.dma_semaphore, #tpu.memory_space<semaphore_mem>>)
      } else {
      }
      %add3A_147 = arith.constant 2 : i32
      %add3A_148 = arith.addi %add3A_135, %add3A_147 : i32
      %lt3A_149 = arith.cmpi slt, %add3A_148, %select_n3A : i32
      %convert_element_type3A_150 = arith.extui %lt3A_149 : i1 to i32
      %cond3A_151 = arith.constant 0 : i32
      %cond3A_152 = arith.cmpi ne, %convert_element_type3A_150, %cond3A_151 : i32
      scf.if %cond3A_152 {
        %dma_wait3A_153 = tpu.memref_slice %arg4[%mul3A_24] : memref<320000xi32, #tpu.memory_space<hbm>> -> memref<128xi32, #tpu.memory_space<hbm>>
        %dma_wait3A_154 = tpu.memref_slice %arg4[%mul3A_24] : memref<320000xi32, #tpu.memory_space<hbm>> -> memref<128xi32, #tpu.memory_space<hbm>>
        tpu.wait_dma2 semaphore(%arg17 : memref<!tpu.dma_semaphore, #tpu.memory_space<semaphore_mem>>) src(%dma_wait3A_154 : memref<128xi32, #tpu.memory_space<hbm>>) dst(%arg7 : memref<128xi32, #tpu.memory_space<vmem>>)
        %dma_start3A_155 = arith.constant 0 : i32
        %dma_start3A_156 = arith.constant 0 : i32
        %dma_start3A_157 = tpu.memref_slice %arg2[%dma_start3A_155, %dma_start3A_156] : memref<10000x128xf32, #tpu.memory_space<hbm>> -> memref<10000x128xf32, #tpu.memory_space<hbm>>
        tpu.enqueue_indirect_dma source(%dma_start3A_157 : memref<10000x128xf32, #tpu.memory_space<hbm>>) target(%arg13 : memref<128x128xf32, #tpu.memory_space<vmem>>) offsets(%arg7 : memref<128xi32, #tpu.memory_space<vmem>>) semaphore(%arg23 : memref<!tpu.dma_semaphore, #tpu.memory_space<semaphore_mem>>)
      } else {
      }
    }
    %while3A_74 = arith.constant 1 : i32
    scf.for %while3A_93 = %while3A_72 to %while3A_68 step %while3A_74  : i32 {
      %mul3A_94 = arith.muli %while3A_93, %while3A : i32
      %add3A_95 = arith.addi %while3A_65, %mul3A_94 : i32
      %add3A_96 = arith.constant 0 : i32
      %add3A_97 = arith.addi %add3A_95, %add3A_96 : i32
      %dma_wait3A_98 = arith.constant 0 : i32
      %dma_wait3A_99 = arith.constant 0 : i32
      %dma_wait3A_100 = tpu.memref_slice %arg2[%dma_wait3A_98, %dma_wait3A_99] : memref<10000x128xf32, #tpu.memory_space<hbm>> -> memref<10000x128xf32, #tpu.memory_space<hbm>>
      tpu.wait_indirect_dma semaphore(%arg22 : memref<!tpu.dma_semaphore, #tpu.memory_space<semaphore_mem>>) src(%dma_wait3A_100 : memref<10000x128xf32, #tpu.memory_space<hbm>>) dst(%arg12 : memref<128x128xf32, #tpu.memory_space<vmem>>)
      %dma_wait3A_101 = tpu.memref_slice %arg4[%mul3A_24] : memref<320000xi32, #tpu.memory_space<hbm>> -> memref<128xi32, #tpu.memory_space<hbm>>
      %dma_wait3A_102 = tpu.memref_slice %arg4[%mul3A_24] : memref<320000xi32, #tpu.memory_space<hbm>> -> memref<128xi32, #tpu.memory_space<hbm>>
      tpu.wait_dma2 semaphore(%arg19 : memref<!tpu.dma_semaphore, #tpu.memory_space<semaphore_mem>>) src(%dma_wait3A_102 : memref<128xi32, #tpu.memory_space<hbm>>) dst(%arg9 : memref<128xi32, #tpu.memory_space<vmem>>)
      "tpu.region"() ({
        %run_scoped3A = tpu.sem_alloc : memref<!tpu.dma_semaphore, #tpu.memory_space<semaphore_mem>>
        %dma_start3A_153 = arith.constant 0 : i32
        %dma_start3A_154 = arith.constant 0 : i32
        %dma_start3A_155 = tpu.memref_slice %arg15[%dma_start3A_153, %dma_start3A_154] : memref<10112x128xf32, #tpu.memory_space<vmem_shared>> -> memref<10112x128xf32, #tpu.memory_space<vmem_shared>>
        tpu.enqueue_indirect_dma source(%arg12 : memref<128x128xf32, #tpu.memory_space<vmem>>) target(%dma_start3A_155 : memref<10112x128xf32, #tpu.memory_space<vmem_shared>>) offsets(%arg9 : memref<128xi32, #tpu.memory_space<vmem>>) semaphore(%run_scoped3A : memref<!tpu.dma_semaphore, #tpu.memory_space<semaphore_mem>>) {add = true}
        %dma_wait3A_156 = arith.constant 0 : i32
        %dma_wait3A_157 = arith.constant 0 : i32
        %dma_wait3A_158 = tpu.memref_slice %arg15[%dma_wait3A_156, %dma_wait3A_157] : memref<10112x128xf32, #tpu.memory_space<vmem_shared>> -> memref<10112x128xf32, #tpu.memory_space<vmem_shared>>
        tpu.wait_indirect_dma semaphore(%run_scoped3A : memref<!tpu.dma_semaphore, #tpu.memory_space<semaphore_mem>>) src(%arg12 : memref<128x128xf32, #tpu.memory_space<vmem>>) dst(%dma_wait3A_158 : memref<10112x128xf32, #tpu.memory_space<vmem_shared>>)
        tpu.yield
      }) : () -> ()
      %add3A_103 = arith.constant 3 : i32
      %add3A_104 = arith.addi %add3A_97, %add3A_103 : i32
      %lt3A_105 = arith.cmpi slt, %add3A_104, %select_n3A : i32
      %convert_element_type3A_106 = arith.extui %lt3A_105 : i1 to i32
      %cond3A_107 = arith.constant 0 : i32
      %cond3A_108 = arith.cmpi ne, %convert_element_type3A_106, %cond3A_107 : i32
      scf.if %cond3A_108 {
        %add3A_153 = arith.constant 3 : i32
        %add3A_154 = arith.addi %add3A_97, %add3A_153 : i32
        %mul3A_155 = arith.constant 128 : i32
        %mul3A_156 = arith.muli %add3A_154, %mul3A_155 : i32
        %add3A_157 = arith.addi %mul3A_24, %mul3A_156 : i32
        %dma_start3A_158 = tpu.memref_slice %arg3[%add3A_157] : memref<320000xi32, #tpu.memory_space<hbm>> -> memref<128xi32, #tpu.memory_space<hbm>>
        %dma_start3A_159 = tpu.memref_slice %arg3[%add3A_157] : memref<320000xi32, #tpu.memory_space<hbm>> -> memref<128xi32, #tpu.memory_space<hbm>>
        tpu.enqueue_dma source(%dma_start3A_159 : memref<128xi32, #tpu.memory_space<hbm>>) target(%arg6 : memref<128xi32, #tpu.memory_space<vmem>>) target_semaphore(%arg16 : memref<!tpu.dma_semaphore, #tpu.memory_space<semaphore_mem>>)
        %mul3A_160 = arith.constant 128 : i32
        %mul3A_161 = arith.muli %add3A_154, %mul3A_160 : i32
        %add3A_162 = arith.addi %mul3A_24, %mul3A_161 : i32
        %dma_start3A_163 = tpu.memref_slice %arg4[%add3A_162] : memref<320000xi32, #tpu.memory_space<hbm>> -> memref<128xi32, #tpu.memory_space<hbm>>
        %dma_start3A_164 = tpu.memref_slice %arg4[%add3A_162] : memref<320000xi32, #tpu.memory_space<hbm>> -> memref<128xi32, #tpu.memory_space<hbm>>
        tpu.enqueue_dma source(%dma_start3A_164 : memref<128xi32, #tpu.memory_space<hbm>>) target(%arg9 : memref<128xi32, #tpu.memory_space<vmem>>) target_semaphore(%arg19 : memref<!tpu.dma_semaphore, #tpu.memory_space<semaphore_mem>>)
      } else {
      }
      %add3A_109 = arith.constant 2 : i32
      %add3A_110 = arith.addi %add3A_97, %add3A_109 : i32
      %lt3A_111 = arith.cmpi slt, %add3A_110, %select_n3A : i32
      %convert_element_type3A_112 = arith.extui %lt3A_111 : i1 to i32
      %cond3A_113 = arith.constant 0 : i32
      %cond3A_114 = arith.cmpi ne, %convert_element_type3A_112, %cond3A_113 : i32
      scf.if %cond3A_114 {
        %dma_wait3A_153 = tpu.memref_slice %arg4[%mul3A_24] : memref<320000xi32, #tpu.memory_space<hbm>> -> memref<128xi32, #tpu.memory_space<hbm>>
        %dma_wait3A_154 = tpu.memref_slice %arg4[%mul3A_24] : memref<320000xi32, #tpu.memory_space<hbm>> -> memref<128xi32, #tpu.memory_space<hbm>>
        tpu.wait_dma2 semaphore(%arg18 : memref<!tpu.dma_semaphore, #tpu.memory_space<semaphore_mem>>) src(%dma_wait3A_154 : memref<128xi32, #tpu.memory_space<hbm>>) dst(%arg8 : memref<128xi32, #tpu.memory_space<vmem>>)
        %dma_start3A_155 = arith.constant 0 : i32
        %dma_start3A_156 = arith.constant 0 : i32
        %dma_start3A_157 = tpu.memref_slice %arg2[%dma_start3A_155, %dma_start3A_156] : memref<10000x128xf32, #tpu.memory_space<hbm>> -> memref<10000x128xf32, #tpu.memory_space<hbm>>
        tpu.enqueue_indirect_dma source(%dma_start3A_157 : memref<10000x128xf32, #tpu.memory_space<hbm>>) target(%arg14 : memref<128x128xf32, #tpu.memory_space<vmem>>) offsets(%arg8 : memref<128xi32, #tpu.memory_space<vmem>>) semaphore(%arg24 : memref<!tpu.dma_semaphore, #tpu.memory_space<semaphore_mem>>)
      } else {
      }
      %add3A_115 = arith.constant 1 : i32
      %add3A_116 = arith.addi %add3A_95, %add3A_115 : i32
      %dma_wait3A_117 = arith.constant 0 : i32
      %dma_wait3A_118 = arith.constant 0 : i32
      %dma_wait3A_119 = tpu.memref_slice %arg2[%dma_wait3A_117, %dma_wait3A_118] : memref<10000x128xf32, #tpu.memory_space<hbm>> -> memref<10000x128xf32, #tpu.memory_space<hbm>>
      tpu.wait_indirect_dma semaphore(%arg23 : memref<!tpu.dma_semaphore, #tpu.memory_space<semaphore_mem>>) src(%dma_wait3A_119 : memref<10000x128xf32, #tpu.memory_space<hbm>>) dst(%arg13 : memref<128x128xf32, #tpu.memory_space<vmem>>)
      %dma_wait3A_120 = tpu.memref_slice %arg4[%mul3A_24] : memref<320000xi32, #tpu.memory_space<hbm>> -> memref<128xi32, #tpu.memory_space<hbm>>
      %dma_wait3A_121 = tpu.memref_slice %arg4[%mul3A_24] : memref<320000xi32, #tpu.memory_space<hbm>> -> memref<128xi32, #tpu.memory_space<hbm>>
      tpu.wait_dma2 semaphore(%arg20 : memref<!tpu.dma_semaphore, #tpu.memory_space<semaphore_mem>>) src(%dma_wait3A_121 : memref<128xi32, #tpu.memory_space<hbm>>) dst(%arg10 : memref<128xi32, #tpu.memory_space<vmem>>)
      "tpu.region"() ({
        %run_scoped3A = tpu.sem_alloc : memref<!tpu.dma_semaphore, #tpu.memory_space<semaphore_mem>>
        %dma_start3A_153 = arith.constant 0 : i32
        %dma_start3A_154 = arith.constant 0 : i32
        %dma_start3A_155 = tpu.memref_slice %arg15[%dma_start3A_153, %dma_start3A_154] : memref<10112x128xf32, #tpu.memory_space<vmem_shared>> -> memref<10112x128xf32, #tpu.memory_space<vmem_shared>>
        tpu.enqueue_indirect_dma source(%arg13 : memref<128x128xf32, #tpu.memory_space<vmem>>) target(%dma_start3A_155 : memref<10112x128xf32, #tpu.memory_space<vmem_shared>>) offsets(%arg10 : memref<128xi32, #tpu.memory_space<vmem>>) semaphore(%run_scoped3A : memref<!tpu.dma_semaphore, #tpu.memory_space<semaphore_mem>>) {add = true}
        %dma_wait3A_156 = arith.constant 0 : i32
        %dma_wait3A_157 = arith.constant 0 : i32
        %dma_wait3A_158 = tpu.memref_slice %arg15[%dma_wait3A_156, %dma_wait3A_157] : memref<10112x128xf32, #tpu.memory_space<vmem_shared>> -> memref<10112x128xf32, #tpu.memory_space<vmem_shared>>
        tpu.wait_indirect_dma semaphore(%run_scoped3A : memref<!tpu.dma_semaphore, #tpu.memory_space<semaphore_mem>>) src(%arg13 : memref<128x128xf32, #tpu.memory_space<vmem>>) dst(%dma_wait3A_158 : memref<10112x128xf32, #tpu.memory_space<vmem_shared>>)
        tpu.yield
      }) : () -> ()
      %add3A_122 = arith.constant 3 : i32
      %add3A_123 = arith.addi %add3A_116, %add3A_122 : i32
      %lt3A_124 = arith.cmpi slt, %add3A_123, %select_n3A : i32
      %convert_element_type3A_125 = arith.extui %lt3A_124 : i1 to i32
      %cond3A_126 = arith.constant 0 : i32
      %cond3A_127 = arith.cmpi ne, %convert_element_type3A_125, %cond3A_126 : i32
      scf.if %cond3A_127 {
        %add3A_153 = arith.constant 3 : i32
        %add3A_154 = arith.addi %add3A_116, %add3A_153 : i32
        %mul3A_155 = arith.constant 128 : i32
        %mul3A_156 = arith.muli %add3A_154, %mul3A_155 : i32
        %add3A_157 = arith.addi %mul3A_24, %mul3A_156 : i32
        %dma_start3A_158 = tpu.memref_slice %arg3[%add3A_157] : memref<320000xi32, #tpu.memory_space<hbm>> -> memref<128xi32, #tpu.memory_space<hbm>>
        %dma_start3A_159 = tpu.memref_slice %arg3[%add3A_157] : memref<320000xi32, #tpu.memory_space<hbm>> -> memref<128xi32, #tpu.memory_space<hbm>>
        tpu.enqueue_dma source(%dma_start3A_159 : memref<128xi32, #tpu.memory_space<hbm>>) target(%arg7 : memref<128xi32, #tpu.memory_space<vmem>>) target_semaphore(%arg17 : memref<!tpu.dma_semaphore, #tpu.memory_space<semaphore_mem>>)
        %mul3A_160 = arith.constant 128 : i32
        %mul3A_161 = arith.muli %add3A_154, %mul3A_160 : i32
        %add3A_162 = arith.addi %mul3A_24, %mul3A_161 : i32
        %dma_start3A_163 = tpu.memref_slice %arg4[%add3A_162] : memref<320000xi32, #tpu.memory_space<hbm>> -> memref<128xi32, #tpu.memory_space<hbm>>
        %dma_start3A_164 = tpu.memref_slice %arg4[%add3A_162] : memref<320000xi32, #tpu.memory_space<hbm>> -> memref<128xi32, #tpu.memory_space<hbm>>
        tpu.enqueue_dma source(%dma_start3A_164 : memref<128xi32, #tpu.memory_space<hbm>>) target(%arg10 : memref<128xi32, #tpu.memory_space<vmem>>) target_semaphore(%arg20 : memref<!tpu.dma_semaphore, #tpu.memory_space<semaphore_mem>>)
      } else {
      }
      %add3A_128 = arith.constant 2 : i32
      %add3A_129 = arith.addi %add3A_116, %add3A_128 : i32
      %lt3A_130 = arith.cmpi slt, %add3A_129, %select_n3A : i32
      %convert_element_type3A_131 = arith.extui %lt3A_130 : i1 to i32
      %cond3A_132 = arith.constant 0 : i32
      %cond3A_133 = arith.cmpi ne, %convert_element_type3A_131, %cond3A_132 : i32
      scf.if %cond3A_133 {
        %dma_wait3A_153 = tpu.memref_slice %arg4[%mul3A_24] : memref<320000xi32, #tpu.memory_space<hbm>> -> memref<128xi32, #tpu.memory_space<hbm>>
        %dma_wait3A_154 = tpu.memref_slice %arg4[%mul3A_24] : memref<320000xi32, #tpu.memory_space<hbm>> -> memref<128xi32, #tpu.memory_space<hbm>>
        tpu.wait_dma2 semaphore(%arg16 : memref<!tpu.dma_semaphore, #tpu.memory_space<semaphore_mem>>) src(%dma_wait3A_154 : memref<128xi32, #tpu.memory_space<hbm>>) dst(%arg6 : memref<128xi32, #tpu.memory_space<vmem>>)
        %dma_start3A_155 = arith.constant 0 : i32
        %dma_start3A_156 = arith.constant 0 : i32
        %dma_start3A_157 = tpu.memref_slice %arg2[%dma_start3A_155, %dma_start3A_156] : memref<10000x128xf32, #tpu.memory_space<hbm>> -> memref<10000x128xf32, #tpu.memory_space<hbm>>
        tpu.enqueue_indirect_dma source(%dma_start3A_157 : memref<10000x128xf32, #tpu.memory_space<hbm>>) target(%arg12 : memref<128x128xf32, #tpu.memory_space<vmem>>) offsets(%arg6 : memref<128xi32, #tpu.memory_space<vmem>>) semaphore(%arg22 : memref<!tpu.dma_semaphore, #tpu.memory_space<semaphore_mem>>)
      } else {
      }
      %add3A_134 = arith.constant 2 : i32
      %add3A_135 = arith.addi %add3A_95, %add3A_134 : i32
      %dma_wait3A_136 = arith.constant 0 : i32
      %dma_wait3A_137 = arith.constant 0 : i32
      %dma_wait3A_138 = tpu.memref_slice %arg2[%dma_wait3A_136, %dma_wait3A_137] : memref<10000x128xf32, #tpu.memory_space<hbm>> -> memref<10000x128xf32, #tpu.memory_space<hbm>>
      tpu.wait_indirect_dma semaphore(%arg24 : memref<!tpu.dma_semaphore, #tpu.memory_space<semaphore_mem>>) src(%dma_wait3A_138 : memref<10000x128xf32, #tpu.memory_space<hbm>>) dst(%arg14 : memref<128x128xf32, #tpu.memory_space<vmem>>)
      %dma_wait3A_139 = tpu.memref_slice %arg4[%mul3A_24] : memref<320000xi32, #tpu.memory_space<hbm>> -> memref<128xi32, #tpu.memory_space<hbm>>
      %dma_wait3A_140 = tpu.memref_slice %arg4[%mul3A_24] : memref<320000xi32, #tpu.memory_space<hbm>> -> memref<128xi32, #tpu.memory_space<hbm>>
      tpu.wait_dma2 semaphore(%arg21 : memref<!tpu.dma_semaphore, #tpu.memory_space<semaphore_mem>>) src(%dma_wait3A_140 : memref<128xi32, #tpu.memory_space<hbm>>) dst(%arg11 : memref<128xi32, #tpu.memory_space<vmem>>)
      "tpu.region"() ({
        %run_scoped3A = tpu.sem_alloc : memref<!tpu.dma_semaphore, #tpu.memory_space<semaphore_mem>>
        %dma_start3A_153 = arith.constant 0 : i32
        %dma_start3A_154 = arith.constant 0 : i32
        %dma_start3A_155 = tpu.memref_slice %arg15[%dma_start3A_153, %dma_start3A_154] : memref<10112x128xf32, #tpu.memory_space<vmem_shared>> -> memref<10112x128xf32, #tpu.memory_space<vmem_shared>>
        tpu.enqueue_indirect_dma source(%arg14 : memref<128x128xf32, #tpu.memory_space<vmem>>) target(%dma_start3A_155 : memref<10112x128xf32, #tpu.memory_space<vmem_shared>>) offsets(%arg11 : memref<128xi32, #tpu.memory_space<vmem>>) semaphore(%run_scoped3A : memref<!tpu.dma_semaphore, #tpu.memory_space<semaphore_mem>>) {add = true}
        %dma_wait3A_156 = arith.constant 0 : i32
        %dma_wait3A_157 = arith.constant 0 : i32
        %dma_wait3A_158 = tpu.memref_slice %arg15[%dma_wait3A_156, %dma_wait3A_157] : memref<10112x128xf32, #tpu.memory_space<vmem_shared>> -> memref<10112x128xf32, #tpu.memory_space<vmem_shared>>
        tpu.wait_indirect_dma semaphore(%run_scoped3A : memref<!tpu.dma_semaphore, #tpu.memory_space<semaphore_mem>>) src(%arg14 : memref<128x128xf32, #tpu.memory_space<vmem>>) dst(%dma_wait3A_158 : memref<10112x128xf32, #tpu.memory_space<vmem_shared>>)
        tpu.yield
      }) : () -> ()
      %add3A_141 = arith.constant 3 : i32
      %add3A_142 = arith.addi %add3A_135, %add3A_141 : i32
      %lt3A_143 = arith.cmpi slt, %add3A_142, %select_n3A : i32
      %convert_element_type3A_144 = arith.extui %lt3A_143 : i1 to i32
      %cond3A_145 = arith.constant 0 : i32
      %cond3A_146 = arith.cmpi ne, %convert_element_type3A_144, %cond3A_145 : i32
      scf.if %cond3A_146 {
        %add3A_153 = arith.constant 3 : i32
        %add3A_154 = arith.addi %add3A_135, %add3A_153 : i32
        %mul3A_155 = arith.constant 128 : i32
        %mul3A_156 = arith.muli %add3A_154, %mul3A_155 : i32
        %add3A_157 = arith.addi %mul3A_24, %mul3A_156 : i32
        %dma_start3A_158 = tpu.memref_slice %arg3[%add3A_157] : memref<320000xi32, #tpu.memory_space<hbm>> -> memref<128xi32, #tpu.memory_space<hbm>>
        %dma_start3A_159 = tpu.memref_slice %arg3[%add3A_157] : memref<320000xi32, #tpu.memory_space<hbm>> -> memref<128xi32, #tpu.memory_space<hbm>>
        tpu.enqueue_dma source(%dma_start3A_159 : memref<128xi32, #tpu.memory_space<hbm>>) target(%arg8 : memref<128xi32, #tpu.memory_space<vmem>>) target_semaphore(%arg18 : memref<!tpu.dma_semaphore, #tpu.memory_space<semaphore_mem>>)
        %mul3A_160 = arith.constant 128 : i32
        %mul3A_161 = arith.muli %add3A_154, %mul3A_160 : i32
        %add3A_162 = arith.addi %mul3A_24, %mul3A_161 : i32
        %dma_start3A_163 = tpu.memref_slice %arg4[%add3A_162] : memref<320000xi32, #tpu.memory_space<hbm>> -> memref<128xi32, #tpu.memory_space<hbm>>
        %dma_start3A_164 = tpu.memref_slice %arg4[%add3A_162] : memref<320000xi32, #tpu.memory_space<hbm>> -> memref<128xi32, #tpu.memory_space<hbm>>
        tpu.enqueue_dma source(%dma_start3A_164 : memref<128xi32, #tpu.memory_space<hbm>>) target(%arg11 : memref<128xi32, #tpu.memory_space<vmem>>) target_semaphore(%arg21 : memref<!tpu.dma_semaphore, #tpu.memory_space<semaphore_mem>>)
      } else {
      }
      %add3A_147 = arith.constant 2 : i32
      %add3A_148 = arith.addi %add3A_135, %add3A_147 : i32
      %lt3A_149 = arith.cmpi slt, %add3A_148, %select_n3A : i32
      %convert_element_type3A_150 = arith.extui %lt3A_149 : i1 to i32
      %cond3A_151 = arith.constant 0 : i32
      %cond3A_152 = arith.cmpi ne, %convert_element_type3A_150, %cond3A_151 : i32
      scf.if %cond3A_152 {
        %dma_wait3A_153 = tpu.memref_slice %arg4[%mul3A_24] : memref<320000xi32, #tpu.memory_space<hbm>> -> memref<128xi32, #tpu.memory_space<hbm>>
        %dma_wait3A_154 = tpu.memref_slice %arg4[%mul3A_24] : memref<320000xi32, #tpu.memory_space<hbm>> -> memref<128xi32, #tpu.memory_space<hbm>>
        tpu.wait_dma2 semaphore(%arg17 : memref<!tpu.dma_semaphore, #tpu.memory_space<semaphore_mem>>) src(%dma_wait3A_154 : memref<128xi32, #tpu.memory_space<hbm>>) dst(%arg7 : memref<128xi32, #tpu.memory_space<vmem>>)
        %dma_start3A_155 = arith.constant 0 : i32
        %dma_start3A_156 = arith.constant 0 : i32
        %dma_start3A_157 = tpu.memref_slice %arg2[%dma_start3A_155, %dma_start3A_156] : memref<10000x128xf32, #tpu.memory_space<hbm>> -> memref<10000x128xf32, #tpu.memory_space<hbm>>
        tpu.enqueue_indirect_dma source(%dma_start3A_157 : memref<10000x128xf32, #tpu.memory_space<hbm>>) target(%arg13 : memref<128x128xf32, #tpu.memory_space<vmem>>) offsets(%arg7 : memref<128xi32, #tpu.memory_space<vmem>>) semaphore(%arg23 : memref<!tpu.dma_semaphore, #tpu.memory_space<semaphore_mem>>)
      } else {
      }
    }
    %dma_wait3A_75 = arith.constant 0 : i32
    %dma_wait3A_76 = arith.constant 0 : i32
    %dma_wait3A_77 = tpu.memref_slice %arg2[%dma_wait3A_75, %dma_wait3A_76] : memref<10000x128xf32, #tpu.memory_space<hbm>> -> memref<10000x128xf32, #tpu.memory_space<hbm>>
    tpu.wait_indirect_dma semaphore(%arg22 : memref<!tpu.dma_semaphore, #tpu.memory_space<semaphore_mem>>) src(%dma_wait3A_77 : memref<10000x128xf32, #tpu.memory_space<hbm>>) dst(%arg12 : memref<128x128xf32, #tpu.memory_space<vmem>>)
    %dma_wait3A_78 = tpu.memref_slice %arg4[%mul3A_24] : memref<320000xi32, #tpu.memory_space<hbm>> -> memref<128xi32, #tpu.memory_space<hbm>>
    %dma_wait3A_79 = tpu.memref_slice %arg4[%mul3A_24] : memref<320000xi32, #tpu.memory_space<hbm>> -> memref<128xi32, #tpu.memory_space<hbm>>
    tpu.wait_dma2 semaphore(%arg19 : memref<!tpu.dma_semaphore, #tpu.memory_space<semaphore_mem>>) src(%dma_wait3A_79 : memref<128xi32, #tpu.memory_space<hbm>>) dst(%arg9 : memref<128xi32, #tpu.memory_space<vmem>>)
    "tpu.region"() ({
      %run_scoped3A = tpu.sem_alloc : memref<!tpu.dma_semaphore, #tpu.memory_space<semaphore_mem>>
      %dma_start3A_93 = arith.constant 0 : i32
      %dma_start3A_94 = arith.constant 0 : i32
      %dma_start3A_95 = tpu.memref_slice %arg15[%dma_start3A_93, %dma_start3A_94] : memref<10112x128xf32, #tpu.memory_space<vmem_shared>> -> memref<10112x128xf32, #tpu.memory_space<vmem_shared>>
      tpu.enqueue_indirect_dma source(%arg12 : memref<128x128xf32, #tpu.memory_space<vmem>>) target(%dma_start3A_95 : memref<10112x128xf32, #tpu.memory_space<vmem_shared>>) offsets(%arg9 : memref<128xi32, #tpu.memory_space<vmem>>) semaphore(%run_scoped3A : memref<!tpu.dma_semaphore, #tpu.memory_space<semaphore_mem>>) {add = true}
      %dma_wait3A_96 = arith.constant 0 : i32
      %dma_wait3A_97 = arith.constant 0 : i32
      %dma_wait3A_98 = tpu.memref_slice %arg15[%dma_wait3A_96, %dma_wait3A_97] : memref<10112x128xf32, #tpu.memory_space<vmem_shared>> -> memref<10112x128xf32, #tpu.memory_space<vmem_shared>>
      tpu.wait_indirect_dma semaphore(%run_scoped3A : memref<!tpu.dma_semaphore, #tpu.memory_space<semaphore_mem>>) src(%arg12 : memref<128x128xf32, #tpu.memory_space<vmem>>) dst(%dma_wait3A_98 : memref<10112x128xf32, #tpu.memory_space<vmem_shared>>)
      tpu.yield
    }) : () -> ()
    %dma_wait3A_80 = arith.constant 0 : i32
    %dma_wait3A_81 = arith.constant 0 : i32
    %dma_wait3A_82 = tpu.memref_slice %arg2[%dma_wait3A_80, %dma_wait3A_81] : memref<10000x128xf32, #tpu.memory_space<hbm>> -> memref<10000x128xf32, #tpu.memory_space<hbm>>
    tpu.wait_indirect_dma semaphore(%arg23 : memref<!tpu.dma_semaphore, #tpu.memory_space<semaphore_mem>>) src(%dma_wait3A_82 : memref<10000x128xf32, #tpu.memory_space<hbm>>) dst(%arg13 : memref<128x128xf32, #tpu.memory_space<vmem>>)
    %dma_wait3A_83 = tpu.memref_slice %arg4[%mul3A_24] : memref<320000xi32, #tpu.memory_space<hbm>> -> memref<128xi32, #tpu.memory_space<hbm>>
    %dma_wait3A_84 = tpu.memref_slice %arg4[%mul3A_24] : memref<320000xi32, #tpu.memory_space<hbm>> -> memref<128xi32, #tpu.memory_space<hbm>>
    tpu.wait_dma2 semaphore(%arg20 : memref<!tpu.dma_semaphore, #tpu.memory_space<semaphore_mem>>) src(%dma_wait3A_84 : memref<128xi32, #tpu.memory_space<hbm>>) dst(%arg10 : memref<128xi32, #tpu.memory_space<vmem>>)
    "tpu.region"() ({
      %run_scoped3A = tpu.sem_alloc : memref<!tpu.dma_semaphore, #tpu.memory_space<semaphore_mem>>
      %dma_start3A_93 = arith.constant 0 : i32
      %dma_start3A_94 = arith.constant 0 : i32
      %dma_start3A_95 = tpu.memref_slice %arg15[%dma_start3A_93, %dma_start3A_94] : memref<10112x128xf32, #tpu.memory_space<vmem_shared>> -> memref<10112x128xf32, #tpu.memory_space<vmem_shared>>
      tpu.enqueue_indirect_dma source(%arg13 : memref<128x128xf32, #tpu.memory_space<vmem>>) target(%dma_start3A_95 : memref<10112x128xf32, #tpu.memory_space<vmem_shared>>) offsets(%arg10 : memref<128xi32, #tpu.memory_space<vmem>>) semaphore(%run_scoped3A : memref<!tpu.dma_semaphore, #tpu.memory_space<semaphore_mem>>) {add = true}
      %dma_wait3A_96 = arith.constant 0 : i32
      %dma_wait3A_97 = arith.constant 0 : i32
      %dma_wait3A_98 = tpu.memref_slice %arg15[%dma_wait3A_96, %dma_wait3A_97] : memref<10112x128xf32, #tpu.memory_space<vmem_shared>> -> memref<10112x128xf32, #tpu.memory_space<vmem_shared>>
      tpu.wait_indirect_dma semaphore(%run_scoped3A : memref<!tpu.dma_semaphore, #tpu.memory_space<semaphore_mem>>) src(%arg13 : memref<128x128xf32, #tpu.memory_space<vmem>>) dst(%dma_wait3A_98 : memref<10112x128xf32, #tpu.memory_space<vmem_shared>>)
      tpu.yield
    }) : () -> ()
    %barrier3A_85 = arith.constant 0 : index
    tpu.barrier barrier_id(%barrier3A_85)
    %lt3A_86 = arith.constant 15 : i32
    %lt3A_87 = arith.cmpi slt, %arg1, %lt3A_86 : i32
    %convert_element_type3A = arith.extui %lt3A_87 : i1 to i32
    %cond3A = arith.constant 0 : i32
    %cond3A_88 = arith.cmpi ne, %convert_element_type3A, %cond3A : i32
    scf.if %cond3A_88 {
      %mul3A_93 = arith.constant 632 : i32
      %mul3A_94 = arith.muli %arg1, %mul3A_93 : i32
      %mul3A_95 = arith.constant 632 : i32
      %mul3A_96 = arith.muli %arg1, %mul3A_95 : i32
      "tpu.region"() ({
        %run_scoped3A = tpu.sem_alloc : memref<!tpu.dma_semaphore, #tpu.memory_space<semaphore_mem>>
        %dma_start3A_97 = arith.constant 0 : i32
        %dma_start3A_98 = tpu.memref_slice %arg5[%arg0, %mul3A_96, %dma_start3A_97] : memref<2x10000x128xf32, #tpu.memory_space<hbm>> -> memref<1x632x128xf32, #tpu.memory_space<hbm>>
        %dma_start3A_99 = tpu.memref_squeeze %dma_start3A_98 : memref<1x632x128xf32, #tpu.memory_space<hbm>> -> memref<632x128xf32, #tpu.memory_space<hbm>>
        %dma_start3A_100 = arith.constant 0 : i32
        %dma_start3A_101 = tpu.memref_slice %arg15[%mul3A_94, %dma_start3A_100] : memref<10112x128xf32, #tpu.memory_space<vmem_shared>> -> memref<632x128xf32, #tpu.memory_space<vmem_shared>>
        tpu.enqueue_dma source(%dma_start3A_101 : memref<632x128xf32, #tpu.memory_space<vmem_shared>>) target(%dma_start3A_99 : memref<632x128xf32, #tpu.memory_space<hbm>>) target_semaphore(%run_scoped3A : memref<!tpu.dma_semaphore, #tpu.memory_space<semaphore_mem>>)
        %dma_wait3A_102 = arith.constant 0 : i32
        %dma_wait3A_103 = tpu.memref_slice %arg5[%arg0, %mul3A_96, %dma_wait3A_102] : memref<2x10000x128xf32, #tpu.memory_space<hbm>> -> memref<1x632x128xf32, #tpu.memory_space<hbm>>
        %dma_wait3A_104 = tpu.memref_squeeze %dma_wait3A_103 : memref<1x632x128xf32, #tpu.memory_space<hbm>> -> memref<632x128xf32, #tpu.memory_space<hbm>>
        %dma_wait3A_105 = arith.constant 0 : i32
        %dma_wait3A_106 = tpu.memref_slice %arg15[%mul3A_94, %dma_wait3A_105] : memref<10112x128xf32, #tpu.memory_space<vmem_shared>> -> memref<632x128xf32, #tpu.memory_space<vmem_shared>>
        tpu.wait_dma2 semaphore(%run_scoped3A : memref<!tpu.dma_semaphore, #tpu.memory_space<semaphore_mem>>) src(%dma_wait3A_106 : memref<632x128xf32, #tpu.memory_space<vmem_shared>>) dst(%dma_wait3A_104 : memref<632x128xf32, #tpu.memory_space<hbm>>)
        tpu.yield
      }) : () -> ()
    } else {
    }
    %eq3A = arith.constant 15 : i32
    %eq3A_89 = arith.cmpi eq, %arg1, %eq3A : i32
    %convert_element_type3A_90 = arith.extui %eq3A_89 : i1 to i32
    %cond3A_91 = arith.constant 0 : i32
    %cond3A_92 = arith.cmpi ne, %convert_element_type3A_90, %cond3A_91 : i32
    scf.if %cond3A_92 {
      "tpu.region"() ({
        %run_scoped3A = tpu.sem_alloc : memref<!tpu.dma_semaphore, #tpu.memory_space<semaphore_mem>>
        %dma_start3A_93 = arith.constant 9480 : i32
        %dma_start3A_94 = arith.constant 0 : i32
        %dma_start3A_95 = tpu.memref_slice %arg5[%arg0, %dma_start3A_93, %dma_start3A_94] : memref<2x10000x128xf32, #tpu.memory_space<hbm>> -> memref<1x520x128xf32, #tpu.memory_space<hbm>>
        %dma_start3A_96 = tpu.memref_squeeze %dma_start3A_95 : memref<1x520x128xf32, #tpu.memory_space<hbm>> -> memref<520x128xf32, #tpu.memory_space<hbm>>
        %dma_start3A_97 = arith.constant 9480 : i32
        %dma_start3A_98 = arith.constant 0 : i32
        %dma_start3A_99 = tpu.memref_slice %arg15[%dma_start3A_97, %dma_start3A_98] : memref<10112x128xf32, #tpu.memory_space<vmem_shared>> -> memref<520x128xf32, #tpu.memory_space<vmem_shared>>
        tpu.enqueue_dma source(%dma_start3A_99 : memref<520x128xf32, #tpu.memory_space<vmem_shared>>) target(%dma_start3A_96 : memref<520x128xf32, #tpu.memory_space<hbm>>) target_semaphore(%run_scoped3A : memref<!tpu.dma_semaphore, #tpu.memory_space<semaphore_mem>>)
        %dma_wait3A_100 = arith.constant 9480 : i32
        %dma_wait3A_101 = arith.constant 0 : i32
        %dma_wait3A_102 = tpu.memref_slice %arg5[%arg0, %dma_wait3A_100, %dma_wait3A_101] : memref<2x10000x128xf32, #tpu.memory_space<hbm>> -> memref<1x520x128xf32, #tpu.memory_space<hbm>>
        %dma_wait3A_103 = tpu.memref_squeeze %dma_wait3A_102 : memref<1x520x128xf32, #tpu.memory_space<hbm>> -> memref<520x128xf32, #tpu.memory_space<hbm>>
        %dma_wait3A_104 = arith.constant 9480 : i32
        %dma_wait3A_105 = arith.constant 0 : i32
        %dma_wait3A_106 = tpu.memref_slice %arg15[%dma_wait3A_104, %dma_wait3A_105] : memref<10112x128xf32, #tpu.memory_space<vmem_shared>> -> memref<520x128xf32, #tpu.memory_space<vmem_shared>>
        tpu.wait_dma2 semaphore(%run_scoped3A : memref<!tpu.dma_semaphore, #tpu.memory_space<semaphore_mem>>) src(%dma_wait3A_106 : memref<520x128xf32, #tpu.memory_space<vmem_shared>>) dst(%dma_wait3A_103 : memref<520x128xf32, #tpu.memory_space<hbm>>)
        tpu.yield
      }) : () -> ()
    } else {
    }
    return
  }
}

#map = affine_map<(d0, d1) -> (0, 0)>
#map1 = affine_map<(d0, d1) -> (0)>
#map2 = affine_map<(d0, d1) -> (0, 0, 0)>
module attributes {stable_mosaic.version = 14 : i64} {
  func.func @_sc_scatter(%arg0: i32, %arg1: i32, %arg2: memref<10000x128xf32, #tpu.memory_space<hbm>>, %arg3: memref<320000xi32, #tpu.memory_space<hbm>>, %arg4: memref<320000xi32, #tpu.memory_space<hbm>>, %arg5: memref<2x10000x128xf32, #tpu.memory_space<hbm>>, %arg6: memref<128xi32, #tpu.memory_space<vmem>>, %arg7: memref<128xi32, #tpu.memory_space<vmem>>, %arg8: memref<128xi32, #tpu.memory_space<vmem>>, %arg9: memref<128xi32, #tpu.memory_space<vmem>>, %arg10: memref<128xi32, #tpu.memory_space<vmem>>, %arg11: memref<128xi32, #tpu.memory_space<vmem>>, %arg12: memref<128x128xf32, #tpu.memory_space<vmem>>, %arg13: memref<128x128xf32, #tpu.memory_space<vmem>>, %arg14: memref<128x128xf32, #tpu.memory_space<vmem>>, %arg15: memref<10112x128xf32, #tpu.memory_space<vmem_shared>>, %arg16: memref<!tpu.dma_semaphore, #tpu.memory_space<semaphore_mem>>, %arg17: memref<!tpu.dma_semaphore, #tpu.memory_space<semaphore_mem>>, %arg18: memref<!tpu.dma_semaphore, #tpu.memory_space<semaphore_mem>>, %arg19: memref<!tpu.dma_semaphore, #tpu.memory_space<semaphore_mem>>, %arg20: memref<!tpu.dma_semaphore, #tpu.memory_space<semaphore_mem>>, %arg21: memref<!tpu.dma_semaphore, #tpu.memory_space<semaphore_mem>>, %arg22: memref<!tpu.dma_semaphore, #tpu.memory_space<semaphore_mem>>, %arg23: memref<!tpu.dma_semaphore, #tpu.memory_space<semaphore_mem>>, %arg24: memref<!tpu.dma_semaphore, #tpu.memory_space<semaphore_mem>>) attributes {dimension_semantics = [#tpu.dimension_semantics<core_parallel>, #tpu.dimension_semantics<subcore_parallel>], iteration_bounds = array<i64: 2, 16>, scalar_prefetch = 0 : i64, scratch_operands = 19 : i64, tpu.core_type = #tpu.core_type<sc_vector_subcore>, window_params = [{transform_indices = #map}, {transform_indices = #map1}, {transform_indices = #map1}, {transform_indices = #map2}]} {
    %broadcast_in_dim3A = arith.constant 0.000000e+00 : f32
    %broadcast_in_dim3A_0 = vector.broadcast %broadcast_in_dim3A : f32 to vector<16xf32>
    %scan3A = arith.constant 0 : i32
    %scan3A_1 = arith.constant 0 : i32
    %scan3A_2 = arith.constant 1024 : i32
    %scan3A_3 = arith.addi %scan3A_1, %scan3A_2 : i32
    %scan3A_4 = arith.constant 1 : i32
    %scan3A_5 = scf.for %scan3A_93 = %scan3A_1 to %scan3A_3 step %scan3A_4 iter_args(%scan3A_94 = %scan3A) -> (i32)  : i32 {
      %jit3A_95 = arith.constant 8 : i32
      %div3A_96 = arith.divsi %scan3A_93, %jit3A_95 : i32
      %sign3A = arith.constant 0 : i32
      %sign3A_97 = arith.cmpi sgt, %scan3A_93, %sign3A : i32
      %sign3A_98 = arith.extui %sign3A_97 : i1 to i32
      %sign3A_99 = arith.constant 0 : i32
      %sign3A_100 = arith.cmpi slt, %scan3A_93, %sign3A_99 : i32
      %sign3A_101 = arith.extui %sign3A_100 : i1 to i32
      %sign3A_102 = arith.subi %sign3A_98, %sign3A_101 : i32
      %sign3A_103 = arith.constant 0 : i32
      %sign3A_104 = arith.cmpi sgt, %jit3A_95, %sign3A_103 : i32
      %sign3A_105 = arith.extui %sign3A_104 : i1 to i32
      %sign3A_106 = arith.constant 0 : i32
      %sign3A_107 = arith.cmpi slt, %jit3A_95, %sign3A_106 : i32
      %sign3A_108 = arith.extui %sign3A_107 : i1 to i32
      %sign3A_109 = arith.subi %sign3A_105, %sign3A_108 : i32
      %ne3A = arith.cmpi ne, %sign3A_102, %sign3A_109 : i32
      %rem3A = arith.remsi %scan3A_93, %jit3A_95 : i32
      %ne3A_110 = arith.constant 0 : i32
      %ne3A_111 = arith.cmpi ne, %rem3A, %ne3A_110 : i32
      %and3A = arith.andi %ne3A, %ne3A_111 : i1
      %sub3A_112 = arith.constant 1 : i32
      %sub3A_113 = arith.subi %div3A_96, %sub3A_112 : i32
      %select_n3A_114 = arith.select %and3A, %sub3A_113, %div3A_96 : i32
      %jit3A_115 = arith.constant 8 : i32
      %eq3A_116 = arith.constant 0 : i32
      %eq3A_117 = arith.cmpi eq, %jit3A_115, %eq3A_116 : i32
      %jit3A_118 = arith.constant 1 : i32
      %select_n3A_119 = arith.select %eq3A_117, %jit3A_118, %jit3A_115 : i32
      %rem3A_120 = arith.remsi %scan3A_93, %select_n3A_119 : i32
      %ne3A_121 = arith.constant 0 : i32
      %ne3A_122 = arith.cmpi ne, %rem3A_120, %ne3A_121 : i32
      %lt3A_123 = arith.constant 0 : i32
      %lt3A_124 = arith.cmpi slt, %rem3A_120, %lt3A_123 : i32
      %lt3A_125 = arith.constant 0 : i32
      %lt3A_126 = arith.cmpi slt, %select_n3A_119, %lt3A_125 : i32
      %ne3A_127 = arith.xori %lt3A_124, %lt3A_126 : i1
      %and3A_128 = arith.andi %ne3A_127, %ne3A_122 : i1
      %add3A_129 = arith.addi %rem3A_120, %select_n3A_119 : i32
      %select_n3A_130 = arith.select %and3A_128, %add3A_129, %rem3A_120 : i32
      %mul3A_131 = arith.constant 16 : i32
      %mul3A_132 = arith.muli %select_n3A_130, %mul3A_131 : i32
      %swap3A = arith.index_cast %select_n3A_114 : i32 to index
      %swap3A_133 = arith.index_cast %mul3A_132 : i32 to index
      %swap3A_134 = tpu.vector_load %arg12[%swap3A, %swap3A_133] {strides = array<i32>} : memref<128x128xf32, #tpu.memory_space<vmem>>, vector<1x16xf32>,
      %swap3A_135 = vector.shape_cast %swap3A_134 : vector<1x16xf32> to vector<16xf32>
      %swap3A_136 = vector.shape_cast %broadcast_in_dim3A_0 : vector<16xf32> to vector<1x16xf32>
      tpu.vector_store %arg12[%swap3A, %swap3A_133], %swap3A_136 {strides = array<i32>} : memref<128x128xf32, #tpu.memory_space<vmem>>, vector<1x16xf32>,
      %scan3A_137 = arith.constant 0 : i32
      scf.yield %scan3A_137 : i32
    }
    %scan3A_6 = arith.constant 1024 : i32
    %scan3A_7 = arith.constant 0 : i32
    %scan3A_8 = arith.constant 0 : i32
    %scan3A_9 = arith.constant 4 : i32
    %scan3A_10 = arith.addi %scan3A_8, %scan3A_9 : i32
    %scan3A_11 = arith.constant 1 : i32
    %scan3A_12 = scf.for %scan3A_93 = %scan3A_8 to %scan3A_10 step %scan3A_11 iter_args(%scan3A_94 = %scan3A_7) -> (i32)  : i32 {
      %mul3A_95 = arith.constant 632 : i32
      %mul3A_96 = arith.muli %arg1, %mul3A_95 : i32
      %mul3A_97 = arith.constant 128 : i32
      %mul3A_98 = arith.muli %scan3A_93, %mul3A_97 : i32
      %add3A_99 = arith.addi %mul3A_96, %mul3A_98 : i32
      "tpu.region"() ({
        %run_scoped3A = tpu.sem_alloc : memref<!tpu.dma_semaphore, #tpu.memory_space<semaphore_mem>>
        %dma_start3A_101 = arith.constant 0 : i32
        %dma_start3A_102 = tpu.memref_slice %arg15[%add3A_99, %dma_start3A_101] : memref<10112x128xf32, #tpu.memory_space<vmem_shared>> -> memref<128x128xf32, #tpu.memory_space<vmem_shared>>
        %dma_start3A_103 = arith.constant 0 : i32
        %dma_start3A_104 = tpu.memref_slice %arg15[%add3A_99, %dma_start3A_103] : memref<10112x128xf32, #tpu.memory_space<vmem_shared>> -> memref<128x128xf32, #tpu.memory_space<vmem_shared>>
        tpu.enqueue_dma source(%arg12 : memref<128x128xf32, #tpu.memory_space<vmem>>) target(%dma_start3A_104 : memref<128x128xf32, #tpu.memory_space<vmem_shared>>) target_semaphore(%run_scoped3A : memref<!tpu.dma_semaphore, #tpu.memory_space<semaphore_mem>>)
        %dma_wait3A_105 = arith.constant 0 : i32
        %dma_wait3A_106 = tpu.memref_slice %arg15[%add3A_99, %dma_wait3A_105] : memref<10112x128xf32, #tpu.memory_space<vmem_shared>> -> memref<128x128xf32, #tpu.memory_space<vmem_shared>>
        %dma_wait3A_107 = arith.constant 0 : i32
        %dma_wait3A_108 = tpu.memref_slice %arg15[%add3A_99, %dma_wait3A_107] : memref<10112x128xf32, #tpu.memory_space<vmem_shared>> -> memref<128x128xf32, #tpu.memory_space<vmem_shared>>
        tpu.wait_dma2 semaphore(%run_scoped3A : memref<!tpu.dma_semaphore, #tpu.memory_space<semaphore_mem>>) src(%arg12 : memref<128x128xf32, #tpu.memory_space<vmem>>) dst(%dma_wait3A_108 : memref<128x128xf32, #tpu.memory_space<vmem_shared>>)
        tpu.yield
      }) : () -> ()
      %scan3A_100 = arith.constant 0 : i32
      scf.yield %scan3A_100 : i32
    }
    %scan3A_13 = arith.constant 4 : i32
    %mul3A = arith.constant 632 : i32
    %mul3A_14 = arith.muli %arg1, %mul3A : i32
    %add3A = arith.constant 512 : i32
    %add3A_15 = arith.addi %mul3A_14, %add3A : i32
    "tpu.region"() ({
      %run_scoped3A = tpu.sem_alloc : memref<!tpu.dma_semaphore, #tpu.memory_space<semaphore_mem>>
      %dma_start3A_93 = arith.constant 0 : i32
      %dma_start3A_94 = arith.constant 0 : i32
      %dma_start3A_95 = tpu.memref_slice %arg12[%dma_start3A_93, %dma_start3A_94] : memref<128x128xf32, #tpu.memory_space<vmem>> -> memref<120x128xf32, #tpu.memory_space<vmem>>
      %dma_start3A_96 = arith.constant 0 : i32
      %dma_start3A_97 = tpu.memref_slice %arg15[%add3A_15, %dma_start3A_96] : memref<10112x128xf32, #tpu.memory_space<vmem_shared>> -> memref<120x128xf32, #tpu.memory_space<vmem_shared>>
      %dma_start3A_98 = arith.constant 0 : i32
      %dma_start3A_99 = tpu.memref_slice %arg15[%add3A_15, %dma_start3A_98] : memref<10112x128xf32, #tpu.memory_space<vmem_shared>> -> memref<120x128xf32, #tpu.memory_space<vmem_shared>>
      %dma_start3A_100 = arith.constant 0 : i32
      %dma_start3A_101 = arith.constant 0 : i32
      %dma_start3A_102 = tpu.memref_slice %arg12[%dma_start3A_100, %dma_start3A_101] : memref<128x128xf32, #tpu.memory_space<vmem>> -> memref<120x128xf32, #tpu.memory_space<vmem>>
      tpu.enqueue_dma source(%dma_start3A_102 : memref<120x128xf32, #tpu.memory_space<vmem>>) target(%dma_start3A_99 : memref<120x128xf32, #tpu.memory_space<vmem_shared>>) target_semaphore(%run_scoped3A : memref<!tpu.dma_semaphore, #tpu.memory_space<semaphore_mem>>)
      %dma_wait3A_103 = arith.constant 0 : i32
      %dma_wait3A_104 = arith.constant 0 : i32
      %dma_wait3A_105 = tpu.memref_slice %arg12[%dma_wait3A_103, %dma_wait3A_104] : memref<128x128xf32, #tpu.memory_space<vmem>> -> memref<120x128xf32, #tpu.memory_space<vmem>>
      %dma_wait3A_106 = arith.constant 0 : i32
      %dma_wait3A_107 = tpu.memref_slice %arg15[%add3A_15, %dma_wait3A_106] : memref<10112x128xf32, #tpu.memory_space<vmem_shared>> -> memref<120x128xf32, #tpu.memory_space<vmem_shared>>
      %dma_wait3A_108 = arith.constant 0 : i32
      %dma_wait3A_109 = tpu.memref_slice %arg15[%add3A_15, %dma_wait3A_108] : memref<10112x128xf32, #tpu.memory_space<vmem_shared>> -> memref<120x128xf32, #tpu.memory_space<vmem_shared>>
      %dma_wait3A_110 = arith.constant 0 : i32
      %dma_wait3A_111 = arith.constant 0 : i32
      %dma_wait3A_112 = tpu.memref_slice %arg12[%dma_wait3A_110, %dma_wait3A_111] : memref<128x128xf32, #tpu.memory_space<vmem>> -> memref<120x128xf32, #tpu.memory_space<vmem>>
      tpu.wait_dma2 semaphore(%run_scoped3A : memref<!tpu.dma_semaphore, #tpu.memory_space<semaphore_mem>>) src(%dma_wait3A_112 : memref<120x128xf32, #tpu.memory_space<vmem>>) dst(%dma_wait3A_109 : memref<120x128xf32, #tpu.memory_space<vmem_shared>>)
      tpu.yield
    }) : () -> ()
    %barrier3A = arith.constant 0 : index
    tpu.barrier barrier_id(%barrier3A)
    %mul3A_16 = arith.constant 16 : i32
    %mul3A_17 = arith.muli %arg0, %mul3A_16 : i32
    %add3A_18 = arith.addi %mul3A_17, %arg1 : i32
    %lt3A = arith.constant 31 : i32
    %lt3A_19 = arith.cmpi slt, %add3A_18, %lt3A : i32
    %jit3A = arith.constant 80 : i32
    %jit3A_20 = arith.constant 20 : i32
    %select_n3A = arith.select %lt3A_19, %jit3A, %jit3A_20 : i32
    %mul3A_21 = arith.constant 80 : i32
    %mul3A_22 = arith.muli %add3A_18, %mul3A_21 : i32
    %mul3A_23 = arith.constant 128 : i32
    %mul3A_24 = arith.muli %mul3A_22, %mul3A_23 : i32
    %add3A_25 = arith.constant 0 : i32
    %add3A_26 = arith.addi %mul3A_24, %add3A_25 : i32
    %dma_start3A = tpu.memref_slice %arg3[%add3A_26] : memref<320000xi32, #tpu.memory_space<hbm>> -> memref<128xi32, #tpu.memory_space<hbm>>
    %dma_start3A_27 = tpu.memref_slice %arg3[%add3A_26] : memref<320000xi32, #tpu.memory_space<hbm>> -> memref<128xi32, #tpu.memory_space<hbm>>
    tpu.enqueue_dma source(%dma_start3A_27 : memref<128xi32, #tpu.memory_space<hbm>>) target(%arg6 : memref<128xi32, #tpu.memory_space<vmem>>) target_semaphore(%arg16 : memref<!tpu.dma_semaphore, #tpu.memory_space<semaphore_mem>>)
    %add3A_28 = arith.constant 0 : i32
    %add3A_29 = arith.addi %mul3A_24, %add3A_28 : i32
    %dma_start3A_30 = tpu.memref_slice %arg4[%add3A_29] : memref<320000xi32, #tpu.memory_space<hbm>> -> memref<128xi32, #tpu.memory_space<hbm>>
    %dma_start3A_31 = tpu.memref_slice %arg4[%add3A_29] : memref<320000xi32, #tpu.memory_space<hbm>> -> memref<128xi32, #tpu.memory_space<hbm>>
    tpu.enqueue_dma source(%dma_start3A_31 : memref<128xi32, #tpu.memory_space<hbm>>) target(%arg9 : memref<128xi32, #tpu.memory_space<vmem>>) target_semaphore(%arg19 : memref<!tpu.dma_semaphore, #tpu.memory_space<semaphore_mem>>)
    %add3A_32 = arith.constant 128 : i32
    %add3A_33 = arith.addi %mul3A_24, %add3A_32 : i32
    %dma_start3A_34 = tpu.memref_slice %arg3[%add3A_33] : memref<320000xi32, #tpu.memory_space<hbm>> -> memref<128xi32, #tpu.memory_space<hbm>>
    %dma_start3A_35 = tpu.memref_slice %arg3[%add3A_33] : memref<320000xi32, #tpu.memory_space<hbm>> -> memref<128xi32, #tpu.memory_space<hbm>>
    tpu.enqueue_dma source(%dma_start3A_35 : memref<128xi32, #tpu.memory_space<hbm>>) target(%arg7 : memref<128xi32, #tpu.memory_space<vmem>>) target_semaphore(%arg17 : memref<!tpu.dma_semaphore, #tpu.memory_space<semaphore_mem>>)
    %add3A_36 = arith.constant 128 : i32
    %add3A_37 = arith.addi %mul3A_24, %add3A_36 : i32
    %dma_start3A_38 = tpu.memref_slice %arg4[%add3A_37] : memref<320000xi32, #tpu.memory_space<hbm>> -> memref<128xi32, #tpu.memory_space<hbm>>
    %dma_start3A_39 = tpu.memref_slice %arg4[%add3A_37] : memref<320000xi32, #tpu.memory_space<hbm>> -> memref<128xi32, #tpu.memory_space<hbm>>
    tpu.enqueue_dma source(%dma_start3A_39 : memref<128xi32, #tpu.memory_space<hbm>>) target(%arg10 : memref<128xi32, #tpu.memory_space<vmem>>) target_semaphore(%arg20 : memref<!tpu.dma_semaphore, #tpu.memory_space<semaphore_mem>>)
    %add3A_40 = arith.constant 256 : i32
    %add3A_41 = arith.addi %mul3A_24, %add3A_40 : i32
    %dma_start3A_42 = tpu.memref_slice %arg3[%add3A_41] : memref<320000xi32, #tpu.memory_space<hbm>> -> memref<128xi32, #tpu.memory_space<hbm>>
    %dma_start3A_43 = tpu.memref_slice %arg3[%add3A_41] : memref<320000xi32, #tpu.memory_space<hbm>> -> memref<128xi32, #tpu.memory_space<hbm>>
    tpu.enqueue_dma source(%dma_start3A_43 : memref<128xi32, #tpu.memory_space<hbm>>) target(%arg8 : memref<128xi32, #tpu.memory_space<vmem>>) target_semaphore(%arg18 : memref<!tpu.dma_semaphore, #tpu.memory_space<semaphore_mem>>)
    %add3A_44 = arith.constant 256 : i32
    %add3A_45 = arith.addi %mul3A_24, %add3A_44 : i32
    %dma_start3A_46 = tpu.memref_slice %arg4[%add3A_45] : memref<320000xi32, #tpu.memory_space<hbm>> -> memref<128xi32, #tpu.memory_space<hbm>>
    %dma_start3A_47 = tpu.memref_slice %arg4[%add3A_45] : memref<320000xi32, #tpu.memory_space<hbm>> -> memref<128xi32, #tpu.memory_space<hbm>>
    tpu.enqueue_dma source(%dma_start3A_47 : memref<128xi32, #tpu.memory_space<hbm>>) target(%arg11 : memref<128xi32, #tpu.memory_space<vmem>>) target_semaphore(%arg21 : memref<!tpu.dma_semaphore, #tpu.memory_space<semaphore_mem>>)
    %dma_wait3A = tpu.memref_slice %arg4[%mul3A_24] : memref<320000xi32, #tpu.memory_space<hbm>> -> memref<128xi32, #tpu.memory_space<hbm>>
    %dma_wait3A_48 = tpu.memref_slice %arg4[%mul3A_24] : memref<320000xi32, #tpu.memory_space<hbm>> -> memref<128xi32, #tpu.memory_space<hbm>>
    tpu.wait_dma2 semaphore(%arg16 : memref<!tpu.dma_semaphore, #tpu.memory_space<semaphore_mem>>) src(%dma_wait3A_48 : memref<128xi32, #tpu.memory_space<hbm>>) dst(%arg6 : memref<128xi32, #tpu.memory_space<vmem>>)
    %dma_start3A_49 = arith.constant 0 : i32
    %dma_start3A_50 = arith.constant 0 : i32
    %dma_start3A_51 = tpu.memref_slice %arg2[%dma_start3A_49, %dma_start3A_50] : memref<10000x128xf32, #tpu.memory_space<hbm>> -> memref<10000x128xf32, #tpu.memory_space<hbm>>
    tpu.enqueue_indirect_dma source(%dma_start3A_51 : memref<10000x128xf32, #tpu.memory_space<hbm>>) target(%arg12 : memref<128x128xf32, #tpu.memory_space<vmem>>) offsets(%arg6 : memref<128xi32, #tpu.memory_space<vmem>>) semaphore(%arg22 : memref<!tpu.dma_semaphore, #tpu.memory_space<semaphore_mem>>)
    %dma_wait3A_52 = tpu.memref_slice %arg4[%mul3A_24] : memref<320000xi32, #tpu.memory_space<hbm>> -> memref<128xi32, #tpu.memory_space<hbm>>
    %dma_wait3A_53 = tpu.memref_slice %arg4[%mul3A_24] : memref<320000xi32, #tpu.memory_space<hbm>> -> memref<128xi32, #tpu.memory_space<hbm>>
    tpu.wait_dma2 semaphore(%arg17 : memref<!tpu.dma_semaphore, #tpu.memory_space<semaphore_mem>>) src(%dma_wait3A_53 : memref<128xi32, #tpu.memory_space<hbm>>) dst(%arg7 : memref<128xi32, #tpu.memory_space<vmem>>)
    %dma_start3A_54 = arith.constant 0 : i32
    %dma_start3A_55 = arith.constant 0 : i32
    %dma_start3A_56 = tpu.memref_slice %arg2[%dma_start3A_54, %dma_start3A_55] : memref<10000x128xf32, #tpu.memory_space<hbm>> -> memref<10000x128xf32, #tpu.memory_space<hbm>>
    tpu.enqueue_indirect_dma source(%dma_start3A_56 : memref<10000x128xf32, #tpu.memory_space<hbm>>) target(%arg13 : memref<128x128xf32, #tpu.memory_space<vmem>>) offsets(%arg7 : memref<128xi32, #tpu.memory_space<vmem>>) semaphore(%arg23 : memref<!tpu.dma_semaphore, #tpu.memory_space<semaphore_mem>>)
    %sub3A = arith.constant 2 : i32
    %sub3A_57 = arith.subi %select_n3A, %sub3A : i32
    %sub3A_58 = arith.constant 0 : i32
    %sub3A_59 = arith.subi %sub3A_57, %sub3A_58 : i32
    %sub3A_60 = arith.constant 3 : i32
    %sub3A_61 = arith.constant 1 : i32
    %sub3A_62 = arith.subi %sub3A_60, %sub3A_61 : i32
    %add3A_63 = arith.addi %sub3A_59, %sub3A_62 : i32
    %div3A = arith.constant 3 : i32
    %div3A_64 = arith.divsi %add3A_63, %div3A : i32
    %while3A = arith.constant 3 : i32
    %while3A_65 = arith.constant 0 : i32
    %while3A_66 = arith.constant 0 : i32
    %while3A_67 = arith.subi %div3A_64, %while3A_66 : i32
    %while3A_68 = arith.addi %while3A_66, %while3A_67 : i32
    %while3A_69 = arith.constant 1 : i32
    %while3A_70 = arith.divsi %while3A_67, %while3A_69 : i32
    %while3A_71 = arith.muli %while3A_70, %while3A_69 : i32
    %while3A_72 = arith.addi %while3A_66, %while3A_71 : i32
    %while3A_73 = arith.constant 1 : i32
    scf.for %while3A_93 = %while3A_66 to %while3A_72 step %while3A_73  : i32 {
      %mul3A_94 = arith.muli %while3A_93, %while3A : i32
      %add3A_95 = arith.addi %while3A_65, %mul3A_94 : i32
      %add3A_96 = arith.constant 0 : i32
      %add3A_97 = arith.addi %add3A_95, %add3A_96 : i32
      %dma_wait3A_98 = arith.constant 0 : i32
      %dma_wait3A_99 = arith.constant 0 : i32
      %dma_wait3A_100 = tpu.memref_slice %arg2[%dma_wait3A_98, %dma_wait3A_99] : memref<10000x128xf32, #tpu.memory_space<hbm>> -> memref<10000x128xf32, #tpu.memory_space<hbm>>
      tpu.wait_indirect_dma semaphore(%arg22 : memref<!tpu.dma_semaphore, #tpu.memory_space<semaphore_mem>>) src(%dma_wait3A_100 : memref<10000x128xf32, #tpu.memory_space<hbm>>) dst(%arg12 : memref<128x128xf32, #tpu.memory_space<vmem>>)
      %dma_wait3A_101 = tpu.memref_slice %arg4[%mul3A_24] : memref<320000xi32, #tpu.memory_space<hbm>> -> memref<128xi32, #tpu.memory_space<hbm>>
      %dma_wait3A_102 = tpu.memref_slice %arg4[%mul3A_24] : memref<320000xi32, #tpu.memory_space<hbm>> -> memref<128xi32, #tpu.memory_space<hbm>>
      tpu.wait_dma2 semaphore(%arg19 : memref<!tpu.dma_semaphore, #tpu.memory_space<semaphore_mem>>) src(%dma_wait3A_102 : memref<128xi32, #tpu.memory_space<hbm>>) dst(%arg9 : memref<128xi32, #tpu.memory_space<vmem>>)
      "tpu.region"() ({
        %run_scoped3A = tpu.sem_alloc : memref<!tpu.dma_semaphore, #tpu.memory_space<semaphore_mem>>
        %dma_start3A_153 = arith.constant 0 : i32
        %dma_start3A_154 = arith.constant 0 : i32
        %dma_start3A_155 = tpu.memref_slice %arg15[%dma_start3A_153, %dma_start3A_154] : memref<10112x128xf32, #tpu.memory_space<vmem_shared>> -> memref<10112x128xf32, #tpu.memory_space<vmem_shared>>
        tpu.enqueue_indirect_dma source(%arg12 : memref<128x128xf32, #tpu.memory_space<vmem>>) target(%dma_start3A_155 : memref<10112x128xf32, #tpu.memory_space<vmem_shared>>) offsets(%arg9 : memref<128xi32, #tpu.memory_space<vmem>>) semaphore(%run_scoped3A : memref<!tpu.dma_semaphore, #tpu.memory_space<semaphore_mem>>) {add = true}
        %dma_wait3A_156 = arith.constant 0 : i32
        %dma_wait3A_157 = arith.constant 0 : i32
        %dma_wait3A_158 = tpu.memref_slice %arg15[%dma_wait3A_156, %dma_wait3A_157] : memref<10112x128xf32, #tpu.memory_space<vmem_shared>> -> memref<10112x128xf32, #tpu.memory_space<vmem_shared>>
        tpu.wait_indirect_dma semaphore(%run_scoped3A : memref<!tpu.dma_semaphore, #tpu.memory_space<semaphore_mem>>) src(%arg12 : memref<128x128xf32, #tpu.memory_space<vmem>>) dst(%dma_wait3A_158 : memref<10112x128xf32, #tpu.memory_space<vmem_shared>>)
        tpu.yield
      }) : () -> ()
      %add3A_103 = arith.constant 3 : i32
      %add3A_104 = arith.addi %add3A_97, %add3A_103 : i32
      %lt3A_105 = arith.cmpi slt, %add3A_104, %select_n3A : i32
      %convert_element_type3A_106 = arith.extui %lt3A_105 : i1 to i32
      %cond3A_107 = arith.constant 0 : i32
      %cond3A_108 = arith.cmpi ne, %convert_element_type3A_106, %cond3A_107 : i32
      scf.if %cond3A_108 {
        %add3A_153 = arith.constant 3 : i32
        %add3A_154 = arith.addi %add3A_97, %add3A_153 : i32
        %mul3A_155 = arith.constant 128 : i32
        %mul3A_156 = arith.muli %add3A_154, %mul3A_155 : i32
        %add3A_157 = arith.addi %mul3A_24, %mul3A_156 : i32
        %dma_start3A_158 = tpu.memref_slice %arg3[%add3A_157] : memref<320000xi32, #tpu.memory_space<hbm>> -> memref<128xi32, #tpu.memory_space<hbm>>
        %dma_start3A_159 = tpu.memref_slice %arg3[%add3A_157] : memref<320000xi32, #tpu.memory_space<hbm>> -> memref<128xi32, #tpu.memory_space<hbm>>
        tpu.enqueue_dma source(%dma_start3A_159 : memref<128xi32, #tpu.memory_space<hbm>>) target(%arg6 : memref<128xi32, #tpu.memory_space<vmem>>) target_semaphore(%arg16 : memref<!tpu.dma_semaphore, #tpu.memory_space<semaphore_mem>>)
        %mul3A_160 = arith.constant 128 : i32
        %mul3A_161 = arith.muli %add3A_154, %mul3A_160 : i32
        %add3A_162 = arith.addi %mul3A_24, %mul3A_161 : i32
        %dma_start3A_163 = tpu.memref_slice %arg4[%add3A_162] : memref<320000xi32, #tpu.memory_space<hbm>> -> memref<128xi32, #tpu.memory_space<hbm>>
        %dma_start3A_164 = tpu.memref_slice %arg4[%add3A_162] : memref<320000xi32, #tpu.memory_space<hbm>> -> memref<128xi32, #tpu.memory_space<hbm>>
        tpu.enqueue_dma source(%dma_start3A_164 : memref<128xi32, #tpu.memory_space<hbm>>) target(%arg9 : memref<128xi32, #tpu.memory_space<vmem>>) target_semaphore(%arg19 : memref<!tpu.dma_semaphore, #tpu.memory_space<semaphore_mem>>)
      } else {
      }
      %add3A_109 = arith.constant 2 : i32
      %add3A_110 = arith.addi %add3A_97, %add3A_109 : i32
      %lt3A_111 = arith.cmpi slt, %add3A_110, %select_n3A : i32
      %convert_element_type3A_112 = arith.extui %lt3A_111 : i1 to i32
      %cond3A_113 = arith.constant 0 : i32
      %cond3A_114 = arith.cmpi ne, %convert_element_type3A_112, %cond3A_113 : i32
      scf.if %cond3A_114 {
        %dma_wait3A_153 = tpu.memref_slice %arg4[%mul3A_24] : memref<320000xi32, #tpu.memory_space<hbm>> -> memref<128xi32, #tpu.memory_space<hbm>>
        %dma_wait3A_154 = tpu.memref_slice %arg4[%mul3A_24] : memref<320000xi32, #tpu.memory_space<hbm>> -> memref<128xi32, #tpu.memory_space<hbm>>
        tpu.wait_dma2 semaphore(%arg18 : memref<!tpu.dma_semaphore, #tpu.memory_space<semaphore_mem>>) src(%dma_wait3A_154 : memref<128xi32, #tpu.memory_space<hbm>>) dst(%arg8 : memref<128xi32, #tpu.memory_space<vmem>>)
        %dma_start3A_155 = arith.constant 0 : i32
        %dma_start3A_156 = arith.constant 0 : i32
        %dma_start3A_157 = tpu.memref_slice %arg2[%dma_start3A_155, %dma_start3A_156] : memref<10000x128xf32, #tpu.memory_space<hbm>> -> memref<10000x128xf32, #tpu.memory_space<hbm>>
        tpu.enqueue_indirect_dma source(%dma_start3A_157 : memref<10000x128xf32, #tpu.memory_space<hbm>>) target(%arg14 : memref<128x128xf32, #tpu.memory_space<vmem>>) offsets(%arg8 : memref<128xi32, #tpu.memory_space<vmem>>) semaphore(%arg24 : memref<!tpu.dma_semaphore, #tpu.memory_space<semaphore_mem>>)
      } else {
      }
      %add3A_115 = arith.constant 1 : i32
      %add3A_116 = arith.addi %add3A_95, %add3A_115 : i32
      %dma_wait3A_117 = arith.constant 0 : i32
      %dma_wait3A_118 = arith.constant 0 : i32
      %dma_wait3A_119 = tpu.memref_slice %arg2[%dma_wait3A_117, %dma_wait3A_118] : memref<10000x128xf32, #tpu.memory_space<hbm>> -> memref<10000x128xf32, #tpu.memory_space<hbm>>
      tpu.wait_indirect_dma semaphore(%arg23 : memref<!tpu.dma_semaphore, #tpu.memory_space<semaphore_mem>>) src(%dma_wait3A_119 : memref<10000x128xf32, #tpu.memory_space<hbm>>) dst(%arg13 : memref<128x128xf32, #tpu.memory_space<vmem>>)
      %dma_wait3A_120 = tpu.memref_slice %arg4[%mul3A_24] : memref<320000xi32, #tpu.memory_space<hbm>> -> memref<128xi32, #tpu.memory_space<hbm>>
      %dma_wait3A_121 = tpu.memref_slice %arg4[%mul3A_24] : memref<320000xi32, #tpu.memory_space<hbm>> -> memref<128xi32, #tpu.memory_space<hbm>>
      tpu.wait_dma2 semaphore(%arg20 : memref<!tpu.dma_semaphore, #tpu.memory_space<semaphore_mem>>) src(%dma_wait3A_121 : memref<128xi32, #tpu.memory_space<hbm>>) dst(%arg10 : memref<128xi32, #tpu.memory_space<vmem>>)
      "tpu.region"() ({
        %run_scoped3A = tpu.sem_alloc : memref<!tpu.dma_semaphore, #tpu.memory_space<semaphore_mem>>
        %dma_start3A_153 = arith.constant 0 : i32
        %dma_start3A_154 = arith.constant 0 : i32
        %dma_start3A_155 = tpu.memref_slice %arg15[%dma_start3A_153, %dma_start3A_154] : memref<10112x128xf32, #tpu.memory_space<vmem_shared>> -> memref<10112x128xf32, #tpu.memory_space<vmem_shared>>
        tpu.enqueue_indirect_dma source(%arg13 : memref<128x128xf32, #tpu.memory_space<vmem>>) target(%dma_start3A_155 : memref<10112x128xf32, #tpu.memory_space<vmem_shared>>) offsets(%arg10 : memref<128xi32, #tpu.memory_space<vmem>>) semaphore(%run_scoped3A : memref<!tpu.dma_semaphore, #tpu.memory_space<semaphore_mem>>) {add = true}
        %dma_wait3A_156 = arith.constant 0 : i32
        %dma_wait3A_157 = arith.constant 0 : i32
        %dma_wait3A_158 = tpu.memref_slice %arg15[%dma_wait3A_156, %dma_wait3A_157] : memref<10112x128xf32, #tpu.memory_space<vmem_shared>> -> memref<10112x128xf32, #tpu.memory_space<vmem_shared>>
        tpu.wait_indirect_dma semaphore(%run_scoped3A : memref<!tpu.dma_semaphore, #tpu.memory_space<semaphore_mem>>) src(%arg13 : memref<128x128xf32, #tpu.memory_space<vmem>>) dst(%dma_wait3A_158 : memref<10112x128xf32, #tpu.memory_space<vmem_shared>>)
        tpu.yield
      }) : () -> ()
      %add3A_122 = arith.constant 3 : i32
      %add3A_123 = arith.addi %add3A_116, %add3A_122 : i32
      %lt3A_124 = arith.cmpi slt, %add3A_123, %select_n3A : i32
      %convert_element_type3A_125 = arith.extui %lt3A_124 : i1 to i32
      %cond3A_126 = arith.constant 0 : i32
      %cond3A_127 = arith.cmpi ne, %convert_element_type3A_125, %cond3A_126 : i32
      scf.if %cond3A_127 {
        %add3A_153 = arith.constant 3 : i32
        %add3A_154 = arith.addi %add3A_116, %add3A_153 : i32
        %mul3A_155 = arith.constant 128 : i32
        %mul3A_156 = arith.muli %add3A_154, %mul3A_155 : i32
        %add3A_157 = arith.addi %mul3A_24, %mul3A_156 : i32
        %dma_start3A_158 = tpu.memref_slice %arg3[%add3A_157] : memref<320000xi32, #tpu.memory_space<hbm>> -> memref<128xi32, #tpu.memory_space<hbm>>
        %dma_start3A_159 = tpu.memref_slice %arg3[%add3A_157] : memref<320000xi32, #tpu.memory_space<hbm>> -> memref<128xi32, #tpu.memory_space<hbm>>
        tpu.enqueue_dma source(%dma_start3A_159 : memref<128xi32, #tpu.memory_space<hbm>>) target(%arg7 : memref<128xi32, #tpu.memory_space<vmem>>) target_semaphore(%arg17 : memref<!tpu.dma_semaphore, #tpu.memory_space<semaphore_mem>>)
        %mul3A_160 = arith.constant 128 : i32
        %mul3A_161 = arith.muli %add3A_154, %mul3A_160 : i32
        %add3A_162 = arith.addi %mul3A_24, %mul3A_161 : i32
        %dma_start3A_163 = tpu.memref_slice %arg4[%add3A_162] : memref<320000xi32, #tpu.memory_space<hbm>> -> memref<128xi32, #tpu.memory_space<hbm>>
        %dma_start3A_164 = tpu.memref_slice %arg4[%add3A_162] : memref<320000xi32, #tpu.memory_space<hbm>> -> memref<128xi32, #tpu.memory_space<hbm>>
        tpu.enqueue_dma source(%dma_start3A_164 : memref<128xi32, #tpu.memory_space<hbm>>) target(%arg10 : memref<128xi32, #tpu.memory_space<vmem>>) target_semaphore(%arg20 : memref<!tpu.dma_semaphore, #tpu.memory_space<semaphore_mem>>)
      } else {
      }
      %add3A_128 = arith.constant 2 : i32
      %add3A_129 = arith.addi %add3A_116, %add3A_128 : i32
      %lt3A_130 = arith.cmpi slt, %add3A_129, %select_n3A : i32
      %convert_element_type3A_131 = arith.extui %lt3A_130 : i1 to i32
      %cond3A_132 = arith.constant 0 : i32
      %cond3A_133 = arith.cmpi ne, %convert_element_type3A_131, %cond3A_132 : i32
      scf.if %cond3A_133 {
        %dma_wait3A_153 = tpu.memref_slice %arg4[%mul3A_24] : memref<320000xi32, #tpu.memory_space<hbm>> -> memref<128xi32, #tpu.memory_space<hbm>>
        %dma_wait3A_154 = tpu.memref_slice %arg4[%mul3A_24] : memref<320000xi32, #tpu.memory_space<hbm>> -> memref<128xi32, #tpu.memory_space<hbm>>
        tpu.wait_dma2 semaphore(%arg16 : memref<!tpu.dma_semaphore, #tpu.memory_space<semaphore_mem>>) src(%dma_wait3A_154 : memref<128xi32, #tpu.memory_space<hbm>>) dst(%arg6 : memref<128xi32, #tpu.memory_space<vmem>>)
        %dma_start3A_155 = arith.constant 0 : i32
        %dma_start3A_156 = arith.constant 0 : i32
        %dma_start3A_157 = tpu.memref_slice %arg2[%dma_start3A_155, %dma_start3A_156] : memref<10000x128xf32, #tpu.memory_space<hbm>> -> memref<10000x128xf32, #tpu.memory_space<hbm>>
        tpu.enqueue_indirect_dma source(%dma_start3A_157 : memref<10000x128xf32, #tpu.memory_space<hbm>>) target(%arg12 : memref<128x128xf32, #tpu.memory_space<vmem>>) offsets(%arg6 : memref<128xi32, #tpu.memory_space<vmem>>) semaphore(%arg22 : memref<!tpu.dma_semaphore, #tpu.memory_space<semaphore_mem>>)
      } else {
      }
      %add3A_134 = arith.constant 2 : i32
      %add3A_135 = arith.addi %add3A_95, %add3A_134 : i32
      %dma_wait3A_136 = arith.constant 0 : i32
      %dma_wait3A_137 = arith.constant 0 : i32
      %dma_wait3A_138 = tpu.memref_slice %arg2[%dma_wait3A_136, %dma_wait3A_137] : memref<10000x128xf32, #tpu.memory_space<hbm>> -> memref<10000x128xf32, #tpu.memory_space<hbm>>
      tpu.wait_indirect_dma semaphore(%arg24 : memref<!tpu.dma_semaphore, #tpu.memory_space<semaphore_mem>>) src(%dma_wait3A_138 : memref<10000x128xf32, #tpu.memory_space<hbm>>) dst(%arg14 : memref<128x128xf32, #tpu.memory_space<vmem>>)
      %dma_wait3A_139 = tpu.memref_slice %arg4[%mul3A_24] : memref<320000xi32, #tpu.memory_space<hbm>> -> memref<128xi32, #tpu.memory_space<hbm>>
      %dma_wait3A_140 = tpu.memref_slice %arg4[%mul3A_24] : memref<320000xi32, #tpu.memory_space<hbm>> -> memref<128xi32, #tpu.memory_space<hbm>>
      tpu.wait_dma2 semaphore(%arg21 : memref<!tpu.dma_semaphore, #tpu.memory_space<semaphore_mem>>) src(%dma_wait3A_140 : memref<128xi32, #tpu.memory_space<hbm>>) dst(%arg11 : memref<128xi32, #tpu.memory_space<vmem>>)
      "tpu.region"() ({
        %run_scoped3A = tpu.sem_alloc : memref<!tpu.dma_semaphore, #tpu.memory_space<semaphore_mem>>
        %dma_start3A_153 = arith.constant 0 : i32
        %dma_start3A_154 = arith.constant 0 : i32
        %dma_start3A_155 = tpu.memref_slice %arg15[%dma_start3A_153, %dma_start3A_154] : memref<10112x128xf32, #tpu.memory_space<vmem_shared>> -> memref<10112x128xf32, #tpu.memory_space<vmem_shared>>
        tpu.enqueue_indirect_dma source(%arg14 : memref<128x128xf32, #tpu.memory_space<vmem>>) target(%dma_start3A_155 : memref<10112x128xf32, #tpu.memory_space<vmem_shared>>) offsets(%arg11 : memref<128xi32, #tpu.memory_space<vmem>>) semaphore(%run_scoped3A : memref<!tpu.dma_semaphore, #tpu.memory_space<semaphore_mem>>) {add = true}
        %dma_wait3A_156 = arith.constant 0 : i32
        %dma_wait3A_157 = arith.constant 0 : i32
        %dma_wait3A_158 = tpu.memref_slice %arg15[%dma_wait3A_156, %dma_wait3A_157] : memref<10112x128xf32, #tpu.memory_space<vmem_shared>> -> memref<10112x128xf32, #tpu.memory_space<vmem_shared>>
        tpu.wait_indirect_dma semaphore(%run_scoped3A : memref<!tpu.dma_semaphore, #tpu.memory_space<semaphore_mem>>) src(%arg14 : memref<128x128xf32, #tpu.memory_space<vmem>>) dst(%dma_wait3A_158 : memref<10112x128xf32, #tpu.memory_space<vmem_shared>>)
        tpu.yield
      }) : () -> ()
      %add3A_141 = arith.constant 3 : i32
      %add3A_142 = arith.addi %add3A_135, %add3A_141 : i32
      %lt3A_143 = arith.cmpi slt, %add3A_142, %select_n3A : i32
      %convert_element_type3A_144 = arith.extui %lt3A_143 : i1 to i32
      %cond3A_145 = arith.constant 0 : i32
      %cond3A_146 = arith.cmpi ne, %convert_element_type3A_144, %cond3A_145 : i32
      scf.if %cond3A_146 {
        %add3A_153 = arith.constant 3 : i32
        %add3A_154 = arith.addi %add3A_135, %add3A_153 : i32
        %mul3A_155 = arith.constant 128 : i32
        %mul3A_156 = arith.muli %add3A_154, %mul3A_155 : i32
        %add3A_157 = arith.addi %mul3A_24, %mul3A_156 : i32
        %dma_start3A_158 = tpu.memref_slice %arg3[%add3A_157] : memref<320000xi32, #tpu.memory_space<hbm>> -> memref<128xi32, #tpu.memory_space<hbm>>
        %dma_start3A_159 = tpu.memref_slice %arg3[%add3A_157] : memref<320000xi32, #tpu.memory_space<hbm>> -> memref<128xi32, #tpu.memory_space<hbm>>
        tpu.enqueue_dma source(%dma_start3A_159 : memref<128xi32, #tpu.memory_space<hbm>>) target(%arg8 : memref<128xi32, #tpu.memory_space<vmem>>) target_semaphore(%arg18 : memref<!tpu.dma_semaphore, #tpu.memory_space<semaphore_mem>>)
        %mul3A_160 = arith.constant 128 : i32
        %mul3A_161 = arith.muli %add3A_154, %mul3A_160 : i32
        %add3A_162 = arith.addi %mul3A_24, %mul3A_161 : i32
        %dma_start3A_163 = tpu.memref_slice %arg4[%add3A_162] : memref<320000xi32, #tpu.memory_space<hbm>> -> memref<128xi32, #tpu.memory_space<hbm>>
        %dma_start3A_164 = tpu.memref_slice %arg4[%add3A_162] : memref<320000xi32, #tpu.memory_space<hbm>> -> memref<128xi32, #tpu.memory_space<hbm>>
        tpu.enqueue_dma source(%dma_start3A_164 : memref<128xi32, #tpu.memory_space<hbm>>) target(%arg11 : memref<128xi32, #tpu.memory_space<vmem>>) target_semaphore(%arg21 : memref<!tpu.dma_semaphore, #tpu.memory_space<semaphore_mem>>)
      } else {
      }
      %add3A_147 = arith.constant 2 : i32
      %add3A_148 = arith.addi %add3A_135, %add3A_147 : i32
      %lt3A_149 = arith.cmpi slt, %add3A_148, %select_n3A : i32
      %convert_element_type3A_150 = arith.extui %lt3A_149 : i1 to i32
      %cond3A_151 = arith.constant 0 : i32
      %cond3A_152 = arith.cmpi ne, %convert_element_type3A_150, %cond3A_151 : i32
      scf.if %cond3A_152 {
        %dma_wait3A_153 = tpu.memref_slice %arg4[%mul3A_24] : memref<320000xi32, #tpu.memory_space<hbm>> -> memref<128xi32, #tpu.memory_space<hbm>>
        %dma_wait3A_154 = tpu.memref_slice %arg4[%mul3A_24] : memref<320000xi32, #tpu.memory_space<hbm>> -> memref<128xi32, #tpu.memory_space<hbm>>
        tpu.wait_dma2 semaphore(%arg17 : memref<!tpu.dma_semaphore, #tpu.memory_space<semaphore_mem>>) src(%dma_wait3A_154 : memref<128xi32, #tpu.memory_space<hbm>>) dst(%arg7 : memref<128xi32, #tpu.memory_space<vmem>>)
        %dma_start3A_155 = arith.constant 0 : i32
        %dma_start3A_156 = arith.constant 0 : i32
        %dma_start3A_157 = tpu.memref_slice %arg2[%dma_start3A_155, %dma_start3A_156] : memref<10000x128xf32, #tpu.memory_space<hbm>> -> memref<10000x128xf32, #tpu.memory_space<hbm>>
        tpu.enqueue_indirect_dma source(%dma_start3A_157 : memref<10000x128xf32, #tpu.memory_space<hbm>>) target(%arg13 : memref<128x128xf32, #tpu.memory_space<vmem>>) offsets(%arg7 : memref<128xi32, #tpu.memory_space<vmem>>) semaphore(%arg23 : memref<!tpu.dma_semaphore, #tpu.memory_space<semaphore_mem>>)
      } else {
      }
    }
    %while3A_74 = arith.constant 1 : i32
    scf.for %while3A_93 = %while3A_72 to %while3A_68 step %while3A_74  : i32 {
      %mul3A_94 = arith.muli %while3A_93, %while3A : i32
      %add3A_95 = arith.addi %while3A_65, %mul3A_94 : i32
      %add3A_96 = arith.constant 0 : i32
      %add3A_97 = arith.addi %add3A_95, %add3A_96 : i32
      %dma_wait3A_98 = arith.constant 0 : i32
      %dma_wait3A_99 = arith.constant 0 : i32
      %dma_wait3A_100 = tpu.memref_slice %arg2[%dma_wait3A_98, %dma_wait3A_99] : memref<10000x128xf32, #tpu.memory_space<hbm>> -> memref<10000x128xf32, #tpu.memory_space<hbm>>
      tpu.wait_indirect_dma semaphore(%arg22 : memref<!tpu.dma_semaphore, #tpu.memory_space<semaphore_mem>>) src(%dma_wait3A_100 : memref<10000x128xf32, #tpu.memory_space<hbm>>) dst(%arg12 : memref<128x128xf32, #tpu.memory_space<vmem>>)
      %dma_wait3A_101 = tpu.memref_slice %arg4[%mul3A_24] : memref<320000xi32, #tpu.memory_space<hbm>> -> memref<128xi32, #tpu.memory_space<hbm>>
      %dma_wait3A_102 = tpu.memref_slice %arg4[%mul3A_24] : memref<320000xi32, #tpu.memory_space<hbm>> -> memref<128xi32, #tpu.memory_space<hbm>>
      tpu.wait_dma2 semaphore(%arg19 : memref<!tpu.dma_semaphore, #tpu.memory_space<semaphore_mem>>) src(%dma_wait3A_102 : memref<128xi32, #tpu.memory_space<hbm>>) dst(%arg9 : memref<128xi32, #tpu.memory_space<vmem>>)
      "tpu.region"() ({
        %run_scoped3A = tpu.sem_alloc : memref<!tpu.dma_semaphore, #tpu.memory_space<semaphore_mem>>
        %dma_start3A_153 = arith.constant 0 : i32
        %dma_start3A_154 = arith.constant 0 : i32
        %dma_start3A_155 = tpu.memref_slice %arg15[%dma_start3A_153, %dma_start3A_154] : memref<10112x128xf32, #tpu.memory_space<vmem_shared>> -> memref<10112x128xf32, #tpu.memory_space<vmem_shared>>
        tpu.enqueue_indirect_dma source(%arg12 : memref<128x128xf32, #tpu.memory_space<vmem>>) target(%dma_start3A_155 : memref<10112x128xf32, #tpu.memory_space<vmem_shared>>) offsets(%arg9 : memref<128xi32, #tpu.memory_space<vmem>>) semaphore(%run_scoped3A : memref<!tpu.dma_semaphore, #tpu.memory_space<semaphore_mem>>) {add = true}
        %dma_wait3A_156 = arith.constant 0 : i32
        %dma_wait3A_157 = arith.constant 0 : i32
        %dma_wait3A_158 = tpu.memref_slice %arg15[%dma_wait3A_156, %dma_wait3A_157] : memref<10112x128xf32, #tpu.memory_space<vmem_shared>> -> memref<10112x128xf32, #tpu.memory_space<vmem_shared>>
        tpu.wait_indirect_dma semaphore(%run_scoped3A : memref<!tpu.dma_semaphore, #tpu.memory_space<semaphore_mem>>) src(%arg12 : memref<128x128xf32, #tpu.memory_space<vmem>>) dst(%dma_wait3A_158 : memref<10112x128xf32, #tpu.memory_space<vmem_shared>>)
        tpu.yield
      }) : () -> ()
      %add3A_103 = arith.constant 3 : i32
      %add3A_104 = arith.addi %add3A_97, %add3A_103 : i32
      %lt3A_105 = arith.cmpi slt, %add3A_104, %select_n3A : i32
      %convert_element_type3A_106 = arith.extui %lt3A_105 : i1 to i32
      %cond3A_107 = arith.constant 0 : i32
      %cond3A_108 = arith.cmpi ne, %convert_element_type3A_106, %cond3A_107 : i32
      scf.if %cond3A_108 {
        %add3A_153 = arith.constant 3 : i32
        %add3A_154 = arith.addi %add3A_97, %add3A_153 : i32
        %mul3A_155 = arith.constant 128 : i32
        %mul3A_156 = arith.muli %add3A_154, %mul3A_155 : i32
        %add3A_157 = arith.addi %mul3A_24, %mul3A_156 : i32
        %dma_start3A_158 = tpu.memref_slice %arg3[%add3A_157] : memref<320000xi32, #tpu.memory_space<hbm>> -> memref<128xi32, #tpu.memory_space<hbm>>
        %dma_start3A_159 = tpu.memref_slice %arg3[%add3A_157] : memref<320000xi32, #tpu.memory_space<hbm>> -> memref<128xi32, #tpu.memory_space<hbm>>
        tpu.enqueue_dma source(%dma_start3A_159 : memref<128xi32, #tpu.memory_space<hbm>>) target(%arg6 : memref<128xi32, #tpu.memory_space<vmem>>) target_semaphore(%arg16 : memref<!tpu.dma_semaphore, #tpu.memory_space<semaphore_mem>>)
        %mul3A_160 = arith.constant 128 : i32
        %mul3A_161 = arith.muli %add3A_154, %mul3A_160 : i32
        %add3A_162 = arith.addi %mul3A_24, %mul3A_161 : i32
        %dma_start3A_163 = tpu.memref_slice %arg4[%add3A_162] : memref<320000xi32, #tpu.memory_space<hbm>> -> memref<128xi32, #tpu.memory_space<hbm>>
        %dma_start3A_164 = tpu.memref_slice %arg4[%add3A_162] : memref<320000xi32, #tpu.memory_space<hbm>> -> memref<128xi32, #tpu.memory_space<hbm>>
        tpu.enqueue_dma source(%dma_start3A_164 : memref<128xi32, #tpu.memory_space<hbm>>) target(%arg9 : memref<128xi32, #tpu.memory_space<vmem>>) target_semaphore(%arg19 : memref<!tpu.dma_semaphore, #tpu.memory_space<semaphore_mem>>)
      } else {
      }
      %add3A_109 = arith.constant 2 : i32
      %add3A_110 = arith.addi %add3A_97, %add3A_109 : i32
      %lt3A_111 = arith.cmpi slt, %add3A_110, %select_n3A : i32
      %convert_element_type3A_112 = arith.extui %lt3A_111 : i1 to i32
      %cond3A_113 = arith.constant 0 : i32
      %cond3A_114 = arith.cmpi ne, %convert_element_type3A_112, %cond3A_113 : i32
      scf.if %cond3A_114 {
        %dma_wait3A_153 = tpu.memref_slice %arg4[%mul3A_24] : memref<320000xi32, #tpu.memory_space<hbm>> -> memref<128xi32, #tpu.memory_space<hbm>>
        %dma_wait3A_154 = tpu.memref_slice %arg4[%mul3A_24] : memref<320000xi32, #tpu.memory_space<hbm>> -> memref<128xi32, #tpu.memory_space<hbm>>
        tpu.wait_dma2 semaphore(%arg18 : memref<!tpu.dma_semaphore, #tpu.memory_space<semaphore_mem>>) src(%dma_wait3A_154 : memref<128xi32, #tpu.memory_space<hbm>>) dst(%arg8 : memref<128xi32, #tpu.memory_space<vmem>>)
        %dma_start3A_155 = arith.constant 0 : i32
        %dma_start3A_156 = arith.constant 0 : i32
        %dma_start3A_157 = tpu.memref_slice %arg2[%dma_start3A_155, %dma_start3A_156] : memref<10000x128xf32, #tpu.memory_space<hbm>> -> memref<10000x128xf32, #tpu.memory_space<hbm>>
        tpu.enqueue_indirect_dma source(%dma_start3A_157 : memref<10000x128xf32, #tpu.memory_space<hbm>>) target(%arg14 : memref<128x128xf32, #tpu.memory_space<vmem>>) offsets(%arg8 : memref<128xi32, #tpu.memory_space<vmem>>) semaphore(%arg24 : memref<!tpu.dma_semaphore, #tpu.memory_space<semaphore_mem>>)
      } else {
      }
      %add3A_115 = arith.constant 1 : i32
      %add3A_116 = arith.addi %add3A_95, %add3A_115 : i32
      %dma_wait3A_117 = arith.constant 0 : i32
      %dma_wait3A_118 = arith.constant 0 : i32
      %dma_wait3A_119 = tpu.memref_slice %arg2[%dma_wait3A_117, %dma_wait3A_118] : memref<10000x128xf32, #tpu.memory_space<hbm>> -> memref<10000x128xf32, #tpu.memory_space<hbm>>
      tpu.wait_indirect_dma semaphore(%arg23 : memref<!tpu.dma_semaphore, #tpu.memory_space<semaphore_mem>>) src(%dma_wait3A_119 : memref<10000x128xf32, #tpu.memory_space<hbm>>) dst(%arg13 : memref<128x128xf32, #tpu.memory_space<vmem>>)
      %dma_wait3A_120 = tpu.memref_slice %arg4[%mul3A_24] : memref<320000xi32, #tpu.memory_space<hbm>> -> memref<128xi32, #tpu.memory_space<hbm>>
      %dma_wait3A_121 = tpu.memref_slice %arg4[%mul3A_24] : memref<320000xi32, #tpu.memory_space<hbm>> -> memref<128xi32, #tpu.memory_space<hbm>>
      tpu.wait_dma2 semaphore(%arg20 : memref<!tpu.dma_semaphore, #tpu.memory_space<semaphore_mem>>) src(%dma_wait3A_121 : memref<128xi32, #tpu.memory_space<hbm>>) dst(%arg10 : memref<128xi32, #tpu.memory_space<vmem>>)
      "tpu.region"() ({
        %run_scoped3A = tpu.sem_alloc : memref<!tpu.dma_semaphore, #tpu.memory_space<semaphore_mem>>
        %dma_start3A_153 = arith.constant 0 : i32
        %dma_start3A_154 = arith.constant 0 : i32
        %dma_start3A_155 = tpu.memref_slice %arg15[%dma_start3A_153, %dma_start3A_154] : memref<10112x128xf32, #tpu.memory_space<vmem_shared>> -> memref<10112x128xf32, #tpu.memory_space<vmem_shared>>
        tpu.enqueue_indirect_dma source(%arg13 : memref<128x128xf32, #tpu.memory_space<vmem>>) target(%dma_start3A_155 : memref<10112x128xf32, #tpu.memory_space<vmem_shared>>) offsets(%arg10 : memref<128xi32, #tpu.memory_space<vmem>>) semaphore(%run_scoped3A : memref<!tpu.dma_semaphore, #tpu.memory_space<semaphore_mem>>) {add = true}
        %dma_wait3A_156 = arith.constant 0 : i32
        %dma_wait3A_157 = arith.constant 0 : i32
        %dma_wait3A_158 = tpu.memref_slice %arg15[%dma_wait3A_156, %dma_wait3A_157] : memref<10112x128xf32, #tpu.memory_space<vmem_shared>> -> memref<10112x128xf32, #tpu.memory_space<vmem_shared>>
        tpu.wait_indirect_dma semaphore(%run_scoped3A : memref<!tpu.dma_semaphore, #tpu.memory_space<semaphore_mem>>) src(%arg13 : memref<128x128xf32, #tpu.memory_space<vmem>>) dst(%dma_wait3A_158 : memref<10112x128xf32, #tpu.memory_space<vmem_shared>>)
        tpu.yield
      }) : () -> ()
      %add3A_122 = arith.constant 3 : i32
      %add3A_123 = arith.addi %add3A_116, %add3A_122 : i32
      %lt3A_124 = arith.cmpi slt, %add3A_123, %select_n3A : i32
      %convert_element_type3A_125 = arith.extui %lt3A_124 : i1 to i32
      %cond3A_126 = arith.constant 0 : i32
      %cond3A_127 = arith.cmpi ne, %convert_element_type3A_125, %cond3A_126 : i32
      scf.if %cond3A_127 {
        %add3A_153 = arith.constant 3 : i32
        %add3A_154 = arith.addi %add3A_116, %add3A_153 : i32
        %mul3A_155 = arith.constant 128 : i32
        %mul3A_156 = arith.muli %add3A_154, %mul3A_155 : i32
        %add3A_157 = arith.addi %mul3A_24, %mul3A_156 : i32
        %dma_start3A_158 = tpu.memref_slice %arg3[%add3A_157] : memref<320000xi32, #tpu.memory_space<hbm>> -> memref<128xi32, #tpu.memory_space<hbm>>
        %dma_start3A_159 = tpu.memref_slice %arg3[%add3A_157] : memref<320000xi32, #tpu.memory_space<hbm>> -> memref<128xi32, #tpu.memory_space<hbm>>
        tpu.enqueue_dma source(%dma_start3A_159 : memref<128xi32, #tpu.memory_space<hbm>>) target(%arg7 : memref<128xi32, #tpu.memory_space<vmem>>) target_semaphore(%arg17 : memref<!tpu.dma_semaphore, #tpu.memory_space<semaphore_mem>>)
        %mul3A_160 = arith.constant 128 : i32
        %mul3A_161 = arith.muli %add3A_154, %mul3A_160 : i32
        %add3A_162 = arith.addi %mul3A_24, %mul3A_161 : i32
        %dma_start3A_163 = tpu.memref_slice %arg4[%add3A_162] : memref<320000xi32, #tpu.memory_space<hbm>> -> memref<128xi32, #tpu.memory_space<hbm>>
        %dma_start3A_164 = tpu.memref_slice %arg4[%add3A_162] : memref<320000xi32, #tpu.memory_space<hbm>> -> memref<128xi32, #tpu.memory_space<hbm>>
        tpu.enqueue_dma source(%dma_start3A_164 : memref<128xi32, #tpu.memory_space<hbm>>) target(%arg10 : memref<128xi32, #tpu.memory_space<vmem>>) target_semaphore(%arg20 : memref<!tpu.dma_semaphore, #tpu.memory_space<semaphore_mem>>)
      } else {
      }
      %add3A_128 = arith.constant 2 : i32
      %add3A_129 = arith.addi %add3A_116, %add3A_128 : i32
      %lt3A_130 = arith.cmpi slt, %add3A_129, %select_n3A : i32
      %convert_element_type3A_131 = arith.extui %lt3A_130 : i1 to i32
      %cond3A_132 = arith.constant 0 : i32
      %cond3A_133 = arith.cmpi ne, %convert_element_type3A_131, %cond3A_132 : i32
      scf.if %cond3A_133 {
        %dma_wait3A_153 = tpu.memref_slice %arg4[%mul3A_24] : memref<320000xi32, #tpu.memory_space<hbm>> -> memref<128xi32, #tpu.memory_space<hbm>>
        %dma_wait3A_154 = tpu.memref_slice %arg4[%mul3A_24] : memref<320000xi32, #tpu.memory_space<hbm>> -> memref<128xi32, #tpu.memory_space<hbm>>
        tpu.wait_dma2 semaphore(%arg16 : memref<!tpu.dma_semaphore, #tpu.memory_space<semaphore_mem>>) src(%dma_wait3A_154 : memref<128xi32, #tpu.memory_space<hbm>>) dst(%arg6 : memref<128xi32, #tpu.memory_space<vmem>>)
        %dma_start3A_155 = arith.constant 0 : i32
        %dma_start3A_156 = arith.constant 0 : i32
        %dma_start3A_157 = tpu.memref_slice %arg2[%dma_start3A_155, %dma_start3A_156] : memref<10000x128xf32, #tpu.memory_space<hbm>> -> memref<10000x128xf32, #tpu.memory_space<hbm>>
        tpu.enqueue_indirect_dma source(%dma_start3A_157 : memref<10000x128xf32, #tpu.memory_space<hbm>>) target(%arg12 : memref<128x128xf32, #tpu.memory_space<vmem>>) offsets(%arg6 : memref<128xi32, #tpu.memory_space<vmem>>) semaphore(%arg22 : memref<!tpu.dma_semaphore, #tpu.memory_space<semaphore_mem>>)
      } else {
      }
      %add3A_134 = arith.constant 2 : i32
      %add3A_135 = arith.addi %add3A_95, %add3A_134 : i32
      %dma_wait3A_136 = arith.constant 0 : i32
      %dma_wait3A_137 = arith.constant 0 : i32
      %dma_wait3A_138 = tpu.memref_slice %arg2[%dma_wait3A_136, %dma_wait3A_137] : memref<10000x128xf32, #tpu.memory_space<hbm>> -> memref<10000x128xf32, #tpu.memory_space<hbm>>
      tpu.wait_indirect_dma semaphore(%arg24 : memref<!tpu.dma_semaphore, #tpu.memory_space<semaphore_mem>>) src(%dma_wait3A_138 : memref<10000x128xf32, #tpu.memory_space<hbm>>) dst(%arg14 : memref<128x128xf32, #tpu.memory_space<vmem>>)
      %dma_wait3A_139 = tpu.memref_slice %arg4[%mul3A_24] : memref<320000xi32, #tpu.memory_space<hbm>> -> memref<128xi32, #tpu.memory_space<hbm>>
      %dma_wait3A_140 = tpu.memref_slice %arg4[%mul3A_24] : memref<320000xi32, #tpu.memory_space<hbm>> -> memref<128xi32, #tpu.memory_space<hbm>>
      tpu.wait_dma2 semaphore(%arg21 : memref<!tpu.dma_semaphore, #tpu.memory_space<semaphore_mem>>) src(%dma_wait3A_140 : memref<128xi32, #tpu.memory_space<hbm>>) dst(%arg11 : memref<128xi32, #tpu.memory_space<vmem>>)
      "tpu.region"() ({
        %run_scoped3A = tpu.sem_alloc : memref<!tpu.dma_semaphore, #tpu.memory_space<semaphore_mem>>
        %dma_start3A_153 = arith.constant 0 : i32
        %dma_start3A_154 = arith.constant 0 : i32
        %dma_start3A_155 = tpu.memref_slice %arg15[%dma_start3A_153, %dma_start3A_154] : memref<10112x128xf32, #tpu.memory_space<vmem_shared>> -> memref<10112x128xf32, #tpu.memory_space<vmem_shared>>
        tpu.enqueue_indirect_dma source(%arg14 : memref<128x128xf32, #tpu.memory_space<vmem>>) target(%dma_start3A_155 : memref<10112x128xf32, #tpu.memory_space<vmem_shared>>) offsets(%arg11 : memref<128xi32, #tpu.memory_space<vmem>>) semaphore(%run_scoped3A : memref<!tpu.dma_semaphore, #tpu.memory_space<semaphore_mem>>) {add = true}
        %dma_wait3A_156 = arith.constant 0 : i32
        %dma_wait3A_157 = arith.constant 0 : i32
        %dma_wait3A_158 = tpu.memref_slice %arg15[%dma_wait3A_156, %dma_wait3A_157] : memref<10112x128xf32, #tpu.memory_space<vmem_shared>> -> memref<10112x128xf32, #tpu.memory_space<vmem_shared>>
        tpu.wait_indirect_dma semaphore(%run_scoped3A : memref<!tpu.dma_semaphore, #tpu.memory_space<semaphore_mem>>) src(%arg14 : memref<128x128xf32, #tpu.memory_space<vmem>>) dst(%dma_wait3A_158 : memref<10112x128xf32, #tpu.memory_space<vmem_shared>>)
        tpu.yield
      }) : () -> ()
      %add3A_141 = arith.constant 3 : i32
      %add3A_142 = arith.addi %add3A_135, %add3A_141 : i32
      %lt3A_143 = arith.cmpi slt, %add3A_142, %select_n3A : i32
      %convert_element_type3A_144 = arith.extui %lt3A_143 : i1 to i32
      %cond3A_145 = arith.constant 0 : i32
      %cond3A_146 = arith.cmpi ne, %convert_element_type3A_144, %cond3A_145 : i32
      scf.if %cond3A_146 {
        %add3A_153 = arith.constant 3 : i32
        %add3A_154 = arith.addi %add3A_135, %add3A_153 : i32
        %mul3A_155 = arith.constant 128 : i32
        %mul3A_156 = arith.muli %add3A_154, %mul3A_155 : i32
        %add3A_157 = arith.addi %mul3A_24, %mul3A_156 : i32
        %dma_start3A_158 = tpu.memref_slice %arg3[%add3A_157] : memref<320000xi32, #tpu.memory_space<hbm>> -> memref<128xi32, #tpu.memory_space<hbm>>
        %dma_start3A_159 = tpu.memref_slice %arg3[%add3A_157] : memref<320000xi32, #tpu.memory_space<hbm>> -> memref<128xi32, #tpu.memory_space<hbm>>
        tpu.enqueue_dma source(%dma_start3A_159 : memref<128xi32, #tpu.memory_space<hbm>>) target(%arg8 : memref<128xi32, #tpu.memory_space<vmem>>) target_semaphore(%arg18 : memref<!tpu.dma_semaphore, #tpu.memory_space<semaphore_mem>>)
        %mul3A_160 = arith.constant 128 : i32
        %mul3A_161 = arith.muli %add3A_154, %mul3A_160 : i32
        %add3A_162 = arith.addi %mul3A_24, %mul3A_161 : i32
        %dma_start3A_163 = tpu.memref_slice %arg4[%add3A_162] : memref<320000xi32, #tpu.memory_space<hbm>> -> memref<128xi32, #tpu.memory_space<hbm>>
        %dma_start3A_164 = tpu.memref_slice %arg4[%add3A_162] : memref<320000xi32, #tpu.memory_space<hbm>> -> memref<128xi32, #tpu.memory_space<hbm>>
        tpu.enqueue_dma source(%dma_start3A_164 : memref<128xi32, #tpu.memory_space<hbm>>) target(%arg11 : memref<128xi32, #tpu.memory_space<vmem>>) target_semaphore(%arg21 : memref<!tpu.dma_semaphore, #tpu.memory_space<semaphore_mem>>)
      } else {
      }
      %add3A_147 = arith.constant 2 : i32
      %add3A_148 = arith.addi %add3A_135, %add3A_147 : i32
      %lt3A_149 = arith.cmpi slt, %add3A_148, %select_n3A : i32
      %convert_element_type3A_150 = arith.extui %lt3A_149 : i1 to i32
      %cond3A_151 = arith.constant 0 : i32
      %cond3A_152 = arith.cmpi ne, %convert_element_type3A_150, %cond3A_151 : i32
      scf.if %cond3A_152 {
        %dma_wait3A_153 = tpu.memref_slice %arg4[%mul3A_24] : memref<320000xi32, #tpu.memory_space<hbm>> -> memref<128xi32, #tpu.memory_space<hbm>>
        %dma_wait3A_154 = tpu.memref_slice %arg4[%mul3A_24] : memref<320000xi32, #tpu.memory_space<hbm>> -> memref<128xi32, #tpu.memory_space<hbm>>
        tpu.wait_dma2 semaphore(%arg17 : memref<!tpu.dma_semaphore, #tpu.memory_space<semaphore_mem>>) src(%dma_wait3A_154 : memref<128xi32, #tpu.memory_space<hbm>>) dst(%arg7 : memref<128xi32, #tpu.memory_space<vmem>>)
        %dma_start3A_155 = arith.constant 0 : i32
        %dma_start3A_156 = arith.constant 0 : i32
        %dma_start3A_157 = tpu.memref_slice %arg2[%dma_start3A_155, %dma_start3A_156] : memref<10000x128xf32, #tpu.memory_space<hbm>> -> memref<10000x128xf32, #tpu.memory_space<hbm>>
        tpu.enqueue_indirect_dma source(%dma_start3A_157 : memref<10000x128xf32, #tpu.memory_space<hbm>>) target(%arg13 : memref<128x128xf32, #tpu.memory_space<vmem>>) offsets(%arg7 : memref<128xi32, #tpu.memory_space<vmem>>) semaphore(%arg23 : memref<!tpu.dma_semaphore, #tpu.memory_space<semaphore_mem>>)
      } else {
      }
    }
    %dma_wait3A_75 = arith.constant 0 : i32
    %dma_wait3A_76 = arith.constant 0 : i32
    %dma_wait3A_77 = tpu.memref_slice %arg2[%dma_wait3A_75, %dma_wait3A_76] : memref<10000x128xf32, #tpu.memory_space<hbm>> -> memref<10000x128xf32, #tpu.memory_space<hbm>>
    tpu.wait_indirect_dma semaphore(%arg22 : memref<!tpu.dma_semaphore, #tpu.memory_space<semaphore_mem>>) src(%dma_wait3A_77 : memref<10000x128xf32, #tpu.memory_space<hbm>>) dst(%arg12 : memref<128x128xf32, #tpu.memory_space<vmem>>)
    %dma_wait3A_78 = tpu.memref_slice %arg4[%mul3A_24] : memref<320000xi32, #tpu.memory_space<hbm>> -> memref<128xi32, #tpu.memory_space<hbm>>
    %dma_wait3A_79 = tpu.memref_slice %arg4[%mul3A_24] : memref<320000xi32, #tpu.memory_space<hbm>> -> memref<128xi32, #tpu.memory_space<hbm>>
    tpu.wait_dma2 semaphore(%arg19 : memref<!tpu.dma_semaphore, #tpu.memory_space<semaphore_mem>>) src(%dma_wait3A_79 : memref<128xi32, #tpu.memory_space<hbm>>) dst(%arg9 : memref<128xi32, #tpu.memory_space<vmem>>)
    "tpu.region"() ({
      %run_scoped3A = tpu.sem_alloc : memref<!tpu.dma_semaphore, #tpu.memory_space<semaphore_mem>>
      %dma_start3A_93 = arith.constant 0 : i32
      %dma_start3A_94 = arith.constant 0 : i32
      %dma_start3A_95 = tpu.memref_slice %arg15[%dma_start3A_93, %dma_start3A_94] : memref<10112x128xf32, #tpu.memory_space<vmem_shared>> -> memref<10112x128xf32, #tpu.memory_space<vmem_shared>>
      tpu.enqueue_indirect_dma source(%arg12 : memref<128x128xf32, #tpu.memory_space<vmem>>) target(%dma_start3A_95 : memref<10112x128xf32, #tpu.memory_space<vmem_shared>>) offsets(%arg9 : memref<128xi32, #tpu.memory_space<vmem>>) semaphore(%run_scoped3A : memref<!tpu.dma_semaphore, #tpu.memory_space<semaphore_mem>>) {add = true}
      %dma_wait3A_96 = arith.constant 0 : i32
      %dma_wait3A_97 = arith.constant 0 : i32
      %dma_wait3A_98 = tpu.memref_slice %arg15[%dma_wait3A_96, %dma_wait3A_97] : memref<10112x128xf32, #tpu.memory_space<vmem_shared>> -> memref<10112x128xf32, #tpu.memory_space<vmem_shared>>
      tpu.wait_indirect_dma semaphore(%run_scoped3A : memref<!tpu.dma_semaphore, #tpu.memory_space<semaphore_mem>>) src(%arg12 : memref<128x128xf32, #tpu.memory_space<vmem>>) dst(%dma_wait3A_98 : memref<10112x128xf32, #tpu.memory_space<vmem_shared>>)
      tpu.yield
    }) : () -> ()
    %dma_wait3A_80 = arith.constant 0 : i32
    %dma_wait3A_81 = arith.constant 0 : i32
    %dma_wait3A_82 = tpu.memref_slice %arg2[%dma_wait3A_80, %dma_wait3A_81] : memref<10000x128xf32, #tpu.memory_space<hbm>> -> memref<10000x128xf32, #tpu.memory_space<hbm>>
    tpu.wait_indirect_dma semaphore(%arg23 : memref<!tpu.dma_semaphore, #tpu.memory_space<semaphore_mem>>) src(%dma_wait3A_82 : memref<10000x128xf32, #tpu.memory_space<hbm>>) dst(%arg13 : memref<128x128xf32, #tpu.memory_space<vmem>>)
    %dma_wait3A_83 = tpu.memref_slice %arg4[%mul3A_24] : memref<320000xi32, #tpu.memory_space<hbm>> -> memref<128xi32, #tpu.memory_space<hbm>>
    %dma_wait3A_84 = tpu.memref_slice %arg4[%mul3A_24] : memref<320000xi32, #tpu.memory_space<hbm>> -> memref<128xi32, #tpu.memory_space<hbm>>
    tpu.wait_dma2 semaphore(%arg20 : memref<!tpu.dma_semaphore, #tpu.memory_space<semaphore_mem>>) src(%dma_wait3A_84 : memref<128xi32, #tpu.memory_space<hbm>>) dst(%arg10 : memref<128xi32, #tpu.memory_space<vmem>>)
    "tpu.region"() ({
      %run_scoped3A = tpu.sem_alloc : memref<!tpu.dma_semaphore, #tpu.memory_space<semaphore_mem>>
      %dma_start3A_93 = arith.constant 0 : i32
      %dma_start3A_94 = arith.constant 0 : i32
      %dma_start3A_95 = tpu.memref_slice %arg15[%dma_start3A_93, %dma_start3A_94] : memref<10112x128xf32, #tpu.memory_space<vmem_shared>> -> memref<10112x128xf32, #tpu.memory_space<vmem_shared>>
      tpu.enqueue_indirect_dma source(%arg13 : memref<128x128xf32, #tpu.memory_space<vmem>>) target(%dma_start3A_95 : memref<10112x128xf32, #tpu.memory_space<vmem_shared>>) offsets(%arg10 : memref<128xi32, #tpu.memory_space<vmem>>) semaphore(%run_scoped3A : memref<!tpu.dma_semaphore, #tpu.memory_space<semaphore_mem>>) {add = true}
      %dma_wait3A_96 = arith.constant 0 : i32
      %dma_wait3A_97 = arith.constant 0 : i32
      %dma_wait3A_98 = tpu.memref_slice %arg15[%dma_wait3A_96, %dma_wait3A_97] : memref<10112x128xf32, #tpu.memory_space<vmem_shared>> -> memref<10112x128xf32, #tpu.memory_space<vmem_shared>>
      tpu.wait_indirect_dma semaphore(%run_scoped3A : memref<!tpu.dma_semaphore, #tpu.memory_space<semaphore_mem>>) src(%arg13 : memref<128x128xf32, #tpu.memory_space<vmem>>) dst(%dma_wait3A_98 : memref<10112x128xf32, #tpu.memory_space<vmem_shared>>)
      tpu.yield
    }) : () -> ()
    %barrier3A_85 = arith.constant 0 : index
    tpu.barrier barrier_id(%barrier3A_85)
    %lt3A_86 = arith.constant 15 : i32
    %lt3A_87 = arith.cmpi slt, %arg1, %lt3A_86 : i32
    %convert_element_type3A = arith.extui %lt3A_87 : i1 to i32
    %cond3A = arith.constant 0 : i32
    %cond3A_88 = arith.cmpi ne, %convert_element_type3A, %cond3A : i32
    scf.if %cond3A_88 {
      %mul3A_93 = arith.constant 632 : i32
      %mul3A_94 = arith.muli %arg1, %mul3A_93 : i32
      %mul3A_95 = arith.constant 632 : i32
      %mul3A_96 = arith.muli %arg1, %mul3A_95 : i32
      "tpu.region"() ({
        %run_scoped3A = tpu.sem_alloc : memref<!tpu.dma_semaphore, #tpu.memory_space<semaphore_mem>>
        %dma_start3A_97 = arith.constant 0 : i32
        %dma_start3A_98 = tpu.memref_slice %arg5[%arg0, %mul3A_96, %dma_start3A_97] : memref<2x10000x128xf32, #tpu.memory_space<hbm>> -> memref<1x632x128xf32, #tpu.memory_space<hbm>>
        %dma_start3A_99 = tpu.memref_squeeze %dma_start3A_98 : memref<1x632x128xf32, #tpu.memory_space<hbm>> -> memref<632x128xf32, #tpu.memory_space<hbm>>
        %dma_start3A_100 = arith.constant 0 : i32
        %dma_start3A_101 = tpu.memref_slice %arg15[%mul3A_94, %dma_start3A_100] : memref<10112x128xf32, #tpu.memory_space<vmem_shared>> -> memref<632x128xf32, #tpu.memory_space<vmem_shared>>
        tpu.enqueue_dma source(%dma_start3A_101 : memref<632x128xf32, #tpu.memory_space<vmem_shared>>) target(%dma_start3A_99 : memref<632x128xf32, #tpu.memory_space<hbm>>) target_semaphore(%run_scoped3A : memref<!tpu.dma_semaphore, #tpu.memory_space<semaphore_mem>>)
        %dma_wait3A_102 = arith.constant 0 : i32
        %dma_wait3A_103 = tpu.memref_slice %arg5[%arg0, %mul3A_96, %dma_wait3A_102] : memref<2x10000x128xf32, #tpu.memory_space<hbm>> -> memref<1x632x128xf32, #tpu.memory_space<hbm>>
        %dma_wait3A_104 = tpu.memref_squeeze %dma_wait3A_103 : memref<1x632x128xf32, #tpu.memory_space<hbm>> -> memref<632x128xf32, #tpu.memory_space<hbm>>
        %dma_wait3A_105 = arith.constant 0 : i32
        %dma_wait3A_106 = tpu.memref_slice %arg15[%mul3A_94, %dma_wait3A_105] : memref<10112x128xf32, #tpu.memory_space<vmem_shared>> -> memref<632x128xf32, #tpu.memory_space<vmem_shared>>
        tpu.wait_dma2 semaphore(%run_scoped3A : memref<!tpu.dma_semaphore, #tpu.memory_space<semaphore_mem>>) src(%dma_wait3A_106 : memref<632x128xf32, #tpu.memory_space<vmem_shared>>) dst(%dma_wait3A_104 : memref<632x128xf32, #tpu.memory_space<hbm>>)
        tpu.yield
      }) : () -> ()
    } else {
    }
    %eq3A = arith.constant 15 : i32
    %eq3A_89 = arith.cmpi eq, %arg1, %eq3A : i32
    %convert_element_type3A_90 = arith.extui %eq3A_89 : i1 to i32
    %cond3A_91 = arith.constant 0 : i32
    %cond3A_92 = arith.cmpi ne, %convert_element_type3A_90, %cond3A_91 : i32
    scf.if %cond3A_92 {
      "tpu.region"() ({
        %run_scoped3A = tpu.sem_alloc : memref<!tpu.dma_semaphore, #tpu.memory_space<semaphore_mem>>
        %dma_start3A_93 = arith.constant 9480 : i32
        %dma_start3A_94 = arith.constant 0 : i32
        %dma_start3A_95 = tpu.memref_slice %arg5[%arg0, %dma_start3A_93, %dma_start3A_94] : memref<2x10000x128xf32, #tpu.memory_space<hbm>> -> memref<1x520x128xf32, #tpu.memory_space<hbm>>
        %dma_start3A_96 = tpu.memref_squeeze %dma_start3A_95 : memref<1x520x128xf32, #tpu.memory_space<hbm>> -> memref<520x128xf32, #tpu.memory_space<hbm>>
        %dma_start3A_97 = arith.constant 9480 : i32
        %dma_start3A_98 = arith.constant 0 : i32
        %dma_start3A_99 = tpu.memref_slice %arg15[%dma_start3A_97, %dma_start3A_98] : memref<10112x128xf32, #tpu.memory_space<vmem_shared>> -> memref<520x128xf32, #tpu.memory_space<vmem_shared>>
        tpu.enqueue_dma source(%dma_start3A_99 : memref<520x128xf32, #tpu.memory_space<vmem_shared>>) target(%dma_start3A_96 : memref<520x128xf32, #tpu.memory_space<hbm>>) target_semaphore(%run_scoped3A : memref<!tpu.dma_semaphore, #tpu.memory_space<semaphore_mem>>)
        %dma_wait3A_100 = arith.constant 9480 : i32
        %dma_wait3A_101 = arith.constant 0 : i32
        %dma_wait3A_102 = tpu.memref_slice %arg5[%arg0, %dma_wait3A_100, %dma_wait3A_101] : memref<2x10000x128xf32, #tpu.memory_space<hbm>> -> memref<1x520x128xf32, #tpu.memory_space<hbm>>
        %dma_wait3A_103 = tpu.memref_squeeze %dma_wait3A_102 : memref<1x520x128xf32, #tpu.memory_space<hbm>> -> memref<520x128xf32, #tpu.memory_space<hbm>>
        %dma_wait3A_104 = arith.constant 9480 : i32
        %dma_wait3A_105 = arith.constant 0 : i32
        %dma_wait3A_106 = tpu.memref_slice %arg15[%dma_wait3A_104, %dma_wait3A_105] : memref<10112x128xf32, #tpu.memory_space<vmem_shared>> -> memref<520x128xf32, #tpu.memory_space<vmem_shared>>
        tpu.wait_dma2 semaphore(%run_scoped3A : memref<!tpu.dma_semaphore, #tpu.memory_space<semaphore_mem>>) src(%dma_wait3A_106 : memref<520x128xf32, #tpu.memory_space<vmem_shared>>) dst(%dma_wait3A_103 : memref<520x128xf32, #tpu.memory_space<hbm>>)
        tpu.yield
      }) : () -> ()
    } else {
    }
    return
  }
}

#map = affine_map<(d0, d1) -> (0, 0)>
#map1 = affine_map<(d0, d1) -> (0)>
#map2 = affine_map<(d0, d1) -> (0, 0, 0)>
module attributes {stable_mosaic.version = 14 : i64} {
  func.func @_sc_scatter(%arg0: i32, %arg1: i32, %arg2: memref<10000x128xf32, #tpu.memory_space<hbm>>, %arg3: memref<320000xi32, #tpu.memory_space<hbm>>, %arg4: memref<320000xi32, #tpu.memory_space<hbm>>, %arg5: memref<2x10000x128xf32, #tpu.memory_space<hbm>>, %arg6: memref<128xi32, #tpu.memory_space<vmem>>, %arg7: memref<128xi32, #tpu.memory_space<vmem>>, %arg8: memref<128xi32, #tpu.memory_space<vmem>>, %arg9: memref<128xi32, #tpu.memory_space<vmem>>, %arg10: memref<128xi32, #tpu.memory_space<vmem>>, %arg11: memref<128xi32, #tpu.memory_space<vmem>>, %arg12: memref<128x128xf32, #tpu.memory_space<vmem>>, %arg13: memref<128x128xf32, #tpu.memory_space<vmem>>, %arg14: memref<128x128xf32, #tpu.memory_space<vmem>>, %arg15: memref<10112x128xf32, #tpu.memory_space<vmem_shared>>, %arg16: memref<!tpu.dma_semaphore, #tpu.memory_space<semaphore_mem>>, %arg17: memref<!tpu.dma_semaphore, #tpu.memory_space<semaphore_mem>>, %arg18: memref<!tpu.dma_semaphore, #tpu.memory_space<semaphore_mem>>, %arg19: memref<!tpu.dma_semaphore, #tpu.memory_space<semaphore_mem>>, %arg20: memref<!tpu.dma_semaphore, #tpu.memory_space<semaphore_mem>>, %arg21: memref<!tpu.dma_semaphore, #tpu.memory_space<semaphore_mem>>, %arg22: memref<!tpu.dma_semaphore, #tpu.memory_space<semaphore_mem>>, %arg23: memref<!tpu.dma_semaphore, #tpu.memory_space<semaphore_mem>>, %arg24: memref<!tpu.dma_semaphore, #tpu.memory_space<semaphore_mem>>) attributes {dimension_semantics = [#tpu.dimension_semantics<core_parallel>, #tpu.dimension_semantics<subcore_parallel>], iteration_bounds = array<i64: 2, 16>, scalar_prefetch = 0 : i64, scratch_operands = 19 : i64, tpu.core_type = #tpu.core_type<sc_vector_subcore>, window_params = [{transform_indices = #map}, {transform_indices = #map1}, {transform_indices = #map1}, {transform_indices = #map2}]} {
    %broadcast_in_dim3A = arith.constant 0.000000e+00 : f32
    %broadcast_in_dim3A_0 = vector.broadcast %broadcast_in_dim3A : f32 to vector<16xf32>
    %scan3A = arith.constant 0 : i32
    %scan3A_1 = arith.constant 0 : i32
    %scan3A_2 = arith.constant 1024 : i32
    %scan3A_3 = arith.addi %scan3A_1, %scan3A_2 : i32
    %scan3A_4 = arith.constant 1 : i32
    %scan3A_5 = scf.for %scan3A_93 = %scan3A_1 to %scan3A_3 step %scan3A_4 iter_args(%scan3A_94 = %scan3A) -> (i32)  : i32 {
      %jit3A_95 = arith.constant 8 : i32
      %div3A_96 = arith.divsi %scan3A_93, %jit3A_95 : i32
      %sign3A = arith.constant 0 : i32
      %sign3A_97 = arith.cmpi sgt, %scan3A_93, %sign3A : i32
      %sign3A_98 = arith.extui %sign3A_97 : i1 to i32
      %sign3A_99 = arith.constant 0 : i32
      %sign3A_100 = arith.cmpi slt, %scan3A_93, %sign3A_99 : i32
      %sign3A_101 = arith.extui %sign3A_100 : i1 to i32
      %sign3A_102 = arith.subi %sign3A_98, %sign3A_101 : i32
      %sign3A_103 = arith.constant 0 : i32
      %sign3A_104 = arith.cmpi sgt, %jit3A_95, %sign3A_103 : i32
      %sign3A_105 = arith.extui %sign3A_104 : i1 to i32
      %sign3A_106 = arith.constant 0 : i32
      %sign3A_107 = arith.cmpi slt, %jit3A_95, %sign3A_106 : i32
      %sign3A_108 = arith.extui %sign3A_107 : i1 to i32
      %sign3A_109 = arith.subi %sign3A_105, %sign3A_108 : i32
      %ne3A = arith.cmpi ne, %sign3A_102, %sign3A_109 : i32
      %rem3A = arith.remsi %scan3A_93, %jit3A_95 : i32
      %ne3A_110 = arith.constant 0 : i32
      %ne3A_111 = arith.cmpi ne, %rem3A, %ne3A_110 : i32
      %and3A = arith.andi %ne3A, %ne3A_111 : i1
      %sub3A_112 = arith.constant 1 : i32
      %sub3A_113 = arith.subi %div3A_96, %sub3A_112 : i32
      %select_n3A_114 = arith.select %and3A, %sub3A_113, %div3A_96 : i32
      %jit3A_115 = arith.constant 8 : i32
      %eq3A_116 = arith.constant 0 : i32
      %eq3A_117 = arith.cmpi eq, %jit3A_115, %eq3A_116 : i32
      %jit3A_118 = arith.constant 1 : i32
      %select_n3A_119 = arith.select %eq3A_117, %jit3A_118, %jit3A_115 : i32
      %rem3A_120 = arith.remsi %scan3A_93, %select_n3A_119 : i32
      %ne3A_121 = arith.constant 0 : i32
      %ne3A_122 = arith.cmpi ne, %rem3A_120, %ne3A_121 : i32
      %lt3A_123 = arith.constant 0 : i32
      %lt3A_124 = arith.cmpi slt, %rem3A_120, %lt3A_123 : i32
      %lt3A_125 = arith.constant 0 : i32
      %lt3A_126 = arith.cmpi slt, %select_n3A_119, %lt3A_125 : i32
      %ne3A_127 = arith.xori %lt3A_124, %lt3A_126 : i1
      %and3A_128 = arith.andi %ne3A_127, %ne3A_122 : i1
      %add3A_129 = arith.addi %rem3A_120, %select_n3A_119 : i32
      %select_n3A_130 = arith.select %and3A_128, %add3A_129, %rem3A_120 : i32
      %mul3A_131 = arith.constant 16 : i32
      %mul3A_132 = arith.muli %select_n3A_130, %mul3A_131 : i32
      %swap3A = arith.index_cast %select_n3A_114 : i32 to index
      %swap3A_133 = arith.index_cast %mul3A_132 : i32 to index
      %swap3A_134 = tpu.vector_load %arg12[%swap3A, %swap3A_133] {strides = array<i32>} : memref<128x128xf32, #tpu.memory_space<vmem>>, vector<1x16xf32>,
      %swap3A_135 = vector.shape_cast %swap3A_134 : vector<1x16xf32> to vector<16xf32>
      %swap3A_136 = vector.shape_cast %broadcast_in_dim3A_0 : vector<16xf32> to vector<1x16xf32>
      tpu.vector_store %arg12[%swap3A, %swap3A_133], %swap3A_136 {strides = array<i32>} : memref<128x128xf32, #tpu.memory_space<vmem>>, vector<1x16xf32>,
      %scan3A_137 = arith.constant 0 : i32
      scf.yield %scan3A_137 : i32
    }
    %scan3A_6 = arith.constant 1024 : i32
    %scan3A_7 = arith.constant 0 : i32
    %scan3A_8 = arith.constant 0 : i32
    %scan3A_9 = arith.constant 4 : i32
    %scan3A_10 = arith.addi %scan3A_8, %scan3A_9 : i32
    %scan3A_11 = arith.constant 1 : i32
    %scan3A_12 = scf.for %scan3A_93 = %scan3A_8 to %scan3A_10 step %scan3A_11 iter_args(%scan3A_94 = %scan3A_7) -> (i32)  : i32 {
      %mul3A_95 = arith.constant 632 : i32
      %mul3A_96 = arith.muli %arg1, %mul3A_95 : i32
      %mul3A_97 = arith.constant 128 : i32
      %mul3A_98 = arith.muli %scan3A_93, %mul3A_97 : i32
      %add3A_99 = arith.addi %mul3A_96, %mul3A_98 : i32
      "tpu.region"() ({
        %run_scoped3A = tpu.sem_alloc : memref<!tpu.dma_semaphore, #tpu.memory_space<semaphore_mem>>
        %dma_start3A_101 = arith.constant 0 : i32
        %dma_start3A_102 = tpu.memref_slice %arg15[%add3A_99, %dma_start3A_101] : memref<10112x128xf32, #tpu.memory_space<vmem_shared>> -> memref<128x128xf32, #tpu.memory_space<vmem_shared>>
        %dma_start3A_103 = arith.constant 0 : i32
        %dma_start3A_104 = tpu.memref_slice %arg15[%add3A_99, %dma_start3A_103] : memref<10112x128xf32, #tpu.memory_space<vmem_shared>> -> memref<128x128xf32, #tpu.memory_space<vmem_shared>>
        tpu.enqueue_dma source(%arg12 : memref<128x128xf32, #tpu.memory_space<vmem>>) target(%dma_start3A_104 : memref<128x128xf32, #tpu.memory_space<vmem_shared>>) target_semaphore(%run_scoped3A : memref<!tpu.dma_semaphore, #tpu.memory_space<semaphore_mem>>)
        %dma_wait3A_105 = arith.constant 0 : i32
        %dma_wait3A_106 = tpu.memref_slice %arg15[%add3A_99, %dma_wait3A_105] : memref<10112x128xf32, #tpu.memory_space<vmem_shared>> -> memref<128x128xf32, #tpu.memory_space<vmem_shared>>
        %dma_wait3A_107 = arith.constant 0 : i32
        %dma_wait3A_108 = tpu.memref_slice %arg15[%add3A_99, %dma_wait3A_107] : memref<10112x128xf32, #tpu.memory_space<vmem_shared>> -> memref<128x128xf32, #tpu.memory_space<vmem_shared>>
        tpu.wait_dma2 semaphore(%run_scoped3A : memref<!tpu.dma_semaphore, #tpu.memory_space<semaphore_mem>>) src(%arg12 : memref<128x128xf32, #tpu.memory_space<vmem>>) dst(%dma_wait3A_108 : memref<128x128xf32, #tpu.memory_space<vmem_shared>>)
        tpu.yield
      }) : () -> ()
      %scan3A_100 = arith.constant 0 : i32
      scf.yield %scan3A_100 : i32
    }
    %scan3A_13 = arith.constant 4 : i32
    %mul3A = arith.constant 632 : i32
    %mul3A_14 = arith.muli %arg1, %mul3A : i32
    %add3A = arith.constant 512 : i32
    %add3A_15 = arith.addi %mul3A_14, %add3A : i32
    "tpu.region"() ({
      %run_scoped3A = tpu.sem_alloc : memref<!tpu.dma_semaphore, #tpu.memory_space<semaphore_mem>>
      %dma_start3A_93 = arith.constant 0 : i32
      %dma_start3A_94 = arith.constant 0 : i32
      %dma_start3A_95 = tpu.memref_slice %arg12[%dma_start3A_93, %dma_start3A_94] : memref<128x128xf32, #tpu.memory_space<vmem>> -> memref<120x128xf32, #tpu.memory_space<vmem>>
      %dma_start3A_96 = arith.constant 0 : i32
      %dma_start3A_97 = tpu.memref_slice %arg15[%add3A_15, %dma_start3A_96] : memref<10112x128xf32, #tpu.memory_space<vmem_shared>> -> memref<120x128xf32, #tpu.memory_space<vmem_shared>>
      %dma_start3A_98 = arith.constant 0 : i32
      %dma_start3A_99 = tpu.memref_slice %arg15[%add3A_15, %dma_start3A_98] : memref<10112x128xf32, #tpu.memory_space<vmem_shared>> -> memref<120x128xf32, #tpu.memory_space<vmem_shared>>
      %dma_start3A_100 = arith.constant 0 : i32
      %dma_start3A_101 = arith.constant 0 : i32
      %dma_start3A_102 = tpu.memref_slice %arg12[%dma_start3A_100, %dma_start3A_101] : memref<128x128xf32, #tpu.memory_space<vmem>> -> memref<120x128xf32, #tpu.memory_space<vmem>>
      tpu.enqueue_dma source(%dma_start3A_102 : memref<120x128xf32, #tpu.memory_space<vmem>>) target(%dma_start3A_99 : memref<120x128xf32, #tpu.memory_space<vmem_shared>>) target_semaphore(%run_scoped3A : memref<!tpu.dma_semaphore, #tpu.memory_space<semaphore_mem>>)
      %dma_wait3A_103 = arith.constant 0 : i32
      %dma_wait3A_104 = arith.constant 0 : i32
      %dma_wait3A_105 = tpu.memref_slice %arg12[%dma_wait3A_103, %dma_wait3A_104] : memref<128x128xf32, #tpu.memory_space<vmem>> -> memref<120x128xf32, #tpu.memory_space<vmem>>
      %dma_wait3A_106 = arith.constant 0 : i32
      %dma_wait3A_107 = tpu.memref_slice %arg15[%add3A_15, %dma_wait3A_106] : memref<10112x128xf32, #tpu.memory_space<vmem_shared>> -> memref<120x128xf32, #tpu.memory_space<vmem_shared>>
      %dma_wait3A_108 = arith.constant 0 : i32
      %dma_wait3A_109 = tpu.memref_slice %arg15[%add3A_15, %dma_wait3A_108] : memref<10112x128xf32, #tpu.memory_space<vmem_shared>> -> memref<120x128xf32, #tpu.memory_space<vmem_shared>>
      %dma_wait3A_110 = arith.constant 0 : i32
      %dma_wait3A_111 = arith.constant 0 : i32
      %dma_wait3A_112 = tpu.memref_slice %arg12[%dma_wait3A_110, %dma_wait3A_111] : memref<128x128xf32, #tpu.memory_space<vmem>> -> memref<120x128xf32, #tpu.memory_space<vmem>>
      tpu.wait_dma2 semaphore(%run_scoped3A : memref<!tpu.dma_semaphore, #tpu.memory_space<semaphore_mem>>) src(%dma_wait3A_112 : memref<120x128xf32, #tpu.memory_space<vmem>>) dst(%dma_wait3A_109 : memref<120x128xf32, #tpu.memory_space<vmem_shared>>)
      tpu.yield
    }) : () -> ()
    %barrier3A = arith.constant 0 : index
    tpu.barrier barrier_id(%barrier3A)
    %mul3A_16 = arith.constant 16 : i32
    %mul3A_17 = arith.muli %arg0, %mul3A_16 : i32
    %add3A_18 = arith.addi %mul3A_17, %arg1 : i32
    %lt3A = arith.constant 31 : i32
    %lt3A_19 = arith.cmpi slt, %add3A_18, %lt3A : i32
    %jit3A = arith.constant 80 : i32
    %jit3A_20 = arith.constant 20 : i32
    %select_n3A = arith.select %lt3A_19, %jit3A, %jit3A_20 : i32
    %mul3A_21 = arith.constant 80 : i32
    %mul3A_22 = arith.muli %add3A_18, %mul3A_21 : i32
    %mul3A_23 = arith.constant 128 : i32
    %mul3A_24 = arith.muli %mul3A_22, %mul3A_23 : i32
    %add3A_25 = arith.constant 0 : i32
    %add3A_26 = arith.addi %mul3A_24, %add3A_25 : i32
    %dma_start3A = tpu.memref_slice %arg3[%add3A_26] : memref<320000xi32, #tpu.memory_space<hbm>> -> memref<128xi32, #tpu.memory_space<hbm>>
    %dma_start3A_27 = tpu.memref_slice %arg3[%add3A_26] : memref<320000xi32, #tpu.memory_space<hbm>> -> memref<128xi32, #tpu.memory_space<hbm>>
    tpu.enqueue_dma source(%dma_start3A_27 : memref<128xi32, #tpu.memory_space<hbm>>) target(%arg6 : memref<128xi32, #tpu.memory_space<vmem>>) target_semaphore(%arg16 : memref<!tpu.dma_semaphore, #tpu.memory_space<semaphore_mem>>)
    %add3A_28 = arith.constant 0 : i32
    %add3A_29 = arith.addi %mul3A_24, %add3A_28 : i32
    %dma_start3A_30 = tpu.memref_slice %arg4[%add3A_29] : memref<320000xi32, #tpu.memory_space<hbm>> -> memref<128xi32, #tpu.memory_space<hbm>>
    %dma_start3A_31 = tpu.memref_slice %arg4[%add3A_29] : memref<320000xi32, #tpu.memory_space<hbm>> -> memref<128xi32, #tpu.memory_space<hbm>>
    tpu.enqueue_dma source(%dma_start3A_31 : memref<128xi32, #tpu.memory_space<hbm>>) target(%arg9 : memref<128xi32, #tpu.memory_space<vmem>>) target_semaphore(%arg19 : memref<!tpu.dma_semaphore, #tpu.memory_space<semaphore_mem>>)
    %add3A_32 = arith.constant 128 : i32
    %add3A_33 = arith.addi %mul3A_24, %add3A_32 : i32
    %dma_start3A_34 = tpu.memref_slice %arg3[%add3A_33] : memref<320000xi32, #tpu.memory_space<hbm>> -> memref<128xi32, #tpu.memory_space<hbm>>
    %dma_start3A_35 = tpu.memref_slice %arg3[%add3A_33] : memref<320000xi32, #tpu.memory_space<hbm>> -> memref<128xi32, #tpu.memory_space<hbm>>
    tpu.enqueue_dma source(%dma_start3A_35 : memref<128xi32, #tpu.memory_space<hbm>>) target(%arg7 : memref<128xi32, #tpu.memory_space<vmem>>) target_semaphore(%arg17 : memref<!tpu.dma_semaphore, #tpu.memory_space<semaphore_mem>>)
    %add3A_36 = arith.constant 128 : i32
    %add3A_37 = arith.addi %mul3A_24, %add3A_36 : i32
    %dma_start3A_38 = tpu.memref_slice %arg4[%add3A_37] : memref<320000xi32, #tpu.memory_space<hbm>> -> memref<128xi32, #tpu.memory_space<hbm>>
    %dma_start3A_39 = tpu.memref_slice %arg4[%add3A_37] : memref<320000xi32, #tpu.memory_space<hbm>> -> memref<128xi32, #tpu.memory_space<hbm>>
    tpu.enqueue_dma source(%dma_start3A_39 : memref<128xi32, #tpu.memory_space<hbm>>) target(%arg10 : memref<128xi32, #tpu.memory_space<vmem>>) target_semaphore(%arg20 : memref<!tpu.dma_semaphore, #tpu.memory_space<semaphore_mem>>)
    %add3A_40 = arith.constant 256 : i32
    %add3A_41 = arith.addi %mul3A_24, %add3A_40 : i32
    %dma_start3A_42 = tpu.memref_slice %arg3[%add3A_41] : memref<320000xi32, #tpu.memory_space<hbm>> -> memref<128xi32, #tpu.memory_space<hbm>>
    %dma_start3A_43 = tpu.memref_slice %arg3[%add3A_41] : memref<320000xi32, #tpu.memory_space<hbm>> -> memref<128xi32, #tpu.memory_space<hbm>>
    tpu.enqueue_dma source(%dma_start3A_43 : memref<128xi32, #tpu.memory_space<hbm>>) target(%arg8 : memref<128xi32, #tpu.memory_space<vmem>>) target_semaphore(%arg18 : memref<!tpu.dma_semaphore, #tpu.memory_space<semaphore_mem>>)
    %add3A_44 = arith.constant 256 : i32
    %add3A_45 = arith.addi %mul3A_24, %add3A_44 : i32
    %dma_start3A_46 = tpu.memref_slice %arg4[%add3A_45] : memref<320000xi32, #tpu.memory_space<hbm>> -> memref<128xi32, #tpu.memory_space<hbm>>
    %dma_start3A_47 = tpu.memref_slice %arg4[%add3A_45] : memref<320000xi32, #tpu.memory_space<hbm>> -> memref<128xi32, #tpu.memory_space<hbm>>
    tpu.enqueue_dma source(%dma_start3A_47 : memref<128xi32, #tpu.memory_space<hbm>>) target(%arg11 : memref<128xi32, #tpu.memory_space<vmem>>) target_semaphore(%arg21 : memref<!tpu.dma_semaphore, #tpu.memory_space<semaphore_mem>>)
    %dma_wait3A = tpu.memref_slice %arg4[%mul3A_24] : memref<320000xi32, #tpu.memory_space<hbm>> -> memref<128xi32, #tpu.memory_space<hbm>>
    %dma_wait3A_48 = tpu.memref_slice %arg4[%mul3A_24] : memref<320000xi32, #tpu.memory_space<hbm>> -> memref<128xi32, #tpu.memory_space<hbm>>
    tpu.wait_dma2 semaphore(%arg16 : memref<!tpu.dma_semaphore, #tpu.memory_space<semaphore_mem>>) src(%dma_wait3A_48 : memref<128xi32, #tpu.memory_space<hbm>>) dst(%arg6 : memref<128xi32, #tpu.memory_space<vmem>>)
    %dma_start3A_49 = arith.constant 0 : i32
    %dma_start3A_50 = arith.constant 0 : i32
    %dma_start3A_51 = tpu.memref_slice %arg2[%dma_start3A_49, %dma_start3A_50] : memref<10000x128xf32, #tpu.memory_space<hbm>> -> memref<10000x128xf32, #tpu.memory_space<hbm>>
    tpu.enqueue_indirect_dma source(%dma_start3A_51 : memref<10000x128xf32, #tpu.memory_space<hbm>>) target(%arg12 : memref<128x128xf32, #tpu.memory_space<vmem>>) offsets(%arg6 : memref<128xi32, #tpu.memory_space<vmem>>) semaphore(%arg22 : memref<!tpu.dma_semaphore, #tpu.memory_space<semaphore_mem>>)
    %dma_wait3A_52 = tpu.memref_slice %arg4[%mul3A_24] : memref<320000xi32, #tpu.memory_space<hbm>> -> memref<128xi32, #tpu.memory_space<hbm>>
    %dma_wait3A_53 = tpu.memref_slice %arg4[%mul3A_24] : memref<320000xi32, #tpu.memory_space<hbm>> -> memref<128xi32, #tpu.memory_space<hbm>>
    tpu.wait_dma2 semaphore(%arg17 : memref<!tpu.dma_semaphore, #tpu.memory_space<semaphore_mem>>) src(%dma_wait3A_53 : memref<128xi32, #tpu.memory_space<hbm>>) dst(%arg7 : memref<128xi32, #tpu.memory_space<vmem>>)
    %dma_start3A_54 = arith.constant 0 : i32
    %dma_start3A_55 = arith.constant 0 : i32
    %dma_start3A_56 = tpu.memref_slice %arg2[%dma_start3A_54, %dma_start3A_55] : memref<10000x128xf32, #tpu.memory_space<hbm>> -> memref<10000x128xf32, #tpu.memory_space<hbm>>
    tpu.enqueue_indirect_dma source(%dma_start3A_56 : memref<10000x128xf32, #tpu.memory_space<hbm>>) target(%arg13 : memref<128x128xf32, #tpu.memory_space<vmem>>) offsets(%arg7 : memref<128xi32, #tpu.memory_space<vmem>>) semaphore(%arg23 : memref<!tpu.dma_semaphore, #tpu.memory_space<semaphore_mem>>)
    %sub3A = arith.constant 2 : i32
    %sub3A_57 = arith.subi %select_n3A, %sub3A : i32
    %sub3A_58 = arith.constant 0 : i32
    %sub3A_59 = arith.subi %sub3A_57, %sub3A_58 : i32
    %sub3A_60 = arith.constant 3 : i32
    %sub3A_61 = arith.constant 1 : i32
    %sub3A_62 = arith.subi %sub3A_60, %sub3A_61 : i32
    %add3A_63 = arith.addi %sub3A_59, %sub3A_62 : i32
    %div3A = arith.constant 3 : i32
    %div3A_64 = arith.divsi %add3A_63, %div3A : i32
    %while3A = arith.constant 3 : i32
    %while3A_65 = arith.constant 0 : i32
    %while3A_66 = arith.constant 0 : i32
    %while3A_67 = arith.subi %div3A_64, %while3A_66 : i32
    %while3A_68 = arith.addi %while3A_66, %while3A_67 : i32
    %while3A_69 = arith.constant 1 : i32
    %while3A_70 = arith.divsi %while3A_67, %while3A_69 : i32
    %while3A_71 = arith.muli %while3A_70, %while3A_69 : i32
    %while3A_72 = arith.addi %while3A_66, %while3A_71 : i32
    %while3A_73 = arith.constant 1 : i32
    scf.for %while3A_93 = %while3A_66 to %while3A_72 step %while3A_73  : i32 {
      %mul3A_94 = arith.muli %while3A_93, %while3A : i32
      %add3A_95 = arith.addi %while3A_65, %mul3A_94 : i32
      %add3A_96 = arith.constant 0 : i32
      %add3A_97 = arith.addi %add3A_95, %add3A_96 : i32
      %dma_wait3A_98 = arith.constant 0 : i32
      %dma_wait3A_99 = arith.constant 0 : i32
      %dma_wait3A_100 = tpu.memref_slice %arg2[%dma_wait3A_98, %dma_wait3A_99] : memref<10000x128xf32, #tpu.memory_space<hbm>> -> memref<10000x128xf32, #tpu.memory_space<hbm>>
      tpu.wait_indirect_dma semaphore(%arg22 : memref<!tpu.dma_semaphore, #tpu.memory_space<semaphore_mem>>) src(%dma_wait3A_100 : memref<10000x128xf32, #tpu.memory_space<hbm>>) dst(%arg12 : memref<128x128xf32, #tpu.memory_space<vmem>>)
      %dma_wait3A_101 = tpu.memref_slice %arg4[%mul3A_24] : memref<320000xi32, #tpu.memory_space<hbm>> -> memref<128xi32, #tpu.memory_space<hbm>>
      %dma_wait3A_102 = tpu.memref_slice %arg4[%mul3A_24] : memref<320000xi32, #tpu.memory_space<hbm>> -> memref<128xi32, #tpu.memory_space<hbm>>
      tpu.wait_dma2 semaphore(%arg19 : memref<!tpu.dma_semaphore, #tpu.memory_space<semaphore_mem>>) src(%dma_wait3A_102 : memref<128xi32, #tpu.memory_space<hbm>>) dst(%arg9 : memref<128xi32, #tpu.memory_space<vmem>>)
      "tpu.region"() ({
        %run_scoped3A = tpu.sem_alloc : memref<!tpu.dma_semaphore, #tpu.memory_space<semaphore_mem>>
        %dma_start3A_153 = arith.constant 0 : i32
        %dma_start3A_154 = arith.constant 0 : i32
        %dma_start3A_155 = tpu.memref_slice %arg15[%dma_start3A_153, %dma_start3A_154] : memref<10112x128xf32, #tpu.memory_space<vmem_shared>> -> memref<10112x128xf32, #tpu.memory_space<vmem_shared>>
        tpu.enqueue_indirect_dma source(%arg12 : memref<128x128xf32, #tpu.memory_space<vmem>>) target(%dma_start3A_155 : memref<10112x128xf32, #tpu.memory_space<vmem_shared>>) offsets(%arg9 : memref<128xi32, #tpu.memory_space<vmem>>) semaphore(%run_scoped3A : memref<!tpu.dma_semaphore, #tpu.memory_space<semaphore_mem>>) {add = true}
        %dma_wait3A_156 = arith.constant 0 : i32
        %dma_wait3A_157 = arith.constant 0 : i32
        %dma_wait3A_158 = tpu.memref_slice %arg15[%dma_wait3A_156, %dma_wait3A_157] : memref<10112x128xf32, #tpu.memory_space<vmem_shared>> -> memref<10112x128xf32, #tpu.memory_space<vmem_shared>>
        tpu.wait_indirect_dma semaphore(%run_scoped3A : memref<!tpu.dma_semaphore, #tpu.memory_space<semaphore_mem>>) src(%arg12 : memref<128x128xf32, #tpu.memory_space<vmem>>) dst(%dma_wait3A_158 : memref<10112x128xf32, #tpu.memory_space<vmem_shared>>)
        tpu.yield
      }) : () -> ()
      %add3A_103 = arith.constant 3 : i32
      %add3A_104 = arith.addi %add3A_97, %add3A_103 : i32
      %lt3A_105 = arith.cmpi slt, %add3A_104, %select_n3A : i32
      %convert_element_type3A_106 = arith.extui %lt3A_105 : i1 to i32
      %cond3A_107 = arith.constant 0 : i32
      %cond3A_108 = arith.cmpi ne, %convert_element_type3A_106, %cond3A_107 : i32
      scf.if %cond3A_108 {
        %add3A_153 = arith.constant 3 : i32
        %add3A_154 = arith.addi %add3A_97, %add3A_153 : i32
        %mul3A_155 = arith.constant 128 : i32
        %mul3A_156 = arith.muli %add3A_154, %mul3A_155 : i32
        %add3A_157 = arith.addi %mul3A_24, %mul3A_156 : i32
        %dma_start3A_158 = tpu.memref_slice %arg3[%add3A_157] : memref<320000xi32, #tpu.memory_space<hbm>> -> memref<128xi32, #tpu.memory_space<hbm>>
        %dma_start3A_159 = tpu.memref_slice %arg3[%add3A_157] : memref<320000xi32, #tpu.memory_space<hbm>> -> memref<128xi32, #tpu.memory_space<hbm>>
        tpu.enqueue_dma source(%dma_start3A_159 : memref<128xi32, #tpu.memory_space<hbm>>) target(%arg6 : memref<128xi32, #tpu.memory_space<vmem>>) target_semaphore(%arg16 : memref<!tpu.dma_semaphore, #tpu.memory_space<semaphore_mem>>)
        %mul3A_160 = arith.constant 128 : i32
        %mul3A_161 = arith.muli %add3A_154, %mul3A_160 : i32
        %add3A_162 = arith.addi %mul3A_24, %mul3A_161 : i32
        %dma_start3A_163 = tpu.memref_slice %arg4[%add3A_162] : memref<320000xi32, #tpu.memory_space<hbm>> -> memref<128xi32, #tpu.memory_space<hbm>>
        %dma_start3A_164 = tpu.memref_slice %arg4[%add3A_162] : memref<320000xi32, #tpu.memory_space<hbm>> -> memref<128xi32, #tpu.memory_space<hbm>>
        tpu.enqueue_dma source(%dma_start3A_164 : memref<128xi32, #tpu.memory_space<hbm>>) target(%arg9 : memref<128xi32, #tpu.memory_space<vmem>>) target_semaphore(%arg19 : memref<!tpu.dma_semaphore, #tpu.memory_space<semaphore_mem>>)
      } else {
      }
      %add3A_109 = arith.constant 2 : i32
      %add3A_110 = arith.addi %add3A_97, %add3A_109 : i32
      %lt3A_111 = arith.cmpi slt, %add3A_110, %select_n3A : i32
      %convert_element_type3A_112 = arith.extui %lt3A_111 : i1 to i32
      %cond3A_113 = arith.constant 0 : i32
      %cond3A_114 = arith.cmpi ne, %convert_element_type3A_112, %cond3A_113 : i32
      scf.if %cond3A_114 {
        %dma_wait3A_153 = tpu.memref_slice %arg4[%mul3A_24] : memref<320000xi32, #tpu.memory_space<hbm>> -> memref<128xi32, #tpu.memory_space<hbm>>
        %dma_wait3A_154 = tpu.memref_slice %arg4[%mul3A_24] : memref<320000xi32, #tpu.memory_space<hbm>> -> memref<128xi32, #tpu.memory_space<hbm>>
        tpu.wait_dma2 semaphore(%arg18 : memref<!tpu.dma_semaphore, #tpu.memory_space<semaphore_mem>>) src(%dma_wait3A_154 : memref<128xi32, #tpu.memory_space<hbm>>) dst(%arg8 : memref<128xi32, #tpu.memory_space<vmem>>)
        %dma_start3A_155 = arith.constant 0 : i32
        %dma_start3A_156 = arith.constant 0 : i32
        %dma_start3A_157 = tpu.memref_slice %arg2[%dma_start3A_155, %dma_start3A_156] : memref<10000x128xf32, #tpu.memory_space<hbm>> -> memref<10000x128xf32, #tpu.memory_space<hbm>>
        tpu.enqueue_indirect_dma source(%dma_start3A_157 : memref<10000x128xf32, #tpu.memory_space<hbm>>) target(%arg14 : memref<128x128xf32, #tpu.memory_space<vmem>>) offsets(%arg8 : memref<128xi32, #tpu.memory_space<vmem>>) semaphore(%arg24 : memref<!tpu.dma_semaphore, #tpu.memory_space<semaphore_mem>>)
      } else {
      }
      %add3A_115 = arith.constant 1 : i32
      %add3A_116 = arith.addi %add3A_95, %add3A_115 : i32
      %dma_wait3A_117 = arith.constant 0 : i32
      %dma_wait3A_118 = arith.constant 0 : i32
      %dma_wait3A_119 = tpu.memref_slice %arg2[%dma_wait3A_117, %dma_wait3A_118] : memref<10000x128xf32, #tpu.memory_space<hbm>> -> memref<10000x128xf32, #tpu.memory_space<hbm>>
      tpu.wait_indirect_dma semaphore(%arg23 : memref<!tpu.dma_semaphore, #tpu.memory_space<semaphore_mem>>) src(%dma_wait3A_119 : memref<10000x128xf32, #tpu.memory_space<hbm>>) dst(%arg13 : memref<128x128xf32, #tpu.memory_space<vmem>>)
      %dma_wait3A_120 = tpu.memref_slice %arg4[%mul3A_24] : memref<320000xi32, #tpu.memory_space<hbm>> -> memref<128xi32, #tpu.memory_space<hbm>>
      %dma_wait3A_121 = tpu.memref_slice %arg4[%mul3A_24] : memref<320000xi32, #tpu.memory_space<hbm>> -> memref<128xi32, #tpu.memory_space<hbm>>
      tpu.wait_dma2 semaphore(%arg20 : memref<!tpu.dma_semaphore, #tpu.memory_space<semaphore_mem>>) src(%dma_wait3A_121 : memref<128xi32, #tpu.memory_space<hbm>>) dst(%arg10 : memref<128xi32, #tpu.memory_space<vmem>>)
      "tpu.region"() ({
        %run_scoped3A = tpu.sem_alloc : memref<!tpu.dma_semaphore, #tpu.memory_space<semaphore_mem>>
        %dma_start3A_153 = arith.constant 0 : i32
        %dma_start3A_154 = arith.constant 0 : i32
        %dma_start3A_155 = tpu.memref_slice %arg15[%dma_start3A_153, %dma_start3A_154] : memref<10112x128xf32, #tpu.memory_space<vmem_shared>> -> memref<10112x128xf32, #tpu.memory_space<vmem_shared>>
        tpu.enqueue_indirect_dma source(%arg13 : memref<128x128xf32, #tpu.memory_space<vmem>>) target(%dma_start3A_155 : memref<10112x128xf32, #tpu.memory_space<vmem_shared>>) offsets(%arg10 : memref<128xi32, #tpu.memory_space<vmem>>) semaphore(%run_scoped3A : memref<!tpu.dma_semaphore, #tpu.memory_space<semaphore_mem>>) {add = true}
        %dma_wait3A_156 = arith.constant 0 : i32
        %dma_wait3A_157 = arith.constant 0 : i32
        %dma_wait3A_158 = tpu.memref_slice %arg15[%dma_wait3A_156, %dma_wait3A_157] : memref<10112x128xf32, #tpu.memory_space<vmem_shared>> -> memref<10112x128xf32, #tpu.memory_space<vmem_shared>>
        tpu.wait_indirect_dma semaphore(%run_scoped3A : memref<!tpu.dma_semaphore, #tpu.memory_space<semaphore_mem>>) src(%arg13 : memref<128x128xf32, #tpu.memory_space<vmem>>) dst(%dma_wait3A_158 : memref<10112x128xf32, #tpu.memory_space<vmem_shared>>)
        tpu.yield
      }) : () -> ()
      %add3A_122 = arith.constant 3 : i32
      %add3A_123 = arith.addi %add3A_116, %add3A_122 : i32
      %lt3A_124 = arith.cmpi slt, %add3A_123, %select_n3A : i32
      %convert_element_type3A_125 = arith.extui %lt3A_124 : i1 to i32
      %cond3A_126 = arith.constant 0 : i32
      %cond3A_127 = arith.cmpi ne, %convert_element_type3A_125, %cond3A_126 : i32
      scf.if %cond3A_127 {
        %add3A_153 = arith.constant 3 : i32
        %add3A_154 = arith.addi %add3A_116, %add3A_153 : i32
        %mul3A_155 = arith.constant 128 : i32
        %mul3A_156 = arith.muli %add3A_154, %mul3A_155 : i32
        %add3A_157 = arith.addi %mul3A_24, %mul3A_156 : i32
        %dma_start3A_158 = tpu.memref_slice %arg3[%add3A_157] : memref<320000xi32, #tpu.memory_space<hbm>> -> memref<128xi32, #tpu.memory_space<hbm>>
        %dma_start3A_159 = tpu.memref_slice %arg3[%add3A_157] : memref<320000xi32, #tpu.memory_space<hbm>> -> memref<128xi32, #tpu.memory_space<hbm>>
        tpu.enqueue_dma source(%dma_start3A_159 : memref<128xi32, #tpu.memory_space<hbm>>) target(%arg7 : memref<128xi32, #tpu.memory_space<vmem>>) target_semaphore(%arg17 : memref<!tpu.dma_semaphore, #tpu.memory_space<semaphore_mem>>)
        %mul3A_160 = arith.constant 128 : i32
        %mul3A_161 = arith.muli %add3A_154, %mul3A_160 : i32
        %add3A_162 = arith.addi %mul3A_24, %mul3A_161 : i32
        %dma_start3A_163 = tpu.memref_slice %arg4[%add3A_162] : memref<320000xi32, #tpu.memory_space<hbm>> -> memref<128xi32, #tpu.memory_space<hbm>>
        %dma_start3A_164 = tpu.memref_slice %arg4[%add3A_162] : memref<320000xi32, #tpu.memory_space<hbm>> -> memref<128xi32, #tpu.memory_space<hbm>>
        tpu.enqueue_dma source(%dma_start3A_164 : memref<128xi32, #tpu.memory_space<hbm>>) target(%arg10 : memref<128xi32, #tpu.memory_space<vmem>>) target_semaphore(%arg20 : memref<!tpu.dma_semaphore, #tpu.memory_space<semaphore_mem>>)
      } else {
      }
      %add3A_128 = arith.constant 2 : i32
      %add3A_129 = arith.addi %add3A_116, %add3A_128 : i32
      %lt3A_130 = arith.cmpi slt, %add3A_129, %select_n3A : i32
      %convert_element_type3A_131 = arith.extui %lt3A_130 : i1 to i32
      %cond3A_132 = arith.constant 0 : i32
      %cond3A_133 = arith.cmpi ne, %convert_element_type3A_131, %cond3A_132 : i32
      scf.if %cond3A_133 {
        %dma_wait3A_153 = tpu.memref_slice %arg4[%mul3A_24] : memref<320000xi32, #tpu.memory_space<hbm>> -> memref<128xi32, #tpu.memory_space<hbm>>
        %dma_wait3A_154 = tpu.memref_slice %arg4[%mul3A_24] : memref<320000xi32, #tpu.memory_space<hbm>> -> memref<128xi32, #tpu.memory_space<hbm>>
        tpu.wait_dma2 semaphore(%arg16 : memref<!tpu.dma_semaphore, #tpu.memory_space<semaphore_mem>>) src(%dma_wait3A_154 : memref<128xi32, #tpu.memory_space<hbm>>) dst(%arg6 : memref<128xi32, #tpu.memory_space<vmem>>)
        %dma_start3A_155 = arith.constant 0 : i32
        %dma_start3A_156 = arith.constant 0 : i32
        %dma_start3A_157 = tpu.memref_slice %arg2[%dma_start3A_155, %dma_start3A_156] : memref<10000x128xf32, #tpu.memory_space<hbm>> -> memref<10000x128xf32, #tpu.memory_space<hbm>>
        tpu.enqueue_indirect_dma source(%dma_start3A_157 : memref<10000x128xf32, #tpu.memory_space<hbm>>) target(%arg12 : memref<128x128xf32, #tpu.memory_space<vmem>>) offsets(%arg6 : memref<128xi32, #tpu.memory_space<vmem>>) semaphore(%arg22 : memref<!tpu.dma_semaphore, #tpu.memory_space<semaphore_mem>>)
      } else {
      }
      %add3A_134 = arith.constant 2 : i32
      %add3A_135 = arith.addi %add3A_95, %add3A_134 : i32
      %dma_wait3A_136 = arith.constant 0 : i32
      %dma_wait3A_137 = arith.constant 0 : i32
      %dma_wait3A_138 = tpu.memref_slice %arg2[%dma_wait3A_136, %dma_wait3A_137] : memref<10000x128xf32, #tpu.memory_space<hbm>> -> memref<10000x128xf32, #tpu.memory_space<hbm>>
      tpu.wait_indirect_dma semaphore(%arg24 : memref<!tpu.dma_semaphore, #tpu.memory_space<semaphore_mem>>) src(%dma_wait3A_138 : memref<10000x128xf32, #tpu.memory_space<hbm>>) dst(%arg14 : memref<128x128xf32, #tpu.memory_space<vmem>>)
      %dma_wait3A_139 = tpu.memref_slice %arg4[%mul3A_24] : memref<320000xi32, #tpu.memory_space<hbm>> -> memref<128xi32, #tpu.memory_space<hbm>>
      %dma_wait3A_140 = tpu.memref_slice %arg4[%mul3A_24] : memref<320000xi32, #tpu.memory_space<hbm>> -> memref<128xi32, #tpu.memory_space<hbm>>
      tpu.wait_dma2 semaphore(%arg21 : memref<!tpu.dma_semaphore, #tpu.memory_space<semaphore_mem>>) src(%dma_wait3A_140 : memref<128xi32, #tpu.memory_space<hbm>>) dst(%arg11 : memref<128xi32, #tpu.memory_space<vmem>>)
      "tpu.region"() ({
        %run_scoped3A = tpu.sem_alloc : memref<!tpu.dma_semaphore, #tpu.memory_space<semaphore_mem>>
        %dma_start3A_153 = arith.constant 0 : i32
        %dma_start3A_154 = arith.constant 0 : i32
        %dma_start3A_155 = tpu.memref_slice %arg15[%dma_start3A_153, %dma_start3A_154] : memref<10112x128xf32, #tpu.memory_space<vmem_shared>> -> memref<10112x128xf32, #tpu.memory_space<vmem_shared>>
        tpu.enqueue_indirect_dma source(%arg14 : memref<128x128xf32, #tpu.memory_space<vmem>>) target(%dma_start3A_155 : memref<10112x128xf32, #tpu.memory_space<vmem_shared>>) offsets(%arg11 : memref<128xi32, #tpu.memory_space<vmem>>) semaphore(%run_scoped3A : memref<!tpu.dma_semaphore, #tpu.memory_space<semaphore_mem>>) {add = true}
        %dma_wait3A_156 = arith.constant 0 : i32
        %dma_wait3A_157 = arith.constant 0 : i32
        %dma_wait3A_158 = tpu.memref_slice %arg15[%dma_wait3A_156, %dma_wait3A_157] : memref<10112x128xf32, #tpu.memory_space<vmem_shared>> -> memref<10112x128xf32, #tpu.memory_space<vmem_shared>>
        tpu.wait_indirect_dma semaphore(%run_scoped3A : memref<!tpu.dma_semaphore, #tpu.memory_space<semaphore_mem>>) src(%arg14 : memref<128x128xf32, #tpu.memory_space<vmem>>) dst(%dma_wait3A_158 : memref<10112x128xf32, #tpu.memory_space<vmem_shared>>)
        tpu.yield
      }) : () -> ()
      %add3A_141 = arith.constant 3 : i32
      %add3A_142 = arith.addi %add3A_135, %add3A_141 : i32
      %lt3A_143 = arith.cmpi slt, %add3A_142, %select_n3A : i32
      %convert_element_type3A_144 = arith.extui %lt3A_143 : i1 to i32
      %cond3A_145 = arith.constant 0 : i32
      %cond3A_146 = arith.cmpi ne, %convert_element_type3A_144, %cond3A_145 : i32
      scf.if %cond3A_146 {
        %add3A_153 = arith.constant 3 : i32
        %add3A_154 = arith.addi %add3A_135, %add3A_153 : i32
        %mul3A_155 = arith.constant 128 : i32
        %mul3A_156 = arith.muli %add3A_154, %mul3A_155 : i32
        %add3A_157 = arith.addi %mul3A_24, %mul3A_156 : i32
        %dma_start3A_158 = tpu.memref_slice %arg3[%add3A_157] : memref<320000xi32, #tpu.memory_space<hbm>> -> memref<128xi32, #tpu.memory_space<hbm>>
        %dma_start3A_159 = tpu.memref_slice %arg3[%add3A_157] : memref<320000xi32, #tpu.memory_space<hbm>> -> memref<128xi32, #tpu.memory_space<hbm>>
        tpu.enqueue_dma source(%dma_start3A_159 : memref<128xi32, #tpu.memory_space<hbm>>) target(%arg8 : memref<128xi32, #tpu.memory_space<vmem>>) target_semaphore(%arg18 : memref<!tpu.dma_semaphore, #tpu.memory_space<semaphore_mem>>)
        %mul3A_160 = arith.constant 128 : i32
        %mul3A_161 = arith.muli %add3A_154, %mul3A_160 : i32
        %add3A_162 = arith.addi %mul3A_24, %mul3A_161 : i32
        %dma_start3A_163 = tpu.memref_slice %arg4[%add3A_162] : memref<320000xi32, #tpu.memory_space<hbm>> -> memref<128xi32, #tpu.memory_space<hbm>>
        %dma_start3A_164 = tpu.memref_slice %arg4[%add3A_162] : memref<320000xi32, #tpu.memory_space<hbm>> -> memref<128xi32, #tpu.memory_space<hbm>>
        tpu.enqueue_dma source(%dma_start3A_164 : memref<128xi32, #tpu.memory_space<hbm>>) target(%arg11 : memref<128xi32, #tpu.memory_space<vmem>>) target_semaphore(%arg21 : memref<!tpu.dma_semaphore, #tpu.memory_space<semaphore_mem>>)
      } else {
      }
      %add3A_147 = arith.constant 2 : i32
      %add3A_148 = arith.addi %add3A_135, %add3A_147 : i32
      %lt3A_149 = arith.cmpi slt, %add3A_148, %select_n3A : i32
      %convert_element_type3A_150 = arith.extui %lt3A_149 : i1 to i32
      %cond3A_151 = arith.constant 0 : i32
      %cond3A_152 = arith.cmpi ne, %convert_element_type3A_150, %cond3A_151 : i32
      scf.if %cond3A_152 {
        %dma_wait3A_153 = tpu.memref_slice %arg4[%mul3A_24] : memref<320000xi32, #tpu.memory_space<hbm>> -> memref<128xi32, #tpu.memory_space<hbm>>
        %dma_wait3A_154 = tpu.memref_slice %arg4[%mul3A_24] : memref<320000xi32, #tpu.memory_space<hbm>> -> memref<128xi32, #tpu.memory_space<hbm>>
        tpu.wait_dma2 semaphore(%arg17 : memref<!tpu.dma_semaphore, #tpu.memory_space<semaphore_mem>>) src(%dma_wait3A_154 : memref<128xi32, #tpu.memory_space<hbm>>) dst(%arg7 : memref<128xi32, #tpu.memory_space<vmem>>)
        %dma_start3A_155 = arith.constant 0 : i32
        %dma_start3A_156 = arith.constant 0 : i32
        %dma_start3A_157 = tpu.memref_slice %arg2[%dma_start3A_155, %dma_start3A_156] : memref<10000x128xf32, #tpu.memory_space<hbm>> -> memref<10000x128xf32, #tpu.memory_space<hbm>>
        tpu.enqueue_indirect_dma source(%dma_start3A_157 : memref<10000x128xf32, #tpu.memory_space<hbm>>) target(%arg13 : memref<128x128xf32, #tpu.memory_space<vmem>>) offsets(%arg7 : memref<128xi32, #tpu.memory_space<vmem>>) semaphore(%arg23 : memref<!tpu.dma_semaphore, #tpu.memory_space<semaphore_mem>>)
      } else {
      }
    }
    %while3A_74 = arith.constant 1 : i32
    scf.for %while3A_93 = %while3A_72 to %while3A_68 step %while3A_74  : i32 {
      %mul3A_94 = arith.muli %while3A_93, %while3A : i32
      %add3A_95 = arith.addi %while3A_65, %mul3A_94 : i32
      %add3A_96 = arith.constant 0 : i32
      %add3A_97 = arith.addi %add3A_95, %add3A_96 : i32
      %dma_wait3A_98 = arith.constant 0 : i32
      %dma_wait3A_99 = arith.constant 0 : i32
      %dma_wait3A_100 = tpu.memref_slice %arg2[%dma_wait3A_98, %dma_wait3A_99] : memref<10000x128xf32, #tpu.memory_space<hbm>> -> memref<10000x128xf32, #tpu.memory_space<hbm>>
      tpu.wait_indirect_dma semaphore(%arg22 : memref<!tpu.dma_semaphore, #tpu.memory_space<semaphore_mem>>) src(%dma_wait3A_100 : memref<10000x128xf32, #tpu.memory_space<hbm>>) dst(%arg12 : memref<128x128xf32, #tpu.memory_space<vmem>>)
      %dma_wait3A_101 = tpu.memref_slice %arg4[%mul3A_24] : memref<320000xi32, #tpu.memory_space<hbm>> -> memref<128xi32, #tpu.memory_space<hbm>>
      %dma_wait3A_102 = tpu.memref_slice %arg4[%mul3A_24] : memref<320000xi32, #tpu.memory_space<hbm>> -> memref<128xi32, #tpu.memory_space<hbm>>
      tpu.wait_dma2 semaphore(%arg19 : memref<!tpu.dma_semaphore, #tpu.memory_space<semaphore_mem>>) src(%dma_wait3A_102 : memref<128xi32, #tpu.memory_space<hbm>>) dst(%arg9 : memref<128xi32, #tpu.memory_space<vmem>>)
      "tpu.region"() ({
        %run_scoped3A = tpu.sem_alloc : memref<!tpu.dma_semaphore, #tpu.memory_space<semaphore_mem>>
        %dma_start3A_153 = arith.constant 0 : i32
        %dma_start3A_154 = arith.constant 0 : i32
        %dma_start3A_155 = tpu.memref_slice %arg15[%dma_start3A_153, %dma_start3A_154] : memref<10112x128xf32, #tpu.memory_space<vmem_shared>> -> memref<10112x128xf32, #tpu.memory_space<vmem_shared>>
        tpu.enqueue_indirect_dma source(%arg12 : memref<128x128xf32, #tpu.memory_space<vmem>>) target(%dma_start3A_155 : memref<10112x128xf32, #tpu.memory_space<vmem_shared>>) offsets(%arg9 : memref<128xi32, #tpu.memory_space<vmem>>) semaphore(%run_scoped3A : memref<!tpu.dma_semaphore, #tpu.memory_space<semaphore_mem>>) {add = true}
        %dma_wait3A_156 = arith.constant 0 : i32
        %dma_wait3A_157 = arith.constant 0 : i32
        %dma_wait3A_158 = tpu.memref_slice %arg15[%dma_wait3A_156, %dma_wait3A_157] : memref<10112x128xf32, #tpu.memory_space<vmem_shared>> -> memref<10112x128xf32, #tpu.memory_space<vmem_shared>>
        tpu.wait_indirect_dma semaphore(%run_scoped3A : memref<!tpu.dma_semaphore, #tpu.memory_space<semaphore_mem>>) src(%arg12 : memref<128x128xf32, #tpu.memory_space<vmem>>) dst(%dma_wait3A_158 : memref<10112x128xf32, #tpu.memory_space<vmem_shared>>)
        tpu.yield
      }) : () -> ()
      %add3A_103 = arith.constant 3 : i32
      %add3A_104 = arith.addi %add3A_97, %add3A_103 : i32
      %lt3A_105 = arith.cmpi slt, %add3A_104, %select_n3A : i32
      %convert_element_type3A_106 = arith.extui %lt3A_105 : i1 to i32
      %cond3A_107 = arith.constant 0 : i32
      %cond3A_108 = arith.cmpi ne, %convert_element_type3A_106, %cond3A_107 : i32
      scf.if %cond3A_108 {
        %add3A_153 = arith.constant 3 : i32
        %add3A_154 = arith.addi %add3A_97, %add3A_153 : i32
        %mul3A_155 = arith.constant 128 : i32
        %mul3A_156 = arith.muli %add3A_154, %mul3A_155 : i32
        %add3A_157 = arith.addi %mul3A_24, %mul3A_156 : i32
        %dma_start3A_158 = tpu.memref_slice %arg3[%add3A_157] : memref<320000xi32, #tpu.memory_space<hbm>> -> memref<128xi32, #tpu.memory_space<hbm>>
        %dma_start3A_159 = tpu.memref_slice %arg3[%add3A_157] : memref<320000xi32, #tpu.memory_space<hbm>> -> memref<128xi32, #tpu.memory_space<hbm>>
        tpu.enqueue_dma source(%dma_start3A_159 : memref<128xi32, #tpu.memory_space<hbm>>) target(%arg6 : memref<128xi32, #tpu.memory_space<vmem>>) target_semaphore(%arg16 : memref<!tpu.dma_semaphore, #tpu.memory_space<semaphore_mem>>)
        %mul3A_160 = arith.constant 128 : i32
        %mul3A_161 = arith.muli %add3A_154, %mul3A_160 : i32
        %add3A_162 = arith.addi %mul3A_24, %mul3A_161 : i32
        %dma_start3A_163 = tpu.memref_slice %arg4[%add3A_162] : memref<320000xi32, #tpu.memory_space<hbm>> -> memref<128xi32, #tpu.memory_space<hbm>>
        %dma_start3A_164 = tpu.memref_slice %arg4[%add3A_162] : memref<320000xi32, #tpu.memory_space<hbm>> -> memref<128xi32, #tpu.memory_space<hbm>>
        tpu.enqueue_dma source(%dma_start3A_164 : memref<128xi32, #tpu.memory_space<hbm>>) target(%arg9 : memref<128xi32, #tpu.memory_space<vmem>>) target_semaphore(%arg19 : memref<!tpu.dma_semaphore, #tpu.memory_space<semaphore_mem>>)
      } else {
      }
      %add3A_109 = arith.constant 2 : i32
      %add3A_110 = arith.addi %add3A_97, %add3A_109 : i32
      %lt3A_111 = arith.cmpi slt, %add3A_110, %select_n3A : i32
      %convert_element_type3A_112 = arith.extui %lt3A_111 : i1 to i32
      %cond3A_113 = arith.constant 0 : i32
      %cond3A_114 = arith.cmpi ne, %convert_element_type3A_112, %cond3A_113 : i32
      scf.if %cond3A_114 {
        %dma_wait3A_153 = tpu.memref_slice %arg4[%mul3A_24] : memref<320000xi32, #tpu.memory_space<hbm>> -> memref<128xi32, #tpu.memory_space<hbm>>
        %dma_wait3A_154 = tpu.memref_slice %arg4[%mul3A_24] : memref<320000xi32, #tpu.memory_space<hbm>> -> memref<128xi32, #tpu.memory_space<hbm>>
        tpu.wait_dma2 semaphore(%arg18 : memref<!tpu.dma_semaphore, #tpu.memory_space<semaphore_mem>>) src(%dma_wait3A_154 : memref<128xi32, #tpu.memory_space<hbm>>) dst(%arg8 : memref<128xi32, #tpu.memory_space<vmem>>)
        %dma_start3A_155 = arith.constant 0 : i32
        %dma_start3A_156 = arith.constant 0 : i32
        %dma_start3A_157 = tpu.memref_slice %arg2[%dma_start3A_155, %dma_start3A_156] : memref<10000x128xf32, #tpu.memory_space<hbm>> -> memref<10000x128xf32, #tpu.memory_space<hbm>>
        tpu.enqueue_indirect_dma source(%dma_start3A_157 : memref<10000x128xf32, #tpu.memory_space<hbm>>) target(%arg14 : memref<128x128xf32, #tpu.memory_space<vmem>>) offsets(%arg8 : memref<128xi32, #tpu.memory_space<vmem>>) semaphore(%arg24 : memref<!tpu.dma_semaphore, #tpu.memory_space<semaphore_mem>>)
      } else {
      }
      %add3A_115 = arith.constant 1 : i32
      %add3A_116 = arith.addi %add3A_95, %add3A_115 : i32
      %dma_wait3A_117 = arith.constant 0 : i32
      %dma_wait3A_118 = arith.constant 0 : i32
      %dma_wait3A_119 = tpu.memref_slice %arg2[%dma_wait3A_117, %dma_wait3A_118] : memref<10000x128xf32, #tpu.memory_space<hbm>> -> memref<10000x128xf32, #tpu.memory_space<hbm>>
      tpu.wait_indirect_dma semaphore(%arg23 : memref<!tpu.dma_semaphore, #tpu.memory_space<semaphore_mem>>) src(%dma_wait3A_119 : memref<10000x128xf32, #tpu.memory_space<hbm>>) dst(%arg13 : memref<128x128xf32, #tpu.memory_space<vmem>>)
      %dma_wait3A_120 = tpu.memref_slice %arg4[%mul3A_24] : memref<320000xi32, #tpu.memory_space<hbm>> -> memref<128xi32, #tpu.memory_space<hbm>>
      %dma_wait3A_121 = tpu.memref_slice %arg4[%mul3A_24] : memref<320000xi32, #tpu.memory_space<hbm>> -> memref<128xi32, #tpu.memory_space<hbm>>
      tpu.wait_dma2 semaphore(%arg20 : memref<!tpu.dma_semaphore, #tpu.memory_space<semaphore_mem>>) src(%dma_wait3A_121 : memref<128xi32, #tpu.memory_space<hbm>>) dst(%arg10 : memref<128xi32, #tpu.memory_space<vmem>>)
      "tpu.region"() ({
        %run_scoped3A = tpu.sem_alloc : memref<!tpu.dma_semaphore, #tpu.memory_space<semaphore_mem>>
        %dma_start3A_153 = arith.constant 0 : i32
        %dma_start3A_154 = arith.constant 0 : i32
        %dma_start3A_155 = tpu.memref_slice %arg15[%dma_start3A_153, %dma_start3A_154] : memref<10112x128xf32, #tpu.memory_space<vmem_shared>> -> memref<10112x128xf32, #tpu.memory_space<vmem_shared>>
        tpu.enqueue_indirect_dma source(%arg13 : memref<128x128xf32, #tpu.memory_space<vmem>>) target(%dma_start3A_155 : memref<10112x128xf32, #tpu.memory_space<vmem_shared>>) offsets(%arg10 : memref<128xi32, #tpu.memory_space<vmem>>) semaphore(%run_scoped3A : memref<!tpu.dma_semaphore, #tpu.memory_space<semaphore_mem>>) {add = true}
        %dma_wait3A_156 = arith.constant 0 : i32
        %dma_wait3A_157 = arith.constant 0 : i32
        %dma_wait3A_158 = tpu.memref_slice %arg15[%dma_wait3A_156, %dma_wait3A_157] : memref<10112x128xf32, #tpu.memory_space<vmem_shared>> -> memref<10112x128xf32, #tpu.memory_space<vmem_shared>>
        tpu.wait_indirect_dma semaphore(%run_scoped3A : memref<!tpu.dma_semaphore, #tpu.memory_space<semaphore_mem>>) src(%arg13 : memref<128x128xf32, #tpu.memory_space<vmem>>) dst(%dma_wait3A_158 : memref<10112x128xf32, #tpu.memory_space<vmem_shared>>)
        tpu.yield
      }) : () -> ()
      %add3A_122 = arith.constant 3 : i32
      %add3A_123 = arith.addi %add3A_116, %add3A_122 : i32
      %lt3A_124 = arith.cmpi slt, %add3A_123, %select_n3A : i32
      %convert_element_type3A_125 = arith.extui %lt3A_124 : i1 to i32
      %cond3A_126 = arith.constant 0 : i32
      %cond3A_127 = arith.cmpi ne, %convert_element_type3A_125, %cond3A_126 : i32
      scf.if %cond3A_127 {
        %add3A_153 = arith.constant 3 : i32
        %add3A_154 = arith.addi %add3A_116, %add3A_153 : i32
        %mul3A_155 = arith.constant 128 : i32
        %mul3A_156 = arith.muli %add3A_154, %mul3A_155 : i32
        %add3A_157 = arith.addi %mul3A_24, %mul3A_156 : i32
        %dma_start3A_158 = tpu.memref_slice %arg3[%add3A_157] : memref<320000xi32, #tpu.memory_space<hbm>> -> memref<128xi32, #tpu.memory_space<hbm>>
        %dma_start3A_159 = tpu.memref_slice %arg3[%add3A_157] : memref<320000xi32, #tpu.memory_space<hbm>> -> memref<128xi32, #tpu.memory_space<hbm>>
        tpu.enqueue_dma source(%dma_start3A_159 : memref<128xi32, #tpu.memory_space<hbm>>) target(%arg7 : memref<128xi32, #tpu.memory_space<vmem>>) target_semaphore(%arg17 : memref<!tpu.dma_semaphore, #tpu.memory_space<semaphore_mem>>)
        %mul3A_160 = arith.constant 128 : i32
        %mul3A_161 = arith.muli %add3A_154, %mul3A_160 : i32
        %add3A_162 = arith.addi %mul3A_24, %mul3A_161 : i32
        %dma_start3A_163 = tpu.memref_slice %arg4[%add3A_162] : memref<320000xi32, #tpu.memory_space<hbm>> -> memref<128xi32, #tpu.memory_space<hbm>>
        %dma_start3A_164 = tpu.memref_slice %arg4[%add3A_162] : memref<320000xi32, #tpu.memory_space<hbm>> -> memref<128xi32, #tpu.memory_space<hbm>>
        tpu.enqueue_dma source(%dma_start3A_164 : memref<128xi32, #tpu.memory_space<hbm>>) target(%arg10 : memref<128xi32, #tpu.memory_space<vmem>>) target_semaphore(%arg20 : memref<!tpu.dma_semaphore, #tpu.memory_space<semaphore_mem>>)
      } else {
      }
      %add3A_128 = arith.constant 2 : i32
      %add3A_129 = arith.addi %add3A_116, %add3A_128 : i32
      %lt3A_130 = arith.cmpi slt, %add3A_129, %select_n3A : i32
      %convert_element_type3A_131 = arith.extui %lt3A_130 : i1 to i32
      %cond3A_132 = arith.constant 0 : i32
      %cond3A_133 = arith.cmpi ne, %convert_element_type3A_131, %cond3A_132 : i32
      scf.if %cond3A_133 {
        %dma_wait3A_153 = tpu.memref_slice %arg4[%mul3A_24] : memref<320000xi32, #tpu.memory_space<hbm>> -> memref<128xi32, #tpu.memory_space<hbm>>
        %dma_wait3A_154 = tpu.memref_slice %arg4[%mul3A_24] : memref<320000xi32, #tpu.memory_space<hbm>> -> memref<128xi32, #tpu.memory_space<hbm>>
        tpu.wait_dma2 semaphore(%arg16 : memref<!tpu.dma_semaphore, #tpu.memory_space<semaphore_mem>>) src(%dma_wait3A_154 : memref<128xi32, #tpu.memory_space<hbm>>) dst(%arg6 : memref<128xi32, #tpu.memory_space<vmem>>)
        %dma_start3A_155 = arith.constant 0 : i32
        %dma_start3A_156 = arith.constant 0 : i32
        %dma_start3A_157 = tpu.memref_slice %arg2[%dma_start3A_155, %dma_start3A_156] : memref<10000x128xf32, #tpu.memory_space<hbm>> -> memref<10000x128xf32, #tpu.memory_space<hbm>>
        tpu.enqueue_indirect_dma source(%dma_start3A_157 : memref<10000x128xf32, #tpu.memory_space<hbm>>) target(%arg12 : memref<128x128xf32, #tpu.memory_space<vmem>>) offsets(%arg6 : memref<128xi32, #tpu.memory_space<vmem>>) semaphore(%arg22 : memref<!tpu.dma_semaphore, #tpu.memory_space<semaphore_mem>>)
      } else {
      }
      %add3A_134 = arith.constant 2 : i32
      %add3A_135 = arith.addi %add3A_95, %add3A_134 : i32
      %dma_wait3A_136 = arith.constant 0 : i32
      %dma_wait3A_137 = arith.constant 0 : i32
      %dma_wait3A_138 = tpu.memref_slice %arg2[%dma_wait3A_136, %dma_wait3A_137] : memref<10000x128xf32, #tpu.memory_space<hbm>> -> memref<10000x128xf32, #tpu.memory_space<hbm>>
      tpu.wait_indirect_dma semaphore(%arg24 : memref<!tpu.dma_semaphore, #tpu.memory_space<semaphore_mem>>) src(%dma_wait3A_138 : memref<10000x128xf32, #tpu.memory_space<hbm>>) dst(%arg14 : memref<128x128xf32, #tpu.memory_space<vmem>>)
      %dma_wait3A_139 = tpu.memref_slice %arg4[%mul3A_24] : memref<320000xi32, #tpu.memory_space<hbm>> -> memref<128xi32, #tpu.memory_space<hbm>>
      %dma_wait3A_140 = tpu.memref_slice %arg4[%mul3A_24] : memref<320000xi32, #tpu.memory_space<hbm>> -> memref<128xi32, #tpu.memory_space<hbm>>
      tpu.wait_dma2 semaphore(%arg21 : memref<!tpu.dma_semaphore, #tpu.memory_space<semaphore_mem>>) src(%dma_wait3A_140 : memref<128xi32, #tpu.memory_space<hbm>>) dst(%arg11 : memref<128xi32, #tpu.memory_space<vmem>>)
      "tpu.region"() ({
        %run_scoped3A = tpu.sem_alloc : memref<!tpu.dma_semaphore, #tpu.memory_space<semaphore_mem>>
        %dma_start3A_153 = arith.constant 0 : i32
        %dma_start3A_154 = arith.constant 0 : i32
        %dma_start3A_155 = tpu.memref_slice %arg15[%dma_start3A_153, %dma_start3A_154] : memref<10112x128xf32, #tpu.memory_space<vmem_shared>> -> memref<10112x128xf32, #tpu.memory_space<vmem_shared>>
        tpu.enqueue_indirect_dma source(%arg14 : memref<128x128xf32, #tpu.memory_space<vmem>>) target(%dma_start3A_155 : memref<10112x128xf32, #tpu.memory_space<vmem_shared>>) offsets(%arg11 : memref<128xi32, #tpu.memory_space<vmem>>) semaphore(%run_scoped3A : memref<!tpu.dma_semaphore, #tpu.memory_space<semaphore_mem>>) {add = true}
        %dma_wait3A_156 = arith.constant 0 : i32
        %dma_wait3A_157 = arith.constant 0 : i32
        %dma_wait3A_158 = tpu.memref_slice %arg15[%dma_wait3A_156, %dma_wait3A_157] : memref<10112x128xf32, #tpu.memory_space<vmem_shared>> -> memref<10112x128xf32, #tpu.memory_space<vmem_shared>>
        tpu.wait_indirect_dma semaphore(%run_scoped3A : memref<!tpu.dma_semaphore, #tpu.memory_space<semaphore_mem>>) src(%arg14 : memref<128x128xf32, #tpu.memory_space<vmem>>) dst(%dma_wait3A_158 : memref<10112x128xf32, #tpu.memory_space<vmem_shared>>)
        tpu.yield
      }) : () -> ()
      %add3A_141 = arith.constant 3 : i32
      %add3A_142 = arith.addi %add3A_135, %add3A_141 : i32
      %lt3A_143 = arith.cmpi slt, %add3A_142, %select_n3A : i32
      %convert_element_type3A_144 = arith.extui %lt3A_143 : i1 to i32
      %cond3A_145 = arith.constant 0 : i32
      %cond3A_146 = arith.cmpi ne, %convert_element_type3A_144, %cond3A_145 : i32
      scf.if %cond3A_146 {
        %add3A_153 = arith.constant 3 : i32
        %add3A_154 = arith.addi %add3A_135, %add3A_153 : i32
        %mul3A_155 = arith.constant 128 : i32
        %mul3A_156 = arith.muli %add3A_154, %mul3A_155 : i32
        %add3A_157 = arith.addi %mul3A_24, %mul3A_156 : i32
        %dma_start3A_158 = tpu.memref_slice %arg3[%add3A_157] : memref<320000xi32, #tpu.memory_space<hbm>> -> memref<128xi32, #tpu.memory_space<hbm>>
        %dma_start3A_159 = tpu.memref_slice %arg3[%add3A_157] : memref<320000xi32, #tpu.memory_space<hbm>> -> memref<128xi32, #tpu.memory_space<hbm>>
        tpu.enqueue_dma source(%dma_start3A_159 : memref<128xi32, #tpu.memory_space<hbm>>) target(%arg8 : memref<128xi32, #tpu.memory_space<vmem>>) target_semaphore(%arg18 : memref<!tpu.dma_semaphore, #tpu.memory_space<semaphore_mem>>)
        %mul3A_160 = arith.constant 128 : i32
        %mul3A_161 = arith.muli %add3A_154, %mul3A_160 : i32
        %add3A_162 = arith.addi %mul3A_24, %mul3A_161 : i32
        %dma_start3A_163 = tpu.memref_slice %arg4[%add3A_162] : memref<320000xi32, #tpu.memory_space<hbm>> -> memref<128xi32, #tpu.memory_space<hbm>>
        %dma_start3A_164 = tpu.memref_slice %arg4[%add3A_162] : memref<320000xi32, #tpu.memory_space<hbm>> -> memref<128xi32, #tpu.memory_space<hbm>>
        tpu.enqueue_dma source(%dma_start3A_164 : memref<128xi32, #tpu.memory_space<hbm>>) target(%arg11 : memref<128xi32, #tpu.memory_space<vmem>>) target_semaphore(%arg21 : memref<!tpu.dma_semaphore, #tpu.memory_space<semaphore_mem>>)
      } else {
      }
      %add3A_147 = arith.constant 2 : i32
      %add3A_148 = arith.addi %add3A_135, %add3A_147 : i32
      %lt3A_149 = arith.cmpi slt, %add3A_148, %select_n3A : i32
      %convert_element_type3A_150 = arith.extui %lt3A_149 : i1 to i32
      %cond3A_151 = arith.constant 0 : i32
      %cond3A_152 = arith.cmpi ne, %convert_element_type3A_150, %cond3A_151 : i32
      scf.if %cond3A_152 {
        %dma_wait3A_153 = tpu.memref_slice %arg4[%mul3A_24] : memref<320000xi32, #tpu.memory_space<hbm>> -> memref<128xi32, #tpu.memory_space<hbm>>
        %dma_wait3A_154 = tpu.memref_slice %arg4[%mul3A_24] : memref<320000xi32, #tpu.memory_space<hbm>> -> memref<128xi32, #tpu.memory_space<hbm>>
        tpu.wait_dma2 semaphore(%arg17 : memref<!tpu.dma_semaphore, #tpu.memory_space<semaphore_mem>>) src(%dma_wait3A_154 : memref<128xi32, #tpu.memory_space<hbm>>) dst(%arg7 : memref<128xi32, #tpu.memory_space<vmem>>)
        %dma_start3A_155 = arith.constant 0 : i32
        %dma_start3A_156 = arith.constant 0 : i32
        %dma_start3A_157 = tpu.memref_slice %arg2[%dma_start3A_155, %dma_start3A_156] : memref<10000x128xf32, #tpu.memory_space<hbm>> -> memref<10000x128xf32, #tpu.memory_space<hbm>>
        tpu.enqueue_indirect_dma source(%dma_start3A_157 : memref<10000x128xf32, #tpu.memory_space<hbm>>) target(%arg13 : memref<128x128xf32, #tpu.memory_space<vmem>>) offsets(%arg7 : memref<128xi32, #tpu.memory_space<vmem>>) semaphore(%arg23 : memref<!tpu.dma_semaphore, #tpu.memory_space<semaphore_mem>>)
      } else {
      }
    }
    %dma_wait3A_75 = arith.constant 0 : i32
    %dma_wait3A_76 = arith.constant 0 : i32
    %dma_wait3A_77 = tpu.memref_slice %arg2[%dma_wait3A_75, %dma_wait3A_76] : memref<10000x128xf32, #tpu.memory_space<hbm>> -> memref<10000x128xf32, #tpu.memory_space<hbm>>
    tpu.wait_indirect_dma semaphore(%arg22 : memref<!tpu.dma_semaphore, #tpu.memory_space<semaphore_mem>>) src(%dma_wait3A_77 : memref<10000x128xf32, #tpu.memory_space<hbm>>) dst(%arg12 : memref<128x128xf32, #tpu.memory_space<vmem>>)
    %dma_wait3A_78 = tpu.memref_slice %arg4[%mul3A_24] : memref<320000xi32, #tpu.memory_space<hbm>> -> memref<128xi32, #tpu.memory_space<hbm>>
    %dma_wait3A_79 = tpu.memref_slice %arg4[%mul3A_24] : memref<320000xi32, #tpu.memory_space<hbm>> -> memref<128xi32, #tpu.memory_space<hbm>>
    tpu.wait_dma2 semaphore(%arg19 : memref<!tpu.dma_semaphore, #tpu.memory_space<semaphore_mem>>) src(%dma_wait3A_79 : memref<128xi32, #tpu.memory_space<hbm>>) dst(%arg9 : memref<128xi32, #tpu.memory_space<vmem>>)
    "tpu.region"() ({
      %run_scoped3A = tpu.sem_alloc : memref<!tpu.dma_semaphore, #tpu.memory_space<semaphore_mem>>
      %dma_start3A_93 = arith.constant 0 : i32
      %dma_start3A_94 = arith.constant 0 : i32
      %dma_start3A_95 = tpu.memref_slice %arg15[%dma_start3A_93, %dma_start3A_94] : memref<10112x128xf32, #tpu.memory_space<vmem_shared>> -> memref<10112x128xf32, #tpu.memory_space<vmem_shared>>
      tpu.enqueue_indirect_dma source(%arg12 : memref<128x128xf32, #tpu.memory_space<vmem>>) target(%dma_start3A_95 : memref<10112x128xf32, #tpu.memory_space<vmem_shared>>) offsets(%arg9 : memref<128xi32, #tpu.memory_space<vmem>>) semaphore(%run_scoped3A : memref<!tpu.dma_semaphore, #tpu.memory_space<semaphore_mem>>) {add = true}
      %dma_wait3A_96 = arith.constant 0 : i32
      %dma_wait3A_97 = arith.constant 0 : i32
      %dma_wait3A_98 = tpu.memref_slice %arg15[%dma_wait3A_96, %dma_wait3A_97] : memref<10112x128xf32, #tpu.memory_space<vmem_shared>> -> memref<10112x128xf32, #tpu.memory_space<vmem_shared>>
      tpu.wait_indirect_dma semaphore(%run_scoped3A : memref<!tpu.dma_semaphore, #tpu.memory_space<semaphore_mem>>) src(%arg12 : memref<128x128xf32, #tpu.memory_space<vmem>>) dst(%dma_wait3A_98 : memref<10112x128xf32, #tpu.memory_space<vmem_shared>>)
      tpu.yield
    }) : () -> ()
    %dma_wait3A_80 = arith.constant 0 : i32
    %dma_wait3A_81 = arith.constant 0 : i32
    %dma_wait3A_82 = tpu.memref_slice %arg2[%dma_wait3A_80, %dma_wait3A_81] : memref<10000x128xf32, #tpu.memory_space<hbm>> -> memref<10000x128xf32, #tpu.memory_space<hbm>>
    tpu.wait_indirect_dma semaphore(%arg23 : memref<!tpu.dma_semaphore, #tpu.memory_space<semaphore_mem>>) src(%dma_wait3A_82 : memref<10000x128xf32, #tpu.memory_space<hbm>>) dst(%arg13 : memref<128x128xf32, #tpu.memory_space<vmem>>)
    %dma_wait3A_83 = tpu.memref_slice %arg4[%mul3A_24] : memref<320000xi32, #tpu.memory_space<hbm>> -> memref<128xi32, #tpu.memory_space<hbm>>
    %dma_wait3A_84 = tpu.memref_slice %arg4[%mul3A_24] : memref<320000xi32, #tpu.memory_space<hbm>> -> memref<128xi32, #tpu.memory_space<hbm>>
    tpu.wait_dma2 semaphore(%arg20 : memref<!tpu.dma_semaphore, #tpu.memory_space<semaphore_mem>>) src(%dma_wait3A_84 : memref<128xi32, #tpu.memory_space<hbm>>) dst(%arg10 : memref<128xi32, #tpu.memory_space<vmem>>)
    "tpu.region"() ({
      %run_scoped3A = tpu.sem_alloc : memref<!tpu.dma_semaphore, #tpu.memory_space<semaphore_mem>>
      %dma_start3A_93 = arith.constant 0 : i32
      %dma_start3A_94 = arith.constant 0 : i32
      %dma_start3A_95 = tpu.memref_slice %arg15[%dma_start3A_93, %dma_start3A_94] : memref<10112x128xf32, #tpu.memory_space<vmem_shared>> -> memref<10112x128xf32, #tpu.memory_space<vmem_shared>>
      tpu.enqueue_indirect_dma source(%arg13 : memref<128x128xf32, #tpu.memory_space<vmem>>) target(%dma_start3A_95 : memref<10112x128xf32, #tpu.memory_space<vmem_shared>>) offsets(%arg10 : memref<128xi32, #tpu.memory_space<vmem>>) semaphore(%run_scoped3A : memref<!tpu.dma_semaphore, #tpu.memory_space<semaphore_mem>>) {add = true}
      %dma_wait3A_96 = arith.constant 0 : i32
      %dma_wait3A_97 = arith.constant 0 : i32
      %dma_wait3A_98 = tpu.memref_slice %arg15[%dma_wait3A_96, %dma_wait3A_97] : memref<10112x128xf32, #tpu.memory_space<vmem_shared>> -> memref<10112x128xf32, #tpu.memory_space<vmem_shared>>
      tpu.wait_indirect_dma semaphore(%run_scoped3A : memref<!tpu.dma_semaphore, #tpu.memory_space<semaphore_mem>>) src(%arg13 : memref<128x128xf32, #tpu.memory_space<vmem>>) dst(%dma_wait3A_98 : memref<10112x128xf32, #tpu.memory_space<vmem_shared>>)
      tpu.yield
    }) : () -> ()
    %barrier3A_85 = arith.constant 0 : index
    tpu.barrier barrier_id(%barrier3A_85)
    %lt3A_86 = arith.constant 15 : i32
    %lt3A_87 = arith.cmpi slt, %arg1, %lt3A_86 : i32
    %convert_element_type3A = arith.extui %lt3A_87 : i1 to i32
    %cond3A = arith.constant 0 : i32
    %cond3A_88 = arith.cmpi ne, %convert_element_type3A, %cond3A : i32
    scf.if %cond3A_88 {
      %mul3A_93 = arith.constant 632 : i32
      %mul3A_94 = arith.muli %arg1, %mul3A_93 : i32
      %mul3A_95 = arith.constant 632 : i32
      %mul3A_96 = arith.muli %arg1, %mul3A_95 : i32
      "tpu.region"() ({
        %run_scoped3A = tpu.sem_alloc : memref<!tpu.dma_semaphore, #tpu.memory_space<semaphore_mem>>
        %dma_start3A_97 = arith.constant 0 : i32
        %dma_start3A_98 = tpu.memref_slice %arg5[%arg0, %mul3A_96, %dma_start3A_97] : memref<2x10000x128xf32, #tpu.memory_space<hbm>> -> memref<1x632x128xf32, #tpu.memory_space<hbm>>
        %dma_start3A_99 = tpu.memref_squeeze %dma_start3A_98 : memref<1x632x128xf32, #tpu.memory_space<hbm>> -> memref<632x128xf32, #tpu.memory_space<hbm>>
        %dma_start3A_100 = arith.constant 0 : i32
        %dma_start3A_101 = tpu.memref_slice %arg15[%mul3A_94, %dma_start3A_100] : memref<10112x128xf32, #tpu.memory_space<vmem_shared>> -> memref<632x128xf32, #tpu.memory_space<vmem_shared>>
        tpu.enqueue_dma source(%dma_start3A_101 : memref<632x128xf32, #tpu.memory_space<vmem_shared>>) target(%dma_start3A_99 : memref<632x128xf32, #tpu.memory_space<hbm>>) target_semaphore(%run_scoped3A : memref<!tpu.dma_semaphore, #tpu.memory_space<semaphore_mem>>)
        %dma_wait3A_102 = arith.constant 0 : i32
        %dma_wait3A_103 = tpu.memref_slice %arg5[%arg0, %mul3A_96, %dma_wait3A_102] : memref<2x10000x128xf32, #tpu.memory_space<hbm>> -> memref<1x632x128xf32, #tpu.memory_space<hbm>>
        %dma_wait3A_104 = tpu.memref_squeeze %dma_wait3A_103 : memref<1x632x128xf32, #tpu.memory_space<hbm>> -> memref<632x128xf32, #tpu.memory_space<hbm>>
        %dma_wait3A_105 = arith.constant 0 : i32
        %dma_wait3A_106 = tpu.memref_slice %arg15[%mul3A_94, %dma_wait3A_105] : memref<10112x128xf32, #tpu.memory_space<vmem_shared>> -> memref<632x128xf32, #tpu.memory_space<vmem_shared>>
        tpu.wait_dma2 semaphore(%run_scoped3A : memref<!tpu.dma_semaphore, #tpu.memory_space<semaphore_mem>>) src(%dma_wait3A_106 : memref<632x128xf32, #tpu.memory_space<vmem_shared>>) dst(%dma_wait3A_104 : memref<632x128xf32, #tpu.memory_space<hbm>>)
        tpu.yield
      }) : () -> ()
    } else {
    }
    %eq3A = arith.constant 15 : i32
    %eq3A_89 = arith.cmpi eq, %arg1, %eq3A : i32
    %convert_element_type3A_90 = arith.extui %eq3A_89 : i1 to i32
    %cond3A_91 = arith.constant 0 : i32
    %cond3A_92 = arith.cmpi ne, %convert_element_type3A_90, %cond3A_91 : i32
    scf.if %cond3A_92 {
      "tpu.region"() ({
        %run_scoped3A = tpu.sem_alloc : memref<!tpu.dma_semaphore, #tpu.memory_space<semaphore_mem>>
        %dma_start3A_93 = arith.constant 9480 : i32
        %dma_start3A_94 = arith.constant 0 : i32
        %dma_start3A_95 = tpu.memref_slice %arg5[%arg0, %dma_start3A_93, %dma_start3A_94] : memref<2x10000x128xf32, #tpu.memory_space<hbm>> -> memref<1x520x128xf32, #tpu.memory_space<hbm>>
        %dma_start3A_96 = tpu.memref_squeeze %dma_start3A_95 : memref<1x520x128xf32, #tpu.memory_space<hbm>> -> memref<520x128xf32, #tpu.memory_space<hbm>>
        %dma_start3A_97 = arith.constant 9480 : i32
        %dma_start3A_98 = arith.constant 0 : i32
        %dma_start3A_99 = tpu.memref_slice %arg15[%dma_start3A_97, %dma_start3A_98] : memref<10112x128xf32, #tpu.memory_space<vmem_shared>> -> memref<520x128xf32, #tpu.memory_space<vmem_shared>>
        tpu.enqueue_dma source(%dma_start3A_99 : memref<520x128xf32, #tpu.memory_space<vmem_shared>>) target(%dma_start3A_96 : memref<520x128xf32, #tpu.memory_space<hbm>>) target_semaphore(%run_scoped3A : memref<!tpu.dma_semaphore, #tpu.memory_space<semaphore_mem>>)
        %dma_wait3A_100 = arith.constant 9480 : i32
        %dma_wait3A_101 = arith.constant 0 : i32
        %dma_wait3A_102 = tpu.memref_slice %arg5[%arg0, %dma_wait3A_100, %dma_wait3A_101] : memref<2x10000x128xf32, #tpu.memory_space<hbm>> -> memref<1x520x128xf32, #tpu.memory_space<hbm>>
        %dma_wait3A_103 = tpu.memref_squeeze %dma_wait3A_102 : memref<1x520x128xf32, #tpu.memory_space<hbm>> -> memref<520x128xf32, #tpu.memory_space<hbm>>
        %dma_wait3A_104 = arith.constant 9480 : i32
        %dma_wait3A_105 = arith.constant 0 : i32
        %dma_wait3A_106 = tpu.memref_slice %arg15[%dma_wait3A_104, %dma_wait3A_105] : memref<10112x128xf32, #tpu.memory_space<vmem_shared>> -> memref<520x128xf32, #tpu.memory_space<vmem_shared>>
        tpu.wait_dma2 semaphore(%run_scoped3A : memref<!tpu.dma_semaphore, #tpu.memory_space<semaphore_mem>>) src(%dma_wait3A_106 : memref<520x128xf32, #tpu.memory_space<vmem_shared>>) dst(%dma_wait3A_103 : memref<520x128xf32, #tpu.memory_space<hbm>>)
        tpu.yield
      }) : () -> ()
    } else {
    }
    return
  }
}

module attributes {stable_mosaic.version = 14 : i64} {
  func.func @_proj_body(%arg0: i32, %arg1: memref<2000x128xf32, #tpu.memory_space<vmem>>, %arg2: memref<128x128xf32, #tpu.memory_space<vmem>>, %arg3: memref<1x128xf32, #tpu.memory_space<vmem>>, %arg4: memref<2000x128xf32, #tpu.memory_space<vmem>>) attributes {dimension_semantics = [#tpu.dimension_semantics<arbitrary>], iteration_bounds = array<i64: 5>, scalar_prefetch = 0 : i64, scratch_operands = 0 : i64, tpu.core_type = #tpu.core_type<tc>, window_params = [{transform_indices = @transform_0, window_bounds = array<i64: 2000, 128>}, {pipeline_mode = #tpu.pipeline_mode<synchronous>, transform_indices = @transform_1, window_bounds = array<i64: 128, 128>}, {pipeline_mode = #tpu.pipeline_mode<synchronous>, transform_indices = @transform_2, window_bounds = array<i64: 1, 128>}, {transform_indices = @transform_3, window_bounds = array<i64: 2000, 128>}]} {
    %get3A = arith.constant 0 : index
    %get3A_0 = arith.constant 0 : index
    %get3A_1 = vector.load %arg1[%get3A, %get3A_0] : memref<2000x128xf32, #tpu.memory_space<vmem>>, vector<2000x128xf32>
    %get3A_2 = arith.constant 0 : index
    %get3A_3 = arith.constant 0 : index
    %get3A_4 = vector.load %arg2[%get3A_2, %get3A_3] : memref<128x128xf32, #tpu.memory_space<vmem>>, vector<128x128xf32>
    %dot_general3A = arith.constant dense<0.000000e+00> : vector<2000x128xf32>
    %dot_general3A_5 = tpu.matmul %get3A_1, %get3A_4, %dot_general3A {dimension_numbers = #tpu.dot_dimension_numbers<[1], [0], [0], [1], [0, 0, 1, 1], [], []>, transpose_lhs_hint = false} : vector<2000x128xf32>, vector<128x128xf32>, vector<2000x128xf32> -> vector<2000x128xf32>
    %get3A_6 = arith.constant 0 : index
    %get3A_7 = arith.constant 0 : index
    %get3A_8 = vector.load %arg3[%get3A_6, %get3A_7] : memref<1x128xf32, #tpu.memory_space<vmem>>, vector<1x128xf32>
    %add3A = vector.broadcast %get3A_8 : vector<1x128xf32> to vector<2000x128xf32>
    %add3A_9 = arith.addf %dot_general3A_5, %add3A : vector<2000x128xf32>
    %max3A = arith.constant 0.000000e+00 : f32
    %max3A_10 = vector.broadcast %max3A : f32 to vector<2000x128xf32>
    %max3A_11 = arith.maximumf %add3A_9, %max3A_10 : vector<2000x128xf32>
    %swap3A = arith.constant 0 : index
    %swap3A_12 = arith.constant 0 : index
    %swap3A_13 = vector.load %arg4[%swap3A, %swap3A_12] : memref<2000x128xf32, #tpu.memory_space<vmem>>, vector<2000x128xf32>
    tpu.vector_store %arg4[%swap3A, %swap3A_12], %max3A_11 {strides = array<i32>} : memref<2000x128xf32, #tpu.memory_space<vmem>>, vector<2000x128xf32>,
    return
  }
  func.func @transform_0(%arg0: i32) -> (i32, i32) {
    %c0_i32 = arith.constant 0 : i32
    %c0_i32_0 = arith.constant 0 : i32
    return %arg0, %c0_i32 : i32, i32
  }
  func.func @transform_1(%arg0: i32) -> (i32, i32) {
    %c0_i32 = arith.constant 0 : i32
    %c0_i32_0 = arith.constant 0 : i32
    %c0_i32_1 = arith.constant 0 : i32
    return %c0_i32, %c0_i32_0 : i32, i32
  }
  func.func @transform_2(%arg0: i32) -> (i32, i32) {
    %c0_i32 = arith.constant 0 : i32
    %c0_i32_0 = arith.constant 0 : i32
    %c0_i32_1 = arith.constant 0 : i32
    return %c0_i32, %c0_i32_0 : i32, i32
  }
  func.func @transform_3(%arg0: i32) -> (i32, i32) {
    %c0_i32 = arith.constant 0 : i32
    %c0_i32_0 = arith.constant 0 : i32
    return %arg0, %c0_i32 : i32, i32
  }
}

module attributes {stable_mosaic.version = 14 : i64} {
  func.func @_layer_body(%arg0: i32, %arg1: i32, %arg2: memref<2x2000x128xf32, #tpu.memory_space<vmem>>, %arg3: memref<2000x128xf32, #tpu.memory_space<vmem>>, %arg4: memref<128x128xf32, #tpu.memory_space<vmem>>, %arg5: memref<1x128xf32, #tpu.memory_space<vmem>>, %arg6: memref<128x128xf32, #tpu.memory_space<vmem>>, %arg7: memref<1x128xf32, #tpu.memory_space<vmem>>, %arg8: memref<1x1xf32, #tpu.memory_space<smem>>, %arg9: memref<1x128xf32, #tpu.memory_space<vmem>>, %arg10: memref<1x128xf32, #tpu.memory_space<vmem>>, %arg11: memref<2000x128xf32, #tpu.memory_space<vmem>>, %arg12: memref<10000x128xf32, #tpu.memory_space<vmem>>, %arg13: memref<8x128xf32, #tpu.memory_space<vmem>>) attributes {dimension_semantics = [#tpu.dimension_semantics<arbitrary>, #tpu.dimension_semantics<arbitrary>], iteration_bounds = array<i64: 2, 5>, scalar_prefetch = 0 : i64, scratch_operands = 2 : i64, tpu.core_type = #tpu.core_type<tc>, window_params = [{transform_indices = @transform_0, window_bounds = array<i64: 2, 2000, 128>}, {transform_indices = @transform_1, window_bounds = array<i64: 2000, 128>}, {pipeline_mode = #tpu.pipeline_mode<synchronous>, transform_indices = @transform_2, window_bounds = array<i64: 128, 128>}, {pipeline_mode = #tpu.pipeline_mode<synchronous>, transform_indices = @transform_3, window_bounds = array<i64: 1, 128>}, {pipeline_mode = #tpu.pipeline_mode<synchronous>, transform_indices = @transform_4, window_bounds = array<i64: 128, 128>}, {pipeline_mode = #tpu.pipeline_mode<synchronous>, transform_indices = @transform_5, window_bounds = array<i64: 1, 128>}, {transform_indices = @transform_6, window_bounds = array<i64: 1, 1>}, {pipeline_mode = #tpu.pipeline_mode<synchronous>, transform_indices = @transform_7, window_bounds = array<i64: 1, 128>}, {pipeline_mode = #tpu.pipeline_mode<synchronous>, transform_indices = @transform_8, window_bounds = array<i64: 1, 128>}, {transform_indices = @transform_9, window_bounds = array<i64: 2000, 128>}]} {
    %eq3A = arith.constant 0 : i32
    %eq3A_0 = arith.cmpi eq, %arg0, %eq3A : i32
    %convert_element_type3A = arith.extui %eq3A_0 : i1 to i32
    %cond3A = arith.constant 0 : i32
    %cond3A_1 = arith.cmpi ne, %convert_element_type3A, %cond3A : i32
    scf.if %cond3A_1 {
      %get3A = arith.constant 0 : index
      %get3A_7 = arith.constant 0 : index
      %get3A_8 = arith.constant 0 : index
      %get3A_9 = vector.load %arg2[%get3A, %get3A_7, %get3A_8] : memref<2x2000x128xf32, #tpu.memory_space<vmem>>, vector<1x2000x128xf32>
      %get3A_10 = vector.shape_cast %get3A_9 : vector<1x2000x128xf32> to vector<2000x128xf32>
      %get3A_11 = arith.constant 1 : index
      %get3A_12 = arith.constant 0 : index
      %get3A_13 = arith.constant 0 : index
      %get3A_14 = vector.load %arg2[%get3A_11, %get3A_12, %get3A_13] : memref<2x2000x128xf32, #tpu.memory_space<vmem>>, vector<1x2000x128xf32>
      %get3A_15 = vector.shape_cast %get3A_14 : vector<1x2000x128xf32> to vector<2000x128xf32>
      %add3A = arith.addf %get3A_10, %get3A_15 : vector<2000x128xf32>
      %get3A_16 = arith.constant 0 : index
      %get3A_17 = arith.constant 0 : index
      %get3A_18 = memref.load %arg8[%get3A_16, %get3A_17] : memref<1x1xf32, #tpu.memory_space<smem>>
      %get3A_19 = arith.constant 0 : index
      %get3A_20 = arith.constant 0 : index
      %get3A_21 = vector.load %arg3[%get3A_19, %get3A_20] : memref<2000x128xf32, #tpu.memory_space<vmem>>, vector<2000x128xf32>
      %mul3A = vector.broadcast %get3A_18 : f32 to vector<2000x128xf32>
      %mul3A_22 = arith.mulf %mul3A, %get3A_21 : vector<2000x128xf32>
      %add3A_23 = arith.addf %add3A, %mul3A_22 : vector<2000x128xf32>
      %get3A_24 = arith.constant 0 : index
      %get3A_25 = arith.constant 0 : index
      %get3A_26 = vector.load %arg4[%get3A_24, %get3A_25] : memref<128x128xf32, #tpu.memory_space<vmem>>, vector<128x128xf32>
      %dot_general3A = arith.constant dense<0.000000e+00> : vector<2000x128xf32>
      %dot_general3A_27 = tpu.matmul %add3A_23, %get3A_26, %dot_general3A {dimension_numbers = #tpu.dot_dimension_numbers<[1], [0], [0], [1], [0, 0, 1, 1], [], []>, transpose_lhs_hint = false} : vector<2000x128xf32>, vector<128x128xf32>, vector<2000x128xf32> -> vector<2000x128xf32>
      %get3A_28 = arith.constant 0 : index
      %get3A_29 = arith.constant 0 : index
      %get3A_30 = vector.load %arg5[%get3A_28, %get3A_29] : memref<1x128xf32, #tpu.memory_space<vmem>>, vector<1x128xf32>
      %add3A_31 = vector.broadcast %get3A_30 : vector<1x128xf32> to vector<2000x128xf32>
      %add3A_32 = arith.addf %dot_general3A_27, %add3A_31 : vector<2000x128xf32>
      %max3A = arith.constant 0.000000e+00 : f32
      %max3A_33 = vector.broadcast %max3A : f32 to vector<2000x128xf32>
      %max3A_34 = arith.maximumf %add3A_32, %max3A_33 : vector<2000x128xf32>
      %get3A_35 = arith.constant 0 : index
      %get3A_36 = arith.constant 0 : index
      %get3A_37 = vector.load %arg6[%get3A_35, %get3A_36] : memref<128x128xf32, #tpu.memory_space<vmem>>, vector<128x128xf32>
      %dot_general3A_38 = arith.constant dense<0.000000e+00> : vector<2000x128xf32>
      %dot_general3A_39 = tpu.matmul %max3A_34, %get3A_37, %dot_general3A_38 {dimension_numbers = #tpu.dot_dimension_numbers<[1], [0], [0], [1], [0, 0, 1, 1], [], []>, transpose_lhs_hint = false} : vector<2000x128xf32>, vector<128x128xf32>, vector<2000x128xf32> -> vector<2000x128xf32>
      %get3A_40 = arith.constant 0 : index
      %get3A_41 = arith.constant 0 : index
      %get3A_42 = vector.load %arg7[%get3A_40, %get3A_41] : memref<1x128xf32, #tpu.memory_space<vmem>>, vector<1x128xf32>
      %add3A_43 = vector.broadcast %get3A_42 : vector<1x128xf32> to vector<2000x128xf32>
      %add3A_44 = arith.addf %dot_general3A_39, %add3A_43 : vector<2000x128xf32>
      %mul3A_45 = arith.constant 2000 : i32
      %mul3A_46 = arith.muli %arg1, %mul3A_45 : i32
      %swap3A = arith.index_cast %mul3A_46 : i32 to index
      %swap3A_47 = arith.constant 0 : index
      %swap3A_48 = vector.load %arg12[%swap3A, %swap3A_47] : memref<10000x128xf32, #tpu.memory_space<vmem>>, vector<2000x128xf32>
      tpu.vector_store %arg12[%swap3A, %swap3A_47], %add3A_44 {strides = array<i32>} : memref<10000x128xf32, #tpu.memory_space<vmem>>, vector<2000x128xf32>,
      %eq3A_49 = arith.constant 0 : i32
      %eq3A_50 = arith.cmpi eq, %arg1, %eq3A_49 : i32
      %convert_element_type3A_51 = arith.extui %eq3A_50 : i1 to i32
      %cond3A_52 = arith.constant 0 : i32
      %cond3A_53 = arith.cmpi ne, %convert_element_type3A_51, %cond3A_52 : i32
      scf.if %cond3A_53 {
        %broadcast_in_dim3A_73 = arith.constant 0.000000e+00 : f32
        %broadcast_in_dim3A_74 = vector.broadcast %broadcast_in_dim3A_73 : f32 to vector<8x128xf32>
        %swap3A_75 = arith.constant 0 : index
        %swap3A_76 = arith.constant 0 : index
        %swap3A_77 = vector.load %arg13[%swap3A_75, %swap3A_76] : memref<8x128xf32, #tpu.memory_space<vmem>>, vector<8x128xf32>
        tpu.vector_store %arg13[%swap3A_75, %swap3A_76], %broadcast_in_dim3A_74 {strides = array<i32>} : memref<8x128xf32, #tpu.memory_space<vmem>>, vector<8x128xf32>,
      } else {
      }
      %get3A_54 = arith.constant 0 : index
      %get3A_55 = arith.constant 0 : index
      %get3A_56 = vector.load %arg13[%get3A_54, %get3A_55] : memref<8x128xf32, #tpu.memory_space<vmem>>, vector<1x128xf32>
      %reduce_sum3A = arith.constant dense<0.000000e+00> : vector<128xf32>
      %reduce_sum3A_57 = vector.multi_reduction <add>, %add3A_44, %reduce_sum3A [0] : vector<2000x128xf32> to vector<128xf32>
      %broadcast_in_dim3A = vector.shape_cast %reduce_sum3A_57 : vector<128xf32> to vector<1x128xf32>
      %add3A_58 = arith.addf %get3A_56, %broadcast_in_dim3A : vector<1x128xf32>
      %swap3A_59 = arith.constant 0 : index
      %swap3A_60 = arith.constant 0 : index
      %swap3A_61 = vector.load %arg13[%swap3A_59, %swap3A_60] : memref<8x128xf32, #tpu.memory_space<vmem>>, vector<1x128xf32>
      tpu.vector_store %arg13[%swap3A_59, %swap3A_60], %add3A_58 {strides = array<i32>} : memref<8x128xf32, #tpu.memory_space<vmem>>, vector<1x128xf32>,
      %get3A_62 = arith.constant 1 : index
      %get3A_63 = arith.constant 0 : index
      %get3A_64 = vector.load %arg13[%get3A_62, %get3A_63] : memref<8x128xf32, #tpu.memory_space<vmem>>, vector<1x128xf32>
      %mul3A_65 = arith.mulf %add3A_44, %add3A_44 : vector<2000x128xf32>
      %reduce_sum3A_66 = arith.constant dense<0.000000e+00> : vector<128xf32>
      %reduce_sum3A_67 = vector.multi_reduction <add>, %mul3A_65, %reduce_sum3A_66 [0] : vector<2000x128xf32> to vector<128xf32>
      %broadcast_in_dim3A_68 = vector.shape_cast %reduce_sum3A_67 : vector<128xf32> to vector<1x128xf32>
      %add3A_69 = arith.addf %get3A_64, %broadcast_in_dim3A_68 : vector<1x128xf32>
      %swap3A_70 = arith.constant 1 : index
      %swap3A_71 = arith.constant 0 : index
      %swap3A_72 = vector.load %arg13[%swap3A_70, %swap3A_71] : memref<8x128xf32, #tpu.memory_space<vmem>>, vector<1x128xf32>
      tpu.vector_store %arg13[%swap3A_70, %swap3A_71], %add3A_69 {strides = array<i32>} : memref<8x128xf32, #tpu.memory_space<vmem>>, vector<1x128xf32>,
    } else {
    }
    %eq3A_2 = arith.constant 1 : i32
    %eq3A_3 = arith.cmpi eq, %arg0, %eq3A_2 : i32
    %convert_element_type3A_4 = arith.extui %eq3A_3 : i1 to i32
    %cond3A_5 = arith.constant 0 : i32
    %cond3A_6 = arith.cmpi ne, %convert_element_type3A_4, %cond3A_5 : i32
    scf.if %cond3A_6 {
      %get3A = arith.constant 0 : index
      %get3A_7 = arith.constant 0 : index
      %get3A_8 = vector.load %arg13[%get3A, %get3A_7] : memref<8x128xf32, #tpu.memory_space<vmem>>, vector<1x128xf32>
      %mul3A = arith.constant 9.99999974E-5 : f32
      %mul3A_9 = vector.broadcast %mul3A : f32 to vector<1x128xf32>
      %mul3A_10 = arith.mulf %get3A_8, %mul3A_9 : vector<1x128xf32>
      %get3A_11 = arith.constant 1 : index
      %get3A_12 = arith.constant 0 : index
      %get3A_13 = vector.load %arg13[%get3A_11, %get3A_12] : memref<8x128xf32, #tpu.memory_space<vmem>>, vector<1x128xf32>
      %mul3A_14 = arith.constant 9.99999974E-5 : f32
      %mul3A_15 = vector.broadcast %mul3A_14 : f32 to vector<1x128xf32>
      %mul3A_16 = arith.mulf %get3A_13, %mul3A_15 : vector<1x128xf32>
      %mul3A_17 = arith.mulf %mul3A_10, %mul3A_10 : vector<1x128xf32>
      %sub3A = arith.subf %mul3A_16, %mul3A_17 : vector<1x128xf32>
      %add3A = arith.constant 9.99999974E-6 : f32
      %add3A_18 = vector.broadcast %add3A : f32 to vector<1x128xf32>
      %add3A_19 = arith.addf %sub3A, %add3A_18 : vector<1x128xf32>
      %rsqrt3A = math.rsqrt %add3A_19 : vector<1x128xf32>
      %get3A_20 = arith.constant 0 : index
      %get3A_21 = arith.constant 0 : index
      %get3A_22 = vector.load %arg9[%get3A_20, %get3A_21] : memref<1x128xf32, #tpu.memory_space<vmem>>, vector<1x128xf32>
      %mul3A_23 = arith.mulf %rsqrt3A, %get3A_22 : vector<1x128xf32>
      %mul3A_24 = arith.constant 2000 : i32
      %mul3A_25 = arith.muli %arg1, %mul3A_24 : i32
      %get3A_26 = arith.index_cast %mul3A_25 : i32 to index
      %get3A_27 = arith.constant 0 : index
      %get3A_28 = vector.load %arg12[%get3A_26, %get3A_27] : memref<10000x128xf32, #tpu.memory_space<vmem>>, vector<2000x128xf32>
      %sub3A_29 = vector.broadcast %mul3A_10 : vector<1x128xf32> to vector<2000x128xf32>
      %sub3A_30 = arith.subf %get3A_28, %sub3A_29 : vector<2000x128xf32>
      %mul3A_31 = vector.broadcast %mul3A_23 : vector<1x128xf32> to vector<2000x128xf32>
      %mul3A_32 = arith.mulf %sub3A_30, %mul3A_31 : vector<2000x128xf32>
      %get3A_33 = arith.constant 0 : index
      %get3A_34 = arith.constant 0 : index
      %get3A_35 = vector.load %arg10[%get3A_33, %get3A_34] : memref<1x128xf32, #tpu.memory_space<vmem>>, vector<1x128xf32>
      %add3A_36 = vector.broadcast %get3A_35 : vector<1x128xf32> to vector<2000x128xf32>
      %add3A_37 = arith.addf %mul3A_32, %add3A_36 : vector<2000x128xf32>
      %max3A = arith.constant 0.000000e+00 : f32
      %max3A_38 = vector.broadcast %max3A : f32 to vector<2000x128xf32>
      %max3A_39 = arith.maximumf %add3A_37, %max3A_38 : vector<2000x128xf32>
      %swap3A = arith.constant 0 : index
      %swap3A_40 = arith.constant 0 : index
      %swap3A_41 = vector.load %arg11[%swap3A, %swap3A_40] : memref<2000x128xf32, #tpu.memory_space<vmem>>, vector<2000x128xf32>
      tpu.vector_store %arg11[%swap3A, %swap3A_40], %max3A_39 {strides = array<i32>} : memref<2000x128xf32, #tpu.memory_space<vmem>>, vector<2000x128xf32>,
    } else {
    }
    return
  }
  func.func @transform_0(%arg0: i32, %arg1: i32) -> (i32, i32, i32) {
    %eq3A = arith.constant 0 : i32
    %eq3A_0 = arith.cmpi eq, %arg0, %eq3A : i32
    %jit3A = arith.constant 4 : i32
    %select_n3A = arith.select %eq3A_0, %arg1, %jit3A : i32
    %c0_i32 = arith.constant 0 : i32
    %c0_i32_1 = arith.constant 0 : i32
    %c0_i32_2 = arith.constant 0 : i32
    return %c0_i32, %select_n3A, %c0_i32_1 : i32, i32, i32
  }
  func.func @transform_1(%arg0: i32, %arg1: i32) -> (i32, i32) {
    %eq3A = arith.constant 0 : i32
    %eq3A_0 = arith.cmpi eq, %arg0, %eq3A : i32
    %jit3A = arith.constant 4 : i32
    %select_n3A = arith.select %eq3A_0, %arg1, %jit3A : i32
    %c0_i32 = arith.constant 0 : i32
    %c0_i32_1 = arith.constant 0 : i32
    return %select_n3A, %c0_i32 : i32, i32
  }
  func.func @transform_2(%arg0: i32, %arg1: i32) -> (i32, i32) {
    %c0_i32 = arith.constant 0 : i32
    %c0_i32_0 = arith.constant 0 : i32
    %c0_i32_1 = arith.constant 0 : i32
    return %c0_i32, %c0_i32_0 : i32, i32
  }
  func.func @transform_3(%arg0: i32, %arg1: i32) -> (i32, i32) {
    %c0_i32 = arith.constant 0 : i32
    %c0_i32_0 = arith.constant 0 : i32
    %c0_i32_1 = arith.constant 0 : i32
    return %c0_i32, %c0_i32_0 : i32, i32
  }
  func.func @transform_4(%arg0: i32, %arg1: i32) -> (i32, i32) {
    %c0_i32 = arith.constant 0 : i32
    %c0_i32_0 = arith.constant 0 : i32
    %c0_i32_1 = arith.constant 0 : i32
    return %c0_i32, %c0_i32_0 : i32, i32
  }
  func.func @transform_5(%arg0: i32, %arg1: i32) -> (i32, i32) {
    %c0_i32 = arith.constant 0 : i32
    %c0_i32_0 = arith.constant 0 : i32
    %c0_i32_1 = arith.constant 0 : i32
    return %c0_i32, %c0_i32_0 : i32, i32
  }
  func.func @transform_6(%arg0: i32, %arg1: i32) -> (i32, i32) {
    %c0_i32 = arith.constant 0 : i32
    %c0_i32_0 = arith.constant 0 : i32
    %c0_i32_1 = arith.constant 0 : i32
    return %c0_i32, %c0_i32_0 : i32, i32
  }
  func.func @transform_7(%arg0: i32, %arg1: i32) -> (i32, i32) {
    %c0_i32 = arith.constant 0 : i32
    %c0_i32_0 = arith.constant 0 : i32
    %c0_i32_1 = arith.constant 0 : i32
    return %c0_i32, %c0_i32_0 : i32, i32
  }
  func.func @transform_8(%arg0: i32, %arg1: i32) -> (i32, i32) {
    %c0_i32 = arith.constant 0 : i32
    %c0_i32_0 = arith.constant 0 : i32
    %c0_i32_1 = arith.constant 0 : i32
    return %c0_i32, %c0_i32_0 : i32, i32
  }
  func.func @transform_9(%arg0: i32, %arg1: i32) -> (i32, i32) {
    %c0_i32 = arith.constant 0 : i32
    %c0_i32_0 = arith.constant 0 : i32
    return %arg1, %c0_i32 : i32, i32
  }
}

module attributes {stable_mosaic.version = 14 : i64} {
  func.func @_pool_body(%arg0: i32, %arg1: memref<2000x128xf32, #tpu.memory_space<vmem>>, %arg2: memref<1x1x2000xi32, #tpu.memory_space<vmem>>, %arg3: memref<256x128xf32, #tpu.memory_space<vmem>>, %arg4: memref<256x128xf32, #tpu.memory_space<vmem>>, %arg5: memref<256x128xf32, #tpu.memory_space<vmem>>) attributes {dimension_semantics = [#tpu.dimension_semantics<arbitrary>], iteration_bounds = array<i64: 5>, scalar_prefetch = 0 : i64, scratch_operands = 2 : i64, tpu.core_type = #tpu.core_type<tc>, window_params = [{transform_indices = @transform_0, window_bounds = array<i64: 2000, 128>}, {transform_indices = @transform_1, window_bounds = array<i64: 1, 1, 2000>}, {pipeline_mode = #tpu.pipeline_mode<synchronous>, transform_indices = @transform_2, window_bounds = array<i64: 256, 128>}]} {
    %eq3A = arith.constant 0 : i32
    %eq3A_0 = arith.cmpi eq, %arg0, %eq3A : i32
    %convert_element_type3A = arith.extui %eq3A_0 : i1 to i32
    %cond3A = arith.constant 0 : i32
    %cond3A_1 = arith.cmpi ne, %convert_element_type3A, %cond3A : i32
    scf.if %cond3A_1 {
      %broadcast_in_dim3A_35 = arith.constant 0.000000e+00 : f32
      %broadcast_in_dim3A_36 = vector.broadcast %broadcast_in_dim3A_35 : f32 to vector<256x128xf32>
      %swap3A_37 = arith.constant 0 : index
      %swap3A_38 = arith.constant 0 : index
      %swap3A_39 = vector.load %arg4[%swap3A_37, %swap3A_38] : memref<256x128xf32, #tpu.memory_space<vmem>>, vector<256x128xf32>
      tpu.vector_store %arg4[%swap3A_37, %swap3A_38], %broadcast_in_dim3A_36 {strides = array<i32>} : memref<256x128xf32, #tpu.memory_space<vmem>>, vector<256x128xf32>,
      %broadcast_in_dim3A_40 = arith.constant 0.000000e+00 : f32
      %broadcast_in_dim3A_41 = vector.broadcast %broadcast_in_dim3A_40 : f32 to vector<256x128xf32>
      %swap3A_42 = arith.constant 0 : index
      %swap3A_43 = arith.constant 0 : index
      %swap3A_44 = vector.load %arg5[%swap3A_42, %swap3A_43] : memref<256x128xf32, #tpu.memory_space<vmem>>, vector<256x128xf32>
      tpu.vector_store %arg5[%swap3A_42, %swap3A_43], %broadcast_in_dim3A_41 {strides = array<i32>} : memref<256x128xf32, #tpu.memory_space<vmem>>, vector<256x128xf32>,
      %broadcast_in_dim3A_45 = arith.constant 0.000000e+00 : f32
      %broadcast_in_dim3A_46 = vector.broadcast %broadcast_in_dim3A_45 : f32 to vector<256x128xf32>
      %swap3A_47 = arith.constant 0 : index
      %swap3A_48 = arith.constant 0 : index
      %swap3A_49 = vector.load %arg3[%swap3A_47, %swap3A_48] : memref<256x128xf32, #tpu.memory_space<vmem>>, vector<256x128xf32>
      tpu.vector_store %arg3[%swap3A_47, %swap3A_48], %broadcast_in_dim3A_46 {strides = array<i32>} : memref<256x128xf32, #tpu.memory_space<vmem>>, vector<256x128xf32>,
    } else {
    }
    %get3A = arith.constant 0 : index
    %get3A_2 = arith.constant 0 : index
    %get3A_3 = arith.constant 0 : index
    %get3A_4 = vector.load %arg2[%get3A, %get3A_2, %get3A_3] : memref<1x1x2000xi32, #tpu.memory_space<vmem>>, vector<1x1x2000xi32>
    %get3A_5 = vector.shape_cast %get3A_4 : vector<1x1x2000xi32> to vector<2000xi32>
    %broadcast_in_dim3A = vector.shape_cast %get3A_5 : vector<2000xi32> to vector<2000x1xi32>
    %iota3A = tpu.iota {dimensions = array<i32: 1>} : vector<2000x256xi32>
    %eq3A_6 = vector.broadcast %broadcast_in_dim3A : vector<2000x1xi32> to vector<2000x256xi32>
    %eq3A_7 = arith.cmpi eq, %eq3A_6, %iota3A : vector<2000x256xi32>
    %convert_element_type3A_8 = arith.extui %eq3A_7 : vector<2000x256xi1> to vector<2000x256xi32>
    %convert_element_type3A_9 = arith.sitofp %convert_element_type3A_8 : vector<2000x256xi32> to vector<2000x256xf32>
    %get3A_10 = arith.constant 0 : index
    %get3A_11 = arith.constant 0 : index
    %get3A_12 = vector.load %arg1[%get3A_10, %get3A_11] : memref<2000x128xf32, #tpu.memory_space<vmem>>, vector<2000x128xf32>
    %get3A_13 = arith.constant 0 : index
    %get3A_14 = arith.constant 0 : index
    %get3A_15 = vector.load %arg4[%get3A_13, %get3A_14] : memref<256x128xf32, #tpu.memory_space<vmem>>, vector<256x128xf32>
    %dot_general3A = arith.constant dense<0.000000e+00> : vector<256x128xf32>
    %dot_general3A_16 = tpu.matmul %convert_element_type3A_9, %get3A_12, %dot_general3A {dimension_numbers = #tpu.dot_dimension_numbers<[0], [0], [1], [1], [0, 1, 1, 1], [], []>, transpose_lhs_hint = false} : vector<2000x256xf32>, vector<2000x128xf32>, vector<256x128xf32> -> vector<256x128xf32>
    %add3A = arith.addf %get3A_15, %dot_general3A_16 : vector<256x128xf32>
    %swap3A = arith.constant 0 : index
    %swap3A_17 = arith.constant 0 : index
    %swap3A_18 = vector.load %arg4[%swap3A, %swap3A_17] : memref<256x128xf32, #tpu.memory_space<vmem>>, vector<256x128xf32>
    tpu.vector_store %arg4[%swap3A, %swap3A_17], %add3A {strides = array<i32>} : memref<256x128xf32, #tpu.memory_space<vmem>>, vector<256x128xf32>,
    %get3A_19 = arith.constant 0 : index
    %get3A_20 = arith.constant 0 : index
    %get3A_21 = vector.load %arg5[%get3A_19, %get3A_20] : memref<256x128xf32, #tpu.memory_space<vmem>>, vector<256x128xf32>
    %broadcast_in_dim3A_22 = arith.constant 1.000000e+00 : f32
    %broadcast_in_dim3A_23 = vector.broadcast %broadcast_in_dim3A_22 : f32 to vector<2000x128xf32>
    %dot_general3A_24 = arith.constant dense<0.000000e+00> : vector<256x128xf32>
    %dot_general3A_25 = tpu.matmul %convert_element_type3A_9, %broadcast_in_dim3A_23, %dot_general3A_24 {dimension_numbers = #tpu.dot_dimension_numbers<[0], [0], [1], [1], [0, 1, 1, 1], [], []>, transpose_lhs_hint = false} : vector<2000x256xf32>, vector<2000x128xf32>, vector<256x128xf32> -> vector<256x128xf32>
    %add3A_26 = arith.addf %get3A_21, %dot_general3A_25 : vector<256x128xf32>
    %swap3A_27 = arith.constant 0 : index
    %swap3A_28 = arith.constant 0 : index
    %swap3A_29 = vector.load %arg5[%swap3A_27, %swap3A_28] : memref<256x128xf32, #tpu.memory_space<vmem>>, vector<256x128xf32>
    tpu.vector_store %arg5[%swap3A_27, %swap3A_28], %add3A_26 {strides = array<i32>} : memref<256x128xf32, #tpu.memory_space<vmem>>, vector<256x128xf32>,
    %eq3A_30 = arith.constant 4 : i32
    %eq3A_31 = arith.cmpi eq, %arg0, %eq3A_30 : i32
    %convert_element_type3A_32 = arith.extui %eq3A_31 : i1 to i32
    %cond3A_33 = arith.constant 0 : i32
    %cond3A_34 = arith.cmpi ne, %convert_element_type3A_32, %cond3A_33 : i32
    scf.if %cond3A_34 {
      %get3A_35 = arith.constant 0 : index
      %get3A_36 = arith.constant 0 : index
      %get3A_37 = vector.load %arg4[%get3A_35, %get3A_36] : memref<256x128xf32, #tpu.memory_space<vmem>>, vector<256x128xf32>
      %get3A_38 = arith.constant 0 : index
      %get3A_39 = arith.constant 0 : index
      %get3A_40 = vector.load %arg5[%get3A_38, %get3A_39] : memref<256x128xf32, #tpu.memory_space<vmem>>, vector<256x128xf32>
      %max3A = arith.constant 1.000000e+00 : f32
      %max3A_41 = vector.broadcast %max3A : f32 to vector<256x128xf32>
      %max3A_42 = arith.maximumf %get3A_40, %max3A_41 : vector<256x128xf32>
      %div3A = arith.divf %get3A_37, %max3A_42 : vector<256x128xf32>
      %swap3A_43 = arith.constant 0 : index
      %swap3A_44 = arith.constant 0 : index
      %swap3A_45 = vector.load %arg3[%swap3A_43, %swap3A_44] : memref<256x128xf32, #tpu.memory_space<vmem>>, vector<256x128xf32>
      tpu.vector_store %arg3[%swap3A_43, %swap3A_44], %div3A {strides = array<i32>} : memref<256x128xf32, #tpu.memory_space<vmem>>, vector<256x128xf32>,
    } else {
    }
    return
  }
  func.func @transform_0(%arg0: i32) -> (i32, i32) {
    %c0_i32 = arith.constant 0 : i32
    %c0_i32_0 = arith.constant 0 : i32
    return %arg0, %c0_i32 : i32, i32
  }
  func.func @transform_1(%arg0: i32) -> (i32, i32, i32) {
    %c0_i32 = arith.constant 0 : i32
    %c0_i32_0 = arith.constant 0 : i32
    %c0_i32_1 = arith.constant 0 : i32
    return %arg0, %c0_i32, %c0_i32_0 : i32, i32, i32
  }
  func.func @transform_2(%arg0: i32) -> (i32, i32) {
    %c0_i32 = arith.constant 0 : i32
    %c0_i32_0 = arith.constant 0 : i32
    %c0_i32_1 = arith.constant 0 : i32
    return %c0_i32, %c0_i32_0 : i32, i32
  }
}

</mosaic_0001>

<sc_bundles>
// kernel: kernel.10.cloned.1.call-start
scs
__scs_entry_jumppad:
0x0: {  	(pc) =	sbr.rel $0x88, $3  }
0x1: {  	(tag) =	ssettag $0x0;
	lr =	simm.s32 $0x1  }
0x2: {  	[smem:$0x3F95] =	sst lr;
	_ =	strace $0xD0000000  }
0x3: {  	_ = 	snop  }
0x4: {  	_ = 	snop  }
0x5: {  	_ = 	snop  }
0x6: {  	_ = 	snop  }
0x7: {  	_ = 	snop  }
__scs_overlays_trampoline_lowered:
0x8: {  	[smem:$0x3FA4] =	sst s0  }
0x9: {  	[smem:$0x3FA5] =	sst s1  }
0xa: {  	[smem:$0x3FA6] =	sst s2  }
0xb: {  	[smem:$0x3FA7] =	sst s3  }
0xc: {  	[smem:$0x3FA8] =	sst s4  }
0xd: {  	[smem:$0x3FA9] =	sst s5  }
0xe: {  	[smem:$0x3FAA] =	sst s6  }
0xf: {  	[smem:$0x3FAB] =	sst s7  }
0x10: {  	[smem:$0x3FAC] =	sst s8  }
0x11: {  	[smem:$0x3FAD] =	sst s9;
	s0 =	simm.s32 @!p0 $0x0  }
0x12: {  	s1 =	sld [smem:$0x3F93];
	s0 =	simm.s32 @p0 $0x1  }
0x13: {  	[smem:$0x3FAE] =	sst s0;
	s0 =	simm.s32 @!p1 $0x0  }
0x14: {  	s2 =	sld [smem:$0x3F92];
	s0 =	simm.s32 @p1 $0x1  }
0x15: {  	[smem:$0x3FAF] =	sst s0;
	s0 =	simm.s32 @!p2 $0x0  }
0x16: {  	s3 =	sld [smem:$0x3FDB];
	s0 =	simm.s32 @p2 $0x1  }
0x17: {  	s4 =	simm.s32 $0x1BF5;
	[smem:$0x3FB1] =	sst s0  }
0x18: {  	s0 =	sld [smem:$0x3F94];
	_ =	swait.ge [sflag:s4], $0x0  }
0x19: {  	s7 =	sld [smem:$0x3F95]  }
0x1a: {  	s8 =	sadd.s32 $0xFFFFE003, lr  }
0x1b: {  	s9 =	sadd.s32 $0xFFFFFEF7, lr;
	s5 =	simm.s32 $0xFFFFFFFF;
	p2 =	slt.u32 s8, $0xFFFFF086  }
0x1c: {  	p1 =	slt.u32 s9, $0xF7A;
	s5 =	simm.s32 @!p2 $0x0  }
0x1d: {  	s5 =	simm.s32 @p1 $0x1;
	p0 =	seq.s32 s7, s2  }
0x1e: {  	s7 =	smul.u32 @!p0 $0xF7A, s2;
	p2 =	seq.s32 @!p0 s5, $0x0  }
0x1f: {  	s9 =	smul.u32 $0xF7A, s1;
	s8 =	simm.s32 @!p0 $0x1BF5;
	p2 =	por !p2, p0  }
0x20: {  	[sflag:s8] =	ssyncset.s32 @!p0 $0xFFFFF086;
	s6 =	sadd.s32 @!p0 s3, s7;
	s7 =	simm.s32 @!p0 $0x108  }
0x21: {  	s3 =	sadd.s32 s3, s9;
	s6 =	sadd.s32 @!p0 $0x88, s6;
	s7 =	simm.s32 @p2 $0x1082  }
0x22: {  	[simem:s7], [sflag:s8] =	dma.local @!p0 [hbm:s6], $0xF7A  }
0x23: {  	s9 =	sor.u32 $0xD0000000, s2;
	s6 =	simm.s32 $0x108;
	_ =	swait.ge @!p0 [sflag:s8], $0x0  }
0x24: {  	s3 =	sadd.s32 $0x88, s3;
	s6 =	simm.s32 @!p1 $0x1082;
	[sflag:s4] =	ssyncset.s32 $0xFFFFF086  }
0x25: {  	[simem:s6], [sflag:s4] =	dma.local [hbm:s3], $0xF7A  }
0x26: {  	[smem:$0x3F95] =	sst s1;
	(tag) =	ssettag s2;
	_ =	strace s9  }
0x27: {  	s1 =	sld [smem:$0x3FA5]  }
0x28: {  	s2 =	sld [smem:$0x3FA6]  }
0x29: {  	s4 =	sld [smem:$0x3FA8]  }
0x2a: {  	p0 =	seq.s32 s5, $0x0;
	s5 =	sld [smem:$0x3FA9]  }
0x2b: {  	s6 =	sld [smem:$0x3FAA]  }
0x2c: {  	s7 =	sld [smem:$0x3FAB]  }
0x2d: {  	s3 =	simm.s32 $0x108;
	s8 =	sld [smem:$0x3FAC]  }
0x2e: {  	s3 =	simm.s32 @!p0 $0x1082;
	s9 =	sld [smem:$0x3FAD]  }
0x2f: {  	lr =	sadd.s32 s0, s3;
	s0 =	sld [smem:$0x3FA4]  }
0x30: {  	s3 =	sld [smem:$0x3FA7]  }
0x31: {  	[smem:$0x3FB0] =	sst s10  }
0x32: {  	s10 =	sld [smem:$0x3FAE];
	_ =	sdelay $0x3  }
0x33: {  	p0 =	seq.s32 s10, $0x1;
	s10 =	sld [smem:$0x3FB0];
	_ =	sdelay $0x3  }
0x34: {  	[smem:$0x3FB0] =	sst s10  }
0x35: {  	s10 =	sld [smem:$0x3FAF];
	_ =	sdelay $0x3  }
0x36: {  	p1 =	seq.s32 s10, $0x1;
	s10 =	sld [smem:$0x3FB0];
	_ =	sdelay $0x3  }
0x37: {  	[smem:$0x3FB0] =	sst s10  }
0x38: {  	s10 =	sld [smem:$0x3FB1]  }
0x39: {  	_ = 	snop;
	(pc) =	sbr.ind lr, $3  }
0x3a: {  	_ = 	snop  }
0x3b: {  	_ = 	snop  }
0x3c: {  	p2 =	seq.s32 s10, $0x1;
	s10 =	sld [smem:$0x3FB0]  }
0x3d: {  	_ =	shalt  }
0x3e: {  	_ =	shalt  }
0x3f: {  	_ =	shalt  }
0x40: {  	_ =	shalt  }
0x41: {  	_ =	shalt  }
0x42: {  	_ =	shalt  }
0x43: {  	_ =	shalt  }
0x44: {  	_ =	shalt  }
0x45: {  	_ =	shalt  }
0x46: {  	_ =	shalt  }
0x47: {  	_ =	shalt  }
0x48: {  	_ =	shalt  }
0x49: {  	_ =	shalt  }
0x4a: {  	_ =	shalt  }
0x4b: {  	_ =	shalt  }
0x4c: {  	_ =	shalt  }
0x4d: {  	_ =	shalt  }
0x4e: {  	_ =	shalt  }
0x4f: {  	_ =	shalt  }
0x50: {  	_ =	shalt  }
0x51: {  	_ =	shalt  }
0x52: {  	_ =	shalt  }
0x53: {  	_ =	shalt  }
0x54: {  	_ =	shalt  }
0x55: {  	_ =	shalt  }
0x56: {  	_ =	shalt  }
0x57: {  	_ =	shalt  }
0x58: {  	_ =	shalt  }
0x59: {  	_ =	shalt  }
0x5a: {  	_ =	shalt  }
0x5b: {  	_ =	shalt  }
0x5c: {  	_ =	shalt  }
0x5d: {  	_ =	shalt  }
0x5e: {  	_ =	shalt  }
0x5f: {  	_ =	shalt  }
0x60: {  	_ =	shalt  }
0x61: {  	_ =	shalt  }
0x62: {  	_ =	shalt  }
0x63: {  	_ =	shalt  }
0x64: {  	_ =	shalt  }
0x65: {  	_ =	shalt  }
0x66: {  	_ =	shalt  }
0x67: {  	_ =	shalt  }
0x68: {  	_ =	shalt  }
0x69: {  	_ =	shalt  }
0x6a: {  	_ =	shalt  }
0x6b: {  	_ =	shalt  }
0x6c: {  	_ =	shalt  }
0x6d: {  	_ =	shalt  }
0x6e: {  	_ =	shalt  }
0x6f: {  	_ =	shalt  }
0x70: {  	_ =	shalt  }
0x71: {  	_ =	shalt  }
0x72: {  	_ =	shalt  }
0x73: {  	_ =	shalt  }
0x74: {  	_ =	shalt  }
0x75: {  	_ =	shalt  }
0x76: {  	_ =	shalt  }
0x77: {  	_ =	shalt  }
0x78: {  	_ =	shalt  }
0x79: {  	_ =	shalt  }
0x7a: {  	_ =	shalt  }
0x7b: {  	_ =	shalt  }
0x7c: {  	_ =	shalt  }
0x7d: {  	_ =	shalt  }
0x7e: {  	_ =	shalt  }
0x7f: {  	_ =	shalt  }
0x80: {  	_ =	shalt  }
0x81: {  	_ =	shalt  }
0x82: {  	_ =	shalt  }
0x83: {  	_ =	shalt  }
0x84: {  	_ =	shalt  }
0x85: {  	_ =	shalt  }
0x86: {  	_ =	shalt  }
0x87: {  	_ =	shalt  }
.Lfunc_end0:
.L_simem_size_0:
called_computation_lowered:
.L_overlay_start_0:
0x88: {  	s2 =	sld [smem:$0x3FD9]  }
0x89: {  	s3 =	sld [smem:$0x3FFE];
	_ =	sdelay $0x1  }
0x8a: {  	s1 =	srdreg.scid  }
0x8b: {  	s0 =	sand.u32 $0x1, s1  }
0x8c: {  	s16 =	sshll.u32 s0, $0xA;
	s2 =	sadd.s32 s3, s2  }
0x8d: {  	s2 =	sadd.s32 s2, s16  }
0x8e: {  	[smem:$0x3FBC] =	sst s2  }
0x8f: {  	_ = 	snop  }
0x90: {  	(tm) =	ssettm $0x1  }
0x91: {  	s17 =	sld [smem:$0x3FFB];
	_ =	sdelay $0x3  }
0x92: {  	_ =	strace s17  }
0x93: {  	s2 =	sld [smem:$0x3FFC];
	_ =	sdelay $0x3  }
0x94: {  	_ =	strace s2  }
0x95: {  	s2 =	sld [smem:$0x3FFD];
	_ =	sdelay $0x3  }
0x96: {  	_ =	strace s2  }
0x97: {  	_ =	strace $0x8FFFFFFF  }
0x98: {  	s18 =	sld [smem:$0x3FDB];
	_ =	sdelay $0x1  }
0x99: {  	s19 =	simm.s32 $_scs_section_size  }
0x9a: {  	s4 =	simm.s32 $_size__tile_overlayer_lowered;
	s5 =	simm.s32 $_tile_overlayer_lowered  }
0x9b: {  	s22 =	simm.s32 $0x1BFF;
	s21 =	sshll.u32 s5, $0x1;
	s2 =	sadd.s32 s19, s18  }
0x9c: {  	s6 =	simm.s32 $0x0;
	s20 =	sshll.u32 s4, $0x1;
	s4 =	sadd.s32 s21, s2  }
0x9d: {  	[timem:s6], [sflag:s22] =	dma.local [hbm:s4], s20  }
0x9e: {  	_ =	swait.ge [sflag:s22], s20  }
0x9f: {  	s3 =	ssub.s32 $0x0, s20;
	[sflag:s22] =	ssyncset.done $0x0  }
0xa0: {  	[sflag:s22] =	ssyncadd.s32 s3;
	_ =	sdelay $0x1  }
0xa1: {  	s23 =	simm.s32 $0x1B8B  }
0xa2: {  	_ =	swait.ge [sflag:s23], $0x1  }
0xa3: {  	[sflag:s23] =	ssyncset.done $0x0  }
0xa4: {  	s25 =	simm.s32 $0x1B8E;
	s24 =	sld [smem:$0x3FFE];
	[sflag:s23] =	ssyncadd.s32 $0xFFFFFFFF  }
0xa5: {  	s26 =	simm.s32 $execute0_lowered;
	[smem:$0x3FD2] =	sst s25  }
0xa6: {  	s4 =	sshll.u32 s26, $0x1;
	_ =	strace $0x80000046;
	[dreg:$0x1] =	wrdreg $0xFFFFFFFF  }
0xa7: {  	s28 =	simm.s32 $_size_execute0_lowered;
	s2 =	sadd.s32 s2, s4;
	[dreg:$0x0] =	wrdreg $0x0  }
0xa8: {  	s4 =	sshll.u32 s28, $0x1;
	[dreg:$0x2] =	wrdreg s2  }
0xa9: {  	[dreg:$0x3] =	wrdreg s4  }
0xaa: {  	[dreg:$0x4] =	wrdreg $0xC0  }
0xab: {  	_ =	task [dreg:s6], $0x5FFFF  }
0xac: {  	[dreg:$0x1] =	wrdreg $0xFFFFFFFF  }
0xad: {  	[dreg:$0x0] =	wrdreg $0x60  }
0xae: {  	[dreg:$0x2] =	wrdreg s24  }
0xaf: {  	[dreg:$0x3] =	wrdreg $0xC3000  }
0xb0: {  	[dreg:$0x4] =	wrdreg $0x9  }
0xb1: {  	_ =	task.clear_ibuf [dreg:s6], $0x5FFFF;
	_ =	strace $0x90000046  }
0xb2: {  	s29 =	simm.s32 $0x9;
	_ =	strace $0x80000048  }
0xb3: {  	_ =	swait.ge [sflag:s29], $0x1  }
0xb4: {  	[sflag:s29] =	ssyncadd.s32 $0xFFFFFFFF  }
0xb5: {  	_ =	strace $0x90000048  }
0xb6: {  	_ =	sfence  }
0xb7: {  	s30 =	sld [smem:$0x0];
	_ =	sdelay $0x2  }
0xb8: {  	s31 =	sshll.u32 s1, $0xD;
	s1 =	sshrl.u32 s1, $0x2  }
0xb9: {  	s3 =	sand.u32 $0x4000, s31;
	s1 =	sadd.s32 s1, s30  }
0xba: {  	s0 =	sor.u32 s3, s0;
	s1 =	sshll.u32 s1, $0x11  }
0xbb: {  	s0 =	sor.u32 s1, s0  }
0xbc: {  	s0 =	sadd.s32 $0x8F2B, s0  }
0xbd: {  	[sflag:s0] =	ssyncadd.remote.s32 $0x1  }
0xbe: {  	_ =	sfence.sel $0xFFFF  }
0xbf: {  	[dreg:$0x0] =	wrdreg $0xFFFFFFFF;
	(pc) =	sbr.abs _section_cstart, $3  }
0xc0: {  	[dreg:$0x1] =	wrdreg $0xFFFFFFFF  }
0xc1: {  	_ =	task.clear_ibuf [dreg:s6], $0x2FFFF;
	_ =	strace $0x9FFFFFFF  }
0xc2: {  	(tm) =	ssettm $0x7FFFFFFF  }
0xc3: {  	_ =	shalt  }
tec
execute0_lowered:
.L_overlay_start_1:
0x0: {  	(tag) =	ssettag $0x1  }
0x1: {  	s2 =	rddreg [dreg:$0x0]  }
0x2: {  	s1 =	rddreg [dreg:$0x1];
	s0 =	simm.s32 $0x0  }
0x3: {  	s3 =	srdreg.scid;
	s13 =	stileid.u32;
	s28 =	simm.s32 $0x280  }
0x4: {  	s29 =	simm.s32 $0x1;
	s30 =	simm.s32 $0x2;
	s31 =	simm.s32 $0x4300  }
0x5: {  	[smem:$0x7FF] =	sst s0;
	s4 =	sadd.s32 $0x17000, s2;
	s6 =	smul.u32 $0x4F000, s13  }
0x6: {  	s0 =	sadd.s32 $0xD200, s2;
	s7 =	sadd.s32 $0x3400, s2;
	s23 =	smul.u32 $0x13C00, s13  }
0x7: {  	s3 =	sand.u32 $0x1, s3;
	s2 =	sadd.s32 $0x3E200, s2;
	s26 =	smul.u32 $0x2800, s13  }
0x8: {  	_ =	strace $0x80000047;
	s5 =	ssub.s32 $0x2, s3;
	s22 =	smul.u32 $0x138800, s3  }
0x9: {  	s8 =	sshll.u32 s3, $0x4;
	s3 =	smul.u32 $0x28000, s3;
	s9 =	sshrl.u32 s5, $0x1  }
0xa: {  	s8 =	sor.u32 s13, s8;
	s17 =	sshrl.u32 s6, $0x2;
	s6 =	simm.s32 $0x14  }
0xb: {  	s9 =	ssub.s32 s5, s9;
	s10 =	smul.u32 $0x2800, s8;
	s5 =	sadd.s32 s17, s1  }
0xc: {  	p0 =	seq.s32 s8, $0x1F;
	s24 =	sadd.s32 s23, s22;
	s25 =	sshrl.u32 s22, $0x3  }
0xd: {  	s18 =	sadd.s32 $0x10000, s5;
	s6 =	simm.s32 @!p0 $0x50;
	s23 =	smax.u32 s9, $0x1  }
0xe: {  	p0 =	seq.s32 s13, $0xF;
	[dreg:$0xc] =	wrdreg s18;
	s19 =	sshrl.u32 s10, $0x3  }
0xf: {  	s9 =	simm.s32 $0x0;
	[dreg:$0x15] =	wrdreg s23;
	s10 =	sadd.s32 s0, s19  }
0x10: {  	s20 =	sor.u32 $0x10, s19;
	s12 =	sadd.s32 s7, s19;
	[dreg:$0xd] =	wrdreg s10  }
0x11: {  	s11 =	smul.u32 $0x56, s6;
	[dreg:$0xe] =	wrdreg s12;
	s21 =	sadd.s32 s0, s20  }
0x12: {  	s8 =	sor.u32 $0x20, s19;
	s10 =	sadd.s32 s7, s20;
	[dreg:$0xf] =	wrdreg s21  }
0x13: {  	s23 =	simm.s32 $0x80;
	s14 =	sadd.s32 s0, s8;
	[dreg:$0x10] =	wrdreg s10  }
0x14: {  	s8 =	sadd.s32 s7, s8;
	s11 =	sshrl.u32 s11, $0x8;
	[dreg:$0x11] =	wrdreg s14  }
0x15: {  	s12 =	sadd.s32 s26, s3;
	s26 =	simm.s32 $0x8300;
	[dreg:$0x12] =	wrdreg s8  }
0x16: {  	s8 =	sshrl.u32 s24, $0x3;
	s10 =	sadd.s32 s2, s25;
	s14 =	sadd.s32 $0xFFFFFFFE, s6  }
0x17: {  	s15 =	smul.u32 $0x30, s11;
	s16 =	sor.u32 $0x280, s12;
	[dreg:$0xb] =	wrdreg s26  }
0x18: {  	s11 =	sadd.s32 $0x128400, s1;
	s25 =	sadd.s32 $0x4000, s5;
	[dreg:$0x3] =	wrdreg s14  }
0x19: {  	s19 =	sor.u32 $0x200, s12;
	s2 =	sadd.s32 s2, s8;
	[dreg:$0x16] =	wrdreg s25  }
0x1a: {  	s26 =	simm.s32 $0x8;
	s10 =	sadd.s32 $0x25080, s10;
	[dreg:$0x13] =	wrdreg s2  }
0x1b: {  	s17 =	sshrl.u32 s16, $0x3;
	s20 =	sshrl.u32 s19, $0x3;
	[dreg:$0x14] =	wrdreg s10  }
0x1c: {  	s19 =	sadd.s32 $0xC000, s5;
	[dreg:$0x4] =	wrdreg s15;
	s18 =	sadd.s32 s17, s7  }
0x1d: {  	s25 =	sshrl.u32 @p0 s11, $0x3;
	s3 =	sadd.s32 s17, s0;
	[dreg:$0x5] =	wrdreg s18  }
0x1e: {  	s8 =	simm.s32 $0x6;
	s21 =	sadd.s32 s20, s7;
	[dreg:$0x6] =	wrdreg s3  }
0x1f: {  	s2 =	sor.u32 $0x180, s12;
	s22 =	sadd.s32 s20, s0;
	[dreg:$0x7] =	wrdreg s21  }
0x20: {  	s20 =	simm.s32 $0x300;
	s2 =	sshrl.u32 s2, $0x3;
	[dreg:$0x8] =	wrdreg s22  }
0x21: {  	s18 =	sadd.s32 $0x8000, s5;
	s21 =	simm.s32 $0xA;
	s22 =	simm.s32 $0x180  }
0x22: {  	s3 =	simm.s32 $0x4;
	s24 =	sadd.s32 s2, s7;
	s0 =	sadd.s32 s2, s0  }
0x23: {  	s2 =	simm.s32 $0x5;
	s7 =	simm.s32 $0x9;
	[dreg:$0x9] =	wrdreg s24  }
0x24: {  	v0 =	vimm.f32 $0.0e+00;
	[dreg:$0xa] =	wrdreg s0;
	s24 =	simm.s32 $0x200;
	s0 =	simm.s32 $0x7  }
.LBB2_1:
0x25: {  	s11 =	simm.s32 $0x0  }
0x26: {  	s10 =	sand.u32 $0xFE00, s11  }
0x27: {  	s11 =	sand.u32 $0x70, s11;
	s12 =	sshrl.u32 s10, $0x2  }
0x28: {  	s10 =	simm.s32 $0x40;
	s12 =	sor.u32 s11, s12;
	s11 =	simm.s32 $0x0  }
.LBB2_2:
0x29: {  	p1 =	sne.s32 s10, $0xFFC0  }
0x2a: {  	[tilespmem:s12+$0x300] =	vst v0;
	s11 =	sadd.s32 $0x10, s11;
	s12 =	smov.u32 s10;
	s10 =	sadd.s32 $0x40, s10  }
.Ltmp0:
0x2b: {  	(pc) =	sbr.rel @p1 .LBB2_2-.Ltmp0, $4  }
0x2c: {  	_ = 	snop  }
0x2d: {  	s12 =	sand.u32 $0xFE00, s12  }
0x2e: {  	s13 =	sand.u32 $0x70, s11;
	s12 =	sshrl.u32 s12, $0x2  }
0x2f: {  	s12 =	sor.u32 s13, s12  }
0x30: {  	[tilespmem:s12+$0x300] =	vst v0  }
0x31: {  	[spmem:s5] =	stream.linear.scatter [tilespmem:s20], [sflag:$0xA], $0x4000, $0x38;
	[tilespmem:$0x1FF00] =	vst v63  }
0x32: {  	_ =	swait.ge [sflag:s21], $0x4000  }
0x33: {  	[sflag:s21] =	ssyncset.done $0x0  }
0x34: {  	s10 =	rddreg [dreg:$0x16];
	[sflag:s21] =	ssyncadd.s32 $0xFFFFC000  }
0x35: {  	[spmem:s10] =	stream.linear.scatter [tilespmem:s20], [sflag:$0xA], $0x4000, $0x38;
	[tilespmem:$0x1FF00] =	vst v63  }
0x36: {  	_ =	swait.ge [sflag:s21], $0x4000  }
0x37: {  	[sflag:s21] =	ssyncset.done $0x0  }
0x38: {  	[sflag:s21] =	ssyncadd.s32 $0xFFFFC000  }
0x39: {  	[spmem:s18] =	stream.linear.scatter [tilespmem:s20], [sflag:$0xA], $0x4000, $0x38;
	[tilespmem:$0x1FF00] =	vst v63  }
0x3a: {  	_ =	swait.ge [sflag:s21], $0x4000  }
0x3b: {  	[sflag:s21] =	ssyncset.done $0x0  }
0x3c: {  	[sflag:s21] =	ssyncadd.s32 $0xFFFFC000  }
0x3d: {  	[spmem:s19] =	stream.linear.scatter [tilespmem:s20], [sflag:$0xA], $0x4000, $0x38;
	[tilespmem:$0x1FF00] =	vst v63  }
0x3e: {  	_ =	swait.ge [sflag:s21], $0x4000  }
0x3f: {  	[sflag:s21] =	ssyncset.done $0x0  }
0x40: {  	s16 =	rddreg [dreg:$0xc];
	[sflag:s21] =	ssyncadd.s32 $0xFFFFC000  }
0x41: {  	[spmem:s16] =	stream.linear.scatter [tilespmem:s20], [sflag:$0xA], $0x3C00, $0x38;
	[tilespmem:$0x1FF00] =	vst v63  }
0x42: {  	_ =	swait.ge [sflag:s21], $0x3C00  }
0x43: {  	[sflag:s21] =	ssyncset.done $0x0  }
0x44: {  	[sflag:s21] =	ssyncadd.s32 $0xFFFFC400  }
0x45: {  	[bflag:$0x0] =	sbarrier.arrive $0xFFFF  }
0x46: {  	s11 =	simm.s32 $0x0;
	s17 =	rddreg [dreg:$0xd]  }
0x47: {  	[tilespmem:s11], [sflag:$0x1] =	stream.linear.gather [hbm4b:s17+s11], $0x80, $0x38;
	[tilespmem:$0x1FF00] =	vst v63  }
0x48: {  	s12 =	rddreg [dreg:$0xe]  }
0x49: {  	[tilespmem:s22], [sflag:$0x4] =	stream.linear.gather [hbm4b:s12+s11], $0x80, $0x38;
	[tilespmem:$0x1FF00] =	vst v63  }
0x4a: {  	s13 =	rddreg [dreg:$0xf]  }
0x4b: {  	[tilespmem:s23], [sflag:$0x2] =	stream.linear.gather [hbm4b:s13+s11], $0x80, $0x38;
	[tilespmem:$0x1FF00] =	vst v63  }
0x4c: {  	s14 =	rddreg [dreg:$0x10]  }
0x4d: {  	[tilespmem:s24], [sflag:$0x5] =	stream.linear.gather [hbm4b:s14+s11], $0x80, $0x38;
	[tilespmem:$0x1FF00] =	vst v63  }
0x4e: {  	s16 =	simm.s32 $0x100;
	s15 =	rddreg [dreg:$0x11]  }
0x4f: {  	[tilespmem:s16], [sflag:$0x3] =	stream.linear.gather [hbm4b:s15+s11], $0x80, $0x38;
	[tilespmem:$0x1FF00] =	vst v63  }
0x50: {  	s17 =	rddreg [dreg:$0x12]  }
0x51: {  	[tilespmem:s28], [sflag:$0x6] =	stream.linear.gather [hbm4b:s17+s11], $0x80, $0x38;
	[tilespmem:$0x1FF00] =	vst v63  }
0x52: {  	_ =	swait.ge [sflag:s29], $0x80  }
0x53: {  	[sflag:s29] =	ssyncset.done $0x0  }
0x54: {  	[sflag:s29] =	ssyncadd.s32 $0xFFFFFF80  }
0x55: {  	[tilespmem:s20], [sflag:$0x7] =	stream.indirect.gather [hbm4b:s4+s23], $0x80, s11, s23, $0xb8;
	[tilespmem:$0x1FF00] =	vst v63  }
0x56: {  	_ =	swait.ge [sflag:s30], $0x80  }
0x57: {  	[sflag:s30] =	ssyncset.done $0x0  }
0x58: {  	s10 =	simm.s32 $0x0;
	[sflag:s30] =	ssyncadd.s32 $0xFFFFFF80  }
0x59: {  	[tilespmem:s31], [sflag:$0x8] =	stream.indirect.gather [hbm4b:s4+s23], $0x80, s23, s23, $0xb8;
	[tilespmem:$0x1FF00] =	vst v63  }
.LBB2_4:
0x5a: {  	_ =	swait.ge [sflag:s0], $0x4000  }
0x5b: {  	[sflag:s0] =	ssyncset.done $0x0  }
0x5c: {  	[sflag:s0] =	ssyncadd.s32 $0xFFFFC000  }
0x5d: {  	_ =	swait.ge [sflag:s3], $0x80  }
0x5e: {  	[sflag:s3] =	ssyncset.done $0x0  }
0x5f: {  	[sflag:s3] =	ssyncadd.s32 $0xFFFFFF80  }
0x60: {  	[spmem:s1] =	stream.indirect.scatter.add.f32 [tilespmem:s20], [sflag:$0xA], $0x80, s22, s23, $0xb8;
	[tilespmem:$0x1FF00] =	vst v63  }
0x61: {  	_ =	swait.ge [sflag:s21], $0x4000  }
0x62: {  	s12 =	sadd.s32 $0x3, s11;
	s13 =	rddreg [dreg:$0xa]  }
0x63: {  	p1 =	sge.u32 s12, s6;
	s15 =	rddreg [dreg:$0x9]  }
0x64: {  	s14 =	simm.s32 @!p1 $0x0;
	[sflag:s21] =	ssyncset.done $0x0;
	s17 =	rddreg [dreg:$0x3]  }
0x65: {  	[sflag:s21] =	ssyncadd.s32 $0xFFFFC000;
	s13 =	sadd.s32 @!p1 s10, s13;
	p2 =	sge.u32 s11, s17  }
0x66: {  	[tilespmem:s14], [sflag:$0x1] =	stream.linear.gather @!p1 [hbm4b:s13+s14], $0x80, $0x38;
	[tilespmem:$0x1FF00] =	vst v63  }
0x67: {  	s16 =	simm.s32 @!p1 $0x180;
	s15 =	sadd.s32 @!p1 s10, s15;
	s13 =	simm.s32 @!p2 $0x3  }
0x68: {  	[tilespmem:s16], [sflag:$0x4] =	stream.linear.gather @!p1 [hbm4b:s15+s14], $0x80, $0x38;
	[tilespmem:$0x1FF00] =	vst v63  }
0x69: {  	_ =	swait.ge @!p2 [sflag:s13], $0x80  }
0x6a: {  	s15 =	simm.s32 @!p2 $0x100;
	[sflag:s13] =	ssyncset.done @!p2 $0x0  }
0x6b: {  	s16 =	simm.s32 @!p2 $0x8300;
	[sflag:s13] =	ssyncadd.s32 @!p2 $0xFFFFFF80;
	s13 =	simm.s32 @!p2 $0x80  }
0x6c: {  	[tilespmem:s16], [sflag:$0x9] =	stream.indirect.gather @!p2 [hbm4b:s4+s13], $0x80, s15, s13, $0xb8;
	[tilespmem:$0x1FF00] =	vst v63  }
0x6d: {  	_ =	swait.ge [sflag:s26], $0x4000  }
0x6e: {  	[sflag:s26] =	ssyncset.done $0x0  }
0x6f: {  	[sflag:s26] =	ssyncadd.s32 $0xFFFFC000  }
0x70: {  	_ =	swait.ge [sflag:s2], $0x80  }
0x71: {  	s17 =	sadd.s32 $0x4, s11;
	[sflag:s2] =	ssyncset.done $0x0  }
0x72: {  	p2 =	sge.u32 s17, s6;
	[sflag:s2] =	ssyncadd.s32 $0xFFFFFF80  }
0x73: {  	[spmem:s1] =	stream.indirect.scatter.add.f32 [tilespmem:s31], [sflag:$0xA], $0x80, s24, s23, $0xb8;
	[tilespmem:$0x1FF00] =	vst v63  }
0x74: {  	s16 =	simm.s32 @!p2 $0x0;
	_ =	swait.ge [sflag:s21], $0x4000  }
0x75: {  	s17 =	simm.s32 @!p2 $0x80;
	s13 =	rddreg [dreg:$0x8];
	[sflag:s21] =	ssyncset.done $0x0  }
0x76: {  	s15 =	rddreg [dreg:$0x7];
	[sflag:s21] =	ssyncadd.s32 $0xFFFFC000;
	s13 =	sadd.s32 @!p2 s10, s13  }
0x77: {  	[tilespmem:s17], [sflag:$0x2] =	stream.linear.gather @!p2 [hbm4b:s13+s16], $0x80, $0x38;
	[tilespmem:$0x1FF00] =	vst v63  }
0x78: {  	s13 =	sadd.s32 @!p2 s10, s15;
	s15 =	simm.s32 @!p2 $0x200  }
0x79: {  	[tilespmem:s15], [sflag:$0x5] =	stream.linear.gather @!p2 [hbm4b:s13+s16], $0x80, $0x38;
	[tilespmem:$0x1FF00] =	vst v63  }
0x7a: {  	s13 =	simm.s32 @!p1 $0x1  }
0x7b: {  	_ =	swait.ge @!p1 [sflag:s13], $0x80  }
0x7c: {  	[sflag:s13] =	ssyncset.done @!p1 $0x0  }
0x7d: {  	s15 =	simm.s32 @!p1 $0x300;
	[sflag:s13] =	ssyncadd.s32 @!p1 $0xFFFFFF80;
	s13 =	simm.s32 @!p1 $0x80  }
0x7e: {  	[tilespmem:s15], [sflag:$0x7] =	stream.indirect.gather @!p1 [hbm4b:s4+s13], $0x80, s14, s13, $0xb8;
	[tilespmem:$0x1FF00] =	vst v63  }
0x7f: {  	_ =	swait.ge [sflag:s7], $0x4000  }
0x80: {  	[sflag:s7] =	ssyncset.done $0x0  }
0x81: {  	[sflag:s7] =	ssyncadd.s32 $0xFFFFC000  }
0x82: {  	_ =	swait.ge [sflag:s8], $0x80  }
0x83: {  	s15 =	sadd.s32 $0x5, s11;
	[sflag:s8] =	ssyncset.done $0x0  }
0x84: {  	p1 =	sge.u32 s15, s6;
	s14 =	rddreg [dreg:$0xb];
	[sflag:s8] =	ssyncadd.s32 $0xFFFFFF80  }
0x85: {  	[spmem:s1] =	stream.indirect.scatter.add.f32 [tilespmem:s14], [sflag:$0xA], $0x80, s28, s23, $0xb8;
	[tilespmem:$0x1FF00] =	vst v63  }
0x86: {  	s15 =	simm.s32 @!p1 $0x100;
	_ =	swait.ge [sflag:s21], $0x4000  }
0x87: {  	s14 =	simm.s32 @!p1 $0x0;
	s13 =	rddreg [dreg:$0x6];
	[sflag:s21] =	ssyncset.done $0x0  }
0x88: {  	s11 =	rddreg [dreg:$0x5];
	[sflag:s21] =	ssyncadd.s32 $0xFFFFC000;
	s13 =	sadd.s32 @!p1 s10, s13  }
0x89: {  	[tilespmem:s15], [sflag:$0x3] =	stream.linear.gather @!p1 [hbm4b:s13+s14], $0x80, $0x38;
	[tilespmem:$0x1FF00] =	vst v63  }
0x8a: {  	s11 =	sadd.s32 @!p1 s10, s11;
	s13 =	simm.s32 @!p1 $0x280  }
0x8b: {  	[tilespmem:s13], [sflag:$0x6] =	stream.linear.gather @!p1 [hbm4b:s11+s14], $0x80, $0x38;
	[tilespmem:$0x1FF00] =	vst v63  }
0x8c: {  	s11 =	simm.s32 @!p2 $0x2  }
0x8d: {  	_ =	swait.ge @!p2 [sflag:s11], $0x80  }
0x8e: {  	s10 =	sadd.s32 $0x30, s10;
	s16 =	rddreg [dreg:$0x4]  }
0x8f: {  	p1 =	sne.s32 s16, s10  }
.Ltmp1:
0x90: {  	_ = 	snop;
	(pc) =	sbr.rel @p1 .LBB2_4-.Ltmp1, $4  }
0x91: {  	[sflag:s11] =	ssyncset.done @!p2 $0x0  }
0x92: {  	[sflag:s11] =	ssyncadd.s32 @!p2 $0xFFFFFF80;
	s11 =	simm.s32 @!p2 $0x4300  }
0x93: {  	[tilespmem:s11], [sflag:$0x8] =	stream.indirect.gather @!p2 [hbm4b:s4+s17], $0x80, s17, s17, $0xb8;
	[tilespmem:$0x1FF00] =	vst v63  }
0x94: {  	s11 =	smov.u32 s12  }
0x95: {  	_ =	swait.ge [sflag:s0], $0x4000  }
0x96: {  	[sflag:s0] =	ssyncset.done $0x0  }
0x97: {  	[sflag:s0] =	ssyncadd.s32 $0xFFFFC000  }
0x98: {  	_ =	swait.ge [sflag:s3], $0x80  }
0x99: {  	[sflag:s3] =	ssyncset.done $0x0  }
0x9a: {  	[sflag:s3] =	ssyncadd.s32 $0xFFFFFF80  }
0x9b: {  	[spmem:s1] =	stream.indirect.scatter.add.f32 [tilespmem:s20], [sflag:$0xA], $0x80, s22, s23, $0xb8;
	[tilespmem:$0x1FF00] =	vst v63  }
0x9c: {  	_ =	swait.ge [sflag:s21], $0x4000  }
0x9d: {  	[sflag:s21] =	ssyncset.done $0x0  }
0x9e: {  	[sflag:s21] =	ssyncadd.s32 $0xFFFFC000  }
0x9f: {  	_ =	swait.ge [sflag:s26], $0x4000  }
0xa0: {  	[sflag:s26] =	ssyncset.done $0x0  }
0xa1: {  	[sflag:s26] =	ssyncadd.s32 $0xFFFFC000  }
0xa2: {  	_ =	swait.ge [sflag:s2], $0x80  }
0xa3: {  	[sflag:s2] =	ssyncset.done $0x0  }
0xa4: {  	[sflag:s2] =	ssyncadd.s32 $0xFFFFFF80  }
0xa5: {  	[spmem:s1] =	stream.indirect.scatter.add.f32 [tilespmem:s31], [sflag:$0xA], $0x80, s24, s23, $0xb8;
	[tilespmem:$0x1FF00] =	vst v63  }
0xa6: {  	_ =	swait.ge [sflag:s21], $0x4000  }
0xa7: {  	[sflag:s21] =	ssyncset.done $0x0  }
0xa8: {  	[sflag:s21] =	ssyncadd.s32 $0xFFFFC000  }
0xa9: {  	[bflag:$0x0] =	sbarrier.arrive $0xFFFF  }
0xaa: {  	s10 =	simm.s32 @p0 $0x1FCA;
	s11 =	rddreg [dreg:$0x14]  }
0xab: {  	[hbm:s11], [sflag:s10] =	dma.local @p0 [spmem:s25], $0x2080  }
0xac: {  	s10 =	simm.s32 @p0 $0xA  }
0xad: {  	s11 =	stileid.u32;
	_ =	swait.ge @p0 [sflag:s10], $0x2080  }
0xae: {  	s11 =	sshll.u32 @!p0 s11, $0x6;
	[sflag:s10] =	ssyncset.done @p0 $0x0;
	s12 =	rddreg [dreg:$0x13]  }
0xaf: {  	[sflag:s10] =	ssyncadd.s32 @p0 $0xFFFFDF80;
	s10 =	sor.u32 @!p0 $0x1C0A, s11;
	s11 =	sshrl.u32 @!p0 s5, $0x3  }
0xb0: {  	[hbm:s12], [sflag:s10] =	dma.local @!p0 [spmem:s11], $0x2780  }
0xb1: {  	s10 =	simm.s32 @!p0 $0xA  }
0xb2: {  	_ =	swait.ge @!p0 [sflag:s10], $0x2780  }
0xb3: {  	s9 =	sadd.s32 $0x1, s9;
	s17 =	rddreg [dreg:$0x15]  }
0xb4: {  	p1 =	sne.s32 s9, s17  }
.Ltmp2:
0xb5: {  	_ = 	snop;
	(pc) =	sbr.rel @p1 .LBB2_1-.Ltmp2, $3  }
0xb6: {  	_ =	sdelay $0x1  }
0xb7: {  	[sflag:s10] =	ssyncset.done @!p0 $0x0  }
0xb8: {  	[sflag:s10] =	ssyncadd.s32 @!p0 $0xFFFFD880  }
0xb9: {  	_ =	sfence.sel $0x180000  }
0xba: {  	[bflag:$0x0] =	sbarrier.arrive $0xFFFF  }
0xbb: {  	_ =	strace $0x90000047  }
0xbc: {  	s0 =	stileid.u32;
	[bflag:$0x2] =	sbarrier.arrive $0xFFFF  }
0xbd: {  	p0 =	sne.s32 s0, $0x0;
	s0 =	rddreg [dreg:$0x2]  }
0xbe: {  	s0 =	sadd.s32 @!p0 $0x100000, s0  }
0xbf: {  	[sflag:s0] =	ssyncadd.tile.s32 @!p0 $0x1;
	_ =	shalt  }
.Lfunc_end2:
_tile_overlayer_lowered:
.L_overlay_start_2:
0xc0: {  	(tag) =	ssettag $0x2  }
0xc1: {  	s0 =	rddreg [dreg:$0x0];
	s2 =	stileid.u32  }
0xc2: {  	s1 =	rddreg [dreg:$0x1];
	p0 =	sne.s32 s2, $0x0  }
0xc3: {  	s3 =	rddreg [dreg:$0x2];
	[bflag:$0x3] =	sbarrier.arrive $0xFFFF;
	s2 =	simm.s32 @!p0 $0x1C0A  }
0xc4: {  	[timem:s3], [sflag:s2] =	dma.local @!p0 [hbm:s0], s1  }
0xc5: {  	s0 =	simm.s32 @!p0 $0xA  }
0xc6: {  	_ =	swait.ge @!p0 [sflag:s0], s1  }
0xc7: {  	s1 =	ssub.s32 @!p0 $0x0, s1;
	[sflag:s0] =	ssyncset.done @!p0 $0x0  }
0xc8: {  	[sflag:s0] =	ssyncadd.s32 @!p0 s1  }
0xc9: {  	[bflag:$0x3] =	sbarrier.arrive $0xFFFF  }
0xca: {  	_ =	shalt  }

// kernel: kernel.13.cloned.1.call-start
scs
__scs_entry_jumppad:
0x0: {  	(pc) =	sbr.rel $0x88, $3  }
0x1: {  	(tag) =	ssettag $0x0;
	lr =	simm.s32 $0x1  }
0x2: {  	[smem:$0x3F95] =	sst lr;
	_ =	strace $0xD0000000  }
0x3: {  	_ = 	snop  }
0x4: {  	_ = 	snop  }
0x5: {  	_ = 	snop  }
0x6: {  	_ = 	snop  }
0x7: {  	_ = 	snop  }
__scs_overlays_trampoline_lowered:
0x8: {  	[smem:$0x3FA4] =	sst s0  }
0x9: {  	[smem:$0x3FA5] =	sst s1  }
0xa: {  	[smem:$0x3FA6] =	sst s2  }
0xb: {  	[smem:$0x3FA7] =	sst s3  }
0xc: {  	[smem:$0x3FA8] =	sst s4  }
0xd: {  	[smem:$0x3FA9] =	sst s5  }
0xe: {  	[smem:$0x3FAA] =	sst s6  }
0xf: {  	[smem:$0x3FAB] =	sst s7  }
0x10: {  	[smem:$0x3FAC] =	sst s8  }
0x11: {  	[smem:$0x3FAD] =	sst s9;
	s0 =	simm.s32 @!p0 $0x0  }
0x12: {  	s1 =	sld [smem:$0x3F93];
	s0 =	simm.s32 @p0 $0x1  }
0x13: {  	[smem:$0x3FAE] =	sst s0;
	s0 =	simm.s32 @!p1 $0x0  }
0x14: {  	s2 =	sld [smem:$0x3F92];
	s0 =	simm.s32 @p1 $0x1  }
0x15: {  	[smem:$0x3FAF] =	sst s0;
	s0 =	simm.s32 @!p2 $0x0  }
0x16: {  	s3 =	sld [smem:$0x3FDB];
	s0 =	simm.s32 @p2 $0x1  }
0x17: {  	s4 =	simm.s32 $0x1BF5;
	[smem:$0x3FB1] =	sst s0  }
0x18: {  	s0 =	sld [smem:$0x3F94];
	_ =	swait.ge [sflag:s4], $0x0  }
0x19: {  	s7 =	sld [smem:$0x3F95]  }
0x1a: {  	s8 =	sadd.s32 $0xFFFFE003, lr  }
0x1b: {  	s9 =	sadd.s32 $0xFFFFFEF7, lr;
	s5 =	simm.s32 $0xFFFFFFFF;
	p2 =	slt.u32 s8, $0xFFFFF086  }
0x1c: {  	p1 =	slt.u32 s9, $0xF7A;
	s5 =	simm.s32 @!p2 $0x0  }
0x1d: {  	s5 =	simm.s32 @p1 $0x1;
	p0 =	seq.s32 s7, s2  }
0x1e: {  	s7 =	smul.u32 @!p0 $0xF7A, s2;
	p2 =	seq.s32 @!p0 s5, $0x0  }
0x1f: {  	s9 =	smul.u32 $0xF7A, s1;
	s8 =	simm.s32 @!p0 $0x1BF5;
	p2 =	por !p2, p0  }
0x20: {  	[sflag:s8] =	ssyncset.s32 @!p0 $0xFFFFF086;
	s6 =	sadd.s32 @!p0 s3, s7;
	s7 =	simm.s32 @!p0 $0x108  }
0x21: {  	s3 =	sadd.s32 s3, s9;
	s6 =	sadd.s32 @!p0 $0x88, s6;
	s7 =	simm.s32 @p2 $0x1082  }
0x22: {  	[simem:s7], [sflag:s8] =	dma.local @!p0 [hbm:s6], $0xF7A  }
0x23: {  	s9 =	sor.u32 $0xD0000000, s2;
	s6 =	simm.s32 $0x108;
	_ =	swait.ge @!p0 [sflag:s8], $0x0  }
0x24: {  	s3 =	sadd.s32 $0x88, s3;
	s6 =	simm.s32 @!p1 $0x1082;
	[sflag:s4] =	ssyncset.s32 $0xFFFFF086  }
0x25: {  	[simem:s6], [sflag:s4] =	dma.local [hbm:s3], $0xF7A  }
0x26: {  	[smem:$0x3F95] =	sst s1;
	(tag) =	ssettag s2;
	_ =	strace s9  }
0x27: {  	s1 =	sld [smem:$0x3FA5]  }
0x28: {  	s2 =	sld [smem:$0x3FA6]  }
0x29: {  	s4 =	sld [smem:$0x3FA8]  }
0x2a: {  	p0 =	seq.s32 s5, $0x0;
	s5 =	sld [smem:$0x3FA9]  }
0x2b: {  	s6 =	sld [smem:$0x3FAA]  }
0x2c: {  	s7 =	sld [smem:$0x3FAB]  }
0x2d: {  	s3 =	simm.s32 $0x108;
	s8 =	sld [smem:$0x3FAC]  }
0x2e: {  	s3 =	simm.s32 @!p0 $0x1082;
	s9 =	sld [smem:$0x3FAD]  }
0x2f: {  	lr =	sadd.s32 s0, s3;
	s0 =	sld [smem:$0x3FA4]  }
0x30: {  	s3 =	sld [smem:$0x3FA7]  }
0x31: {  	[smem:$0x3FB0] =	sst s10  }
0x32: {  	s10 =	sld [smem:$0x3FAE];
	_ =	sdelay $0x3  }
0x33: {  	p0 =	seq.s32 s10, $0x1;
	s10 =	sld [smem:$0x3FB0];
	_ =	sdelay $0x3  }
0x34: {  	[smem:$0x3FB0] =	sst s10  }
0x35: {  	s10 =	sld [smem:$0x3FAF];
	_ =	sdelay $0x3  }
0x36: {  	p1 =	seq.s32 s10, $0x1;
	s10 =	sld [smem:$0x3FB0];
	_ =	sdelay $0x3  }
0x37: {  	[smem:$0x3FB0] =	sst s10  }
0x38: {  	s10 =	sld [smem:$0x3FB1]  }
0x39: {  	_ = 	snop;
	(pc) =	sbr.ind lr, $3  }
0x3a: {  	_ = 	snop  }
0x3b: {  	_ = 	snop  }
0x3c: {  	p2 =	seq.s32 s10, $0x1;
	s10 =	sld [smem:$0x3FB0]  }
0x3d: {  	_ =	shalt  }
0x3e: {  	_ =	shalt  }
0x3f: {  	_ =	shalt  }
0x40: {  	_ =	shalt  }
0x41: {  	_ =	shalt  }
0x42: {  	_ =	shalt  }
0x43: {  	_ =	shalt  }
0x44: {  	_ =	shalt  }
0x45: {  	_ =	shalt  }
0x46: {  	_ =	shalt  }
0x47: {  	_ =	shalt  }
0x48: {  	_ =	shalt  }
0x49: {  	_ =	shalt  }
0x4a: {  	_ =	shalt  }
0x4b: {  	_ =	shalt  }
0x4c: {  	_ =	shalt  }
0x4d: {  	_ =	shalt  }
0x4e: {  	_ =	shalt  }
0x4f: {  	_ =	shalt  }
0x50: {  	_ =	shalt  }
0x51: {  	_ =	shalt  }
0x52: {  	_ =	shalt  }
0x53: {  	_ =	shalt  }
0x54: {  	_ =	shalt  }
0x55: {  	_ =	shalt  }
0x56: {  	_ =	shalt  }
0x57: {  	_ =	shalt  }
0x58: {  	_ =	shalt  }
0x59: {  	_ =	shalt  }
0x5a: {  	_ =	shalt  }
0x5b: {  	_ =	shalt  }
0x5c: {  	_ =	shalt  }
0x5d: {  	_ =	shalt  }
0x5e: {  	_ =	shalt  }
0x5f: {  	_ =	shalt  }
0x60: {  	_ =	shalt  }
0x61: {  	_ =	shalt  }
0x62: {  	_ =	shalt  }
0x63: {  	_ =	shalt  }
0x64: {  	_ =	shalt  }
0x65: {  	_ =	shalt  }
0x66: {  	_ =	shalt  }
0x67: {  	_ =	shalt  }
0x68: {  	_ =	shalt  }
0x69: {  	_ =	shalt  }
0x6a: {  	_ =	shalt  }
0x6b: {  	_ =	shalt  }
0x6c: {  	_ =	shalt  }
0x6d: {  	_ =	shalt  }
0x6e: {  	_ =	shalt  }
0x6f: {  	_ =	shalt  }
0x70: {  	_ =	shalt  }
0x71: {  	_ =	shalt  }
0x72: {  	_ =	shalt  }
0x73: {  	_ =	shalt  }
0x74: {  	_ =	shalt  }
0x75: {  	_ =	shalt  }
0x76: {  	_ =	shalt  }
0x77: {  	_ =	shalt  }
0x78: {  	_ =	shalt  }
0x79: {  	_ =	shalt  }
0x7a: {  	_ =	shalt  }
0x7b: {  	_ =	shalt  }
0x7c: {  	_ =	shalt  }
0x7d: {  	_ =	shalt  }
0x7e: {  	_ =	shalt  }
0x7f: {  	_ =	shalt  }
0x80: {  	_ =	shalt  }
0x81: {  	_ =	shalt  }
0x82: {  	_ =	shalt  }
0x83: {  	_ =	shalt  }
0x84: {  	_ =	shalt  }
0x85: {  	_ =	shalt  }
0x86: {  	_ =	shalt  }
0x87: {  	_ =	shalt  }
.Lfunc_end0:
.L_simem_size_0:
called_computation.1_lowered:
.L_overlay_start_0:
0x88: {  	s2 =	sld [smem:$0x3FD9]  }
0x89: {  	s3 =	sld [smem:$0x3FFE];
	_ =	sdelay $0x1  }
0x8a: {  	s1 =	srdreg.scid  }
0x8b: {  	s0 =	sand.u32 $0x1, s1  }
0x8c: {  	s16 =	sshll.u32 s0, $0xA;
	s2 =	sadd.s32 s3, s2  }
0x8d: {  	s2 =	sadd.s32 s2, s16  }
0x8e: {  	[smem:$0x3FBC] =	sst s2  }
0x8f: {  	_ = 	snop  }
0x90: {  	(tm) =	ssettm $0x1  }
0x91: {  	s17 =	sld [smem:$0x3FFB];
	_ =	sdelay $0x3  }
0x92: {  	_ =	strace s17  }
0x93: {  	s2 =	sld [smem:$0x3FFC];
	_ =	sdelay $0x3  }
0x94: {  	_ =	strace s2  }
0x95: {  	s2 =	sld [smem:$0x3FFD];
	_ =	sdelay $0x3  }
0x96: {  	_ =	strace s2  }
0x97: {  	_ =	strace $0x8FFFFFFF  }
0x98: {  	s18 =	sld [smem:$0x3FDB];
	_ =	sdelay $0x1  }
0x99: {  	s19 =	simm.s32 $_scs_section_size  }
0x9a: {  	s4 =	simm.s32 $_size__tile_overlayer_lowered;
	s5 =	simm.s32 $_tile_overlayer_lowered  }
0x9b: {  	s22 =	simm.s32 $0x1BFF;
	s21 =	sshll.u32 s5, $0x1;
	s2 =	sadd.s32 s19, s18  }
0x9c: {  	s6 =	simm.s32 $0x0;
	s20 =	sshll.u32 s4, $0x1;
	s4 =	sadd.s32 s21, s2  }
0x9d: {  	[timem:s6], [sflag:s22] =	dma.local [hbm:s4], s20  }
0x9e: {  	_ =	swait.ge [sflag:s22], s20  }
0x9f: {  	s3 =	ssub.s32 $0x0, s20;
	[sflag:s22] =	ssyncset.done $0x0  }
0xa0: {  	[sflag:s22] =	ssyncadd.s32 s3;
	_ =	sdelay $0x1  }
0xa1: {  	s23 =	simm.s32 $0x1B8B  }
0xa2: {  	_ =	swait.ge [sflag:s23], $0x1  }
0xa3: {  	[sflag:s23] =	ssyncset.done $0x0  }
0xa4: {  	s25 =	simm.s32 $0x1B8E;
	s24 =	sld [smem:$0x3FFE];
	[sflag:s23] =	ssyncadd.s32 $0xFFFFFFFF  }
0xa5: {  	s26 =	simm.s32 $execute0_lowered;
	[smem:$0x3FD2] =	sst s25  }
0xa6: {  	s4 =	sshll.u32 s26, $0x1;
	_ =	strace $0x80000049;
	[dreg:$0x1] =	wrdreg $0xFFFFFFFF  }
0xa7: {  	s28 =	simm.s32 $_size_execute0_lowered;
	s2 =	sadd.s32 s2, s4;
	[dreg:$0x0] =	wrdreg $0x0  }
0xa8: {  	s4 =	sshll.u32 s28, $0x1;
	[dreg:$0x2] =	wrdreg s2  }
0xa9: {  	[dreg:$0x3] =	wrdreg s4  }
0xaa: {  	[dreg:$0x4] =	wrdreg $0xC0  }
0xab: {  	_ =	task [dreg:s6], $0x5FFFF  }
0xac: {  	[dreg:$0x1] =	wrdreg $0xFFFFFFFF  }
0xad: {  	[dreg:$0x0] =	wrdreg $0x60  }
0xae: {  	[dreg:$0x2] =	wrdreg s24  }
0xaf: {  	[dreg:$0x3] =	wrdreg $0xC3000  }
0xb0: {  	[dreg:$0x4] =	wrdreg $0x9  }
0xb1: {  	_ =	task.clear_ibuf [dreg:s6], $0x5FFFF;
	_ =	strace $0x90000049  }
0xb2: {  	s29 =	simm.s32 $0x9;
	_ =	strace $0x8000004B  }
0xb3: {  	_ =	swait.ge [sflag:s29], $0x1  }
0xb4: {  	[sflag:s29] =	ssyncadd.s32 $0xFFFFFFFF  }
0xb5: {  	_ =	strace $0x9000004B  }
0xb6: {  	_ =	sfence  }
0xb7: {  	s30 =	sld [smem:$0x0];
	_ =	sdelay $0x2  }
0xb8: {  	s31 =	sshll.u32 s1, $0xD;
	s1 =	sshrl.u32 s1, $0x2  }
0xb9: {  	s3 =	sand.u32 $0x4000, s31;
	s1 =	sadd.s32 s1, s30  }
0xba: {  	s0 =	sor.u32 s3, s0;
	s1 =	sshll.u32 s1, $0x11  }
0xbb: {  	s0 =	sor.u32 s1, s0  }
0xbc: {  	s0 =	sadd.s32 $0x8F2B, s0  }
0xbd: {  	[sflag:s0] =	ssyncadd.remote.s32 $0x1  }
0xbe: {  	_ =	sfence.sel $0xFFFF  }
0xbf: {  	[dreg:$0x0] =	wrdreg $0xFFFFFFFF;
	(pc) =	sbr.abs _section_cstart, $3  }
0xc0: {  	[dreg:$0x1] =	wrdreg $0xFFFFFFFF  }
0xc1: {  	_ =	task.clear_ibuf [dreg:s6], $0x2FFFF;
	_ =	strace $0x9FFFFFFF  }
0xc2: {  	(tm) =	ssettm $0x7FFFFFFF  }
0xc3: {  	_ =	shalt  }
tec
execute0_lowered:
.L_overlay_start_1:
0x0: {  	(tag) =	ssettag $0x1  }
0x1: {  	s2 =	rddreg [dreg:$0x0]  }
0x2: {  	s1 =	rddreg [dreg:$0x1];
	s0 =	simm.s32 $0x0  }
0x3: {  	s3 =	srdreg.scid;
	s13 =	stileid.u32;
	s28 =	simm.s32 $0x280  }
0x4: {  	s29 =	simm.s32 $0x1;
	s30 =	simm.s32 $0x2;
	s31 =	simm.s32 $0x4300  }
0x5: {  	[smem:$0x7FF] =	sst s0;
	s4 =	sadd.s32 $0x17000, s2;
	s6 =	smul.u32 $0x4F000, s13  }
0x6: {  	s0 =	sadd.s32 $0xD200, s2;
	s7 =	sadd.s32 $0x3400, s2;
	s23 =	smul.u32 $0x13C00, s13  }
0x7: {  	s3 =	sand.u32 $0x1, s3;
	s2 =	sadd.s32 $0x3E200, s2;
	s26 =	smul.u32 $0x2800, s13  }
0x8: {  	_ =	strace $0x8000004A;
	s5 =	ssub.s32 $0x2, s3;
	s22 =	smul.u32 $0x138800, s3  }
0x9: {  	s8 =	sshll.u32 s3, $0x4;
	s3 =	smul.u32 $0x28000, s3;
	s9 =	sshrl.u32 s5, $0x1  }
0xa: {  	s8 =	sor.u32 s13, s8;
	s17 =	sshrl.u32 s6, $0x2;
	s6 =	simm.s32 $0x14  }
0xb: {  	s9 =	ssub.s32 s5, s9;
	s10 =	smul.u32 $0x2800, s8;
	s5 =	sadd.s32 s17, s1  }
0xc: {  	p0 =	seq.s32 s8, $0x1F;
	s24 =	sadd.s32 s23, s22;
	s25 =	sshrl.u32 s22, $0x3  }
0xd: {  	s18 =	sadd.s32 $0x10000, s5;
	s6 =	simm.s32 @!p0 $0x50;
	s23 =	smax.u32 s9, $0x1  }
0xe: {  	p0 =	seq.s32 s13, $0xF;
	[dreg:$0xc] =	wrdreg s18;
	s19 =	sshrl.u32 s10, $0x3  }
0xf: {  	s9 =	simm.s32 $0x0;
	[dreg:$0x15] =	wrdreg s23;
	s10 =	sadd.s32 s0, s19  }
0x10: {  	s20 =	sor.u32 $0x10, s19;
	s12 =	sadd.s32 s7, s19;
	[dreg:$0xd] =	wrdreg s10  }
0x11: {  	s11 =	smul.u32 $0x56, s6;
	[dreg:$0xe] =	wrdreg s12;
	s21 =	sadd.s32 s0, s20  }
0x12: {  	s8 =	sor.u32 $0x20, s19;
	s10 =	sadd.s32 s7, s20;
	[dreg:$0xf] =	wrdreg s21  }
0x13: {  	s23 =	simm.s32 $0x80;
	s14 =	sadd.s32 s0, s8;
	[dreg:$0x10] =	wrdreg s10  }
0x14: {  	s8 =	sadd.s32 s7, s8;
	s11 =	sshrl.u32 s11, $0x8;
	[dreg:$0x11] =	wrdreg s14  }
0x15: {  	s12 =	sadd.s32 s26, s3;
	s26 =	simm.s32 $0x8300;
	[dreg:$0x12] =	wrdreg s8  }
0x16: {  	s8 =	sshrl.u32 s24, $0x3;
	s10 =	sadd.s32 s2, s25;
	s14 =	sadd.s32 $0xFFFFFFFE, s6  }
0x17: {  	s15 =	smul.u32 $0x30, s11;
	s16 =	sor.u32 $0x280, s12;
	[dreg:$0xb] =	wrdreg s26  }
0x18: {  	s11 =	sadd.s32 $0x128400, s1;
	s25 =	sadd.s32 $0x4000, s5;
	[dreg:$0x3] =	wrdreg s14  }
0x19: {  	s19 =	sor.u32 $0x200, s12;
	s2 =	sadd.s32 s2, s8;
	[dreg:$0x16] =	wrdreg s25  }
0x1a: {  	s26 =	simm.s32 $0x8;
	s10 =	sadd.s32 $0x25080, s10;
	[dreg:$0x13] =	wrdreg s2  }
0x1b: {  	s17 =	sshrl.u32 s16, $0x3;
	s20 =	sshrl.u32 s19, $0x3;
	[dreg:$0x14] =	wrdreg s10  }
0x1c: {  	s19 =	sadd.s32 $0xC000, s5;
	[dreg:$0x4] =	wrdreg s15;
	s18 =	sadd.s32 s17, s7  }
0x1d: {  	s25 =	sshrl.u32 @p0 s11, $0x3;
	s3 =	sadd.s32 s17, s0;
	[dreg:$0x5] =	wrdreg s18  }
0x1e: {  	s8 =	simm.s32 $0x6;
	s21 =	sadd.s32 s20, s7;
	[dreg:$0x6] =	wrdreg s3  }
0x1f: {  	s2 =	sor.u32 $0x180, s12;
	s22 =	sadd.s32 s20, s0;
	[dreg:$0x7] =	wrdreg s21  }
0x20: {  	s20 =	simm.s32 $0x300;
	s2 =	sshrl.u32 s2, $0x3;
	[dreg:$0x8] =	wrdreg s22  }
0x21: {  	s18 =	sadd.s32 $0x8000, s5;
	s21 =	simm.s32 $0xA;
	s22 =	simm.s32 $0x180  }
0x22: {  	s3 =	simm.s32 $0x4;
	s24 =	sadd.s32 s2, s7;
	s0 =	sadd.s32 s2, s0  }
0x23: {  	s2 =	simm.s32 $0x5;
	s7 =	simm.s32 $0x9;
	[dreg:$0x9] =	wrdreg s24  }
0x24: {  	v0 =	vimm.f32 $0.0e+00;
	[dreg:$0xa] =	wrdreg s0;
	s24 =	simm.s32 $0x200;
	s0 =	simm.s32 $0x7  }
.LBB2_1:
0x25: {  	s11 =	simm.s32 $0x0  }
0x26: {  	s10 =	sand.u32 $0xFE00, s11  }
0x27: {  	s11 =	sand.u32 $0x70, s11;
	s12 =	sshrl.u32 s10, $0x2  }
0x28: {  	s10 =	simm.s32 $0x40;
	s12 =	sor.u32 s11, s12;
	s11 =	simm.s32 $0x0  }
.LBB2_2:
0x29: {  	p1 =	sne.s32 s10, $0xFFC0  }
0x2a: {  	[tilespmem:s12+$0x300] =	vst v0;
	s11 =	sadd.s32 $0x10, s11;
	s12 =	smov.u32 s10;
	s10 =	sadd.s32 $0x40, s10  }
.Ltmp0:
0x2b: {  	(pc) =	sbr.rel @p1 .LBB2_2-.Ltmp0, $4  }
0x2c: {  	_ = 	snop  }
0x2d: {  	s12 =	sand.u32 $0xFE00, s12  }
0x2e: {  	s13 =	sand.u32 $0x70, s11;
	s12 =	sshrl.u32 s12, $0x2  }
0x2f: {  	s12 =	sor.u32 s13, s12  }
0x30: {  	[tilespmem:s12+$0x300] =	vst v0  }
0x31: {  	[spmem:s5] =	stream.linear.scatter [tilespmem:s20], [sflag:$0xA], $0x4000, $0x38;
	[tilespmem:$0x1FF00] =	vst v63  }
0x32: {  	_ =	swait.ge [sflag:s21], $0x4000  }
0x33: {  	[sflag:s21] =	ssyncset.done $0x0  }
0x34: {  	s10 =	rddreg [dreg:$0x16];
	[sflag:s21] =	ssyncadd.s32 $0xFFFFC000  }
0x35: {  	[spmem:s10] =	stream.linear.scatter [tilespmem:s20], [sflag:$0xA], $0x4000, $0x38;
	[tilespmem:$0x1FF00] =	vst v63  }
0x36: {  	_ =	swait.ge [sflag:s21], $0x4000  }
0x37: {  	[sflag:s21] =	ssyncset.done $0x0  }
0x38: {  	[sflag:s21] =	ssyncadd.s32 $0xFFFFC000  }
0x39: {  	[spmem:s18] =	stream.linear.scatter [tilespmem:s20], [sflag:$0xA], $0x4000, $0x38;
	[tilespmem:$0x1FF00] =	vst v63  }
0x3a: {  	_ =	swait.ge [sflag:s21], $0x4000  }
0x3b: {  	[sflag:s21] =	ssyncset.done $0x0  }
0x3c: {  	[sflag:s21] =	ssyncadd.s32 $0xFFFFC000  }
0x3d: {  	[spmem:s19] =	stream.linear.scatter [tilespmem:s20], [sflag:$0xA], $0x4000, $0x38;
	[tilespmem:$0x1FF00] =	vst v63  }
0x3e: {  	_ =	swait.ge [sflag:s21], $0x4000  }
0x3f: {  	[sflag:s21] =	ssyncset.done $0x0  }
0x40: {  	s16 =	rddreg [dreg:$0xc];
	[sflag:s21] =	ssyncadd.s32 $0xFFFFC000  }
0x41: {  	[spmem:s16] =	stream.linear.scatter [tilespmem:s20], [sflag:$0xA], $0x3C00, $0x38;
	[tilespmem:$0x1FF00] =	vst v63  }
0x42: {  	_ =	swait.ge [sflag:s21], $0x3C00  }
0x43: {  	[sflag:s21] =	ssyncset.done $0x0  }
0x44: {  	[sflag:s21] =	ssyncadd.s32 $0xFFFFC400  }
0x45: {  	[bflag:$0x0] =	sbarrier.arrive $0xFFFF  }
0x46: {  	s11 =	simm.s32 $0x0;
	s17 =	rddreg [dreg:$0xd]  }
0x47: {  	[tilespmem:s11], [sflag:$0x1] =	stream.linear.gather [hbm4b:s17+s11], $0x80, $0x38;
	[tilespmem:$0x1FF00] =	vst v63  }
0x48: {  	s12 =	rddreg [dreg:$0xe]  }
0x49: {  	[tilespmem:s22], [sflag:$0x4] =	stream.linear.gather [hbm4b:s12+s11], $0x80, $0x38;
	[tilespmem:$0x1FF00] =	vst v63  }
0x4a: {  	s13 =	rddreg [dreg:$0xf]  }
0x4b: {  	[tilespmem:s23], [sflag:$0x2] =	stream.linear.gather [hbm4b:s13+s11], $0x80, $0x38;
	[tilespmem:$0x1FF00] =	vst v63  }
0x4c: {  	s14 =	rddreg [dreg:$0x10]  }
0x4d: {  	[tilespmem:s24], [sflag:$0x5] =	stream.linear.gather [hbm4b:s14+s11], $0x80, $0x38;
	[tilespmem:$0x1FF00] =	vst v63  }
0x4e: {  	s16 =	simm.s32 $0x100;
	s15 =	rddreg [dreg:$0x11]  }
0x4f: {  	[tilespmem:s16], [sflag:$0x3] =	stream.linear.gather [hbm4b:s15+s11], $0x80, $0x38;
	[tilespmem:$0x1FF00] =	vst v63  }
0x50: {  	s17 =	rddreg [dreg:$0x12]  }
0x51: {  	[tilespmem:s28], [sflag:$0x6] =	stream.linear.gather [hbm4b:s17+s11], $0x80, $0x38;
	[tilespmem:$0x1FF00] =	vst v63  }
0x52: {  	_ =	swait.ge [sflag:s29], $0x80  }
0x53: {  	[sflag:s29] =	ssyncset.done $0x0  }
0x54: {  	[sflag:s29] =	ssyncadd.s32 $0xFFFFFF80  }
0x55: {  	[tilespmem:s20], [sflag:$0x7] =	stream.indirect.gather [hbm4b:s4+s23], $0x80, s11, s23, $0xb8;
	[tilespmem:$0x1FF00] =	vst v63  }
0x56: {  	_ =	swait.ge [sflag:s30], $0x80  }
0x57: {  	[sflag:s30] =	ssyncset.done $0x0  }
0x58: {  	s10 =	simm.s32 $0x0;
	[sflag:s30] =	ssyncadd.s32 $0xFFFFFF80  }
0x59: {  	[tilespmem:s31], [sflag:$0x8] =	stream.indirect.gather [hbm4b:s4+s23], $0x80, s23, s23, $0xb8;
	[tilespmem:$0x1FF00] =	vst v63  }
.LBB2_4:
0x5a: {  	_ =	swait.ge [sflag:s0], $0x4000  }
0x5b: {  	[sflag:s0] =	ssyncset.done $0x0  }
0x5c: {  	[sflag:s0] =	ssyncadd.s32 $0xFFFFC000  }
0x5d: {  	_ =	swait.ge [sflag:s3], $0x80  }
0x5e: {  	[sflag:s3] =	ssyncset.done $0x0  }
0x5f: {  	[sflag:s3] =	ssyncadd.s32 $0xFFFFFF80  }
0x60: {  	[spmem:s1] =	stream.indirect.scatter.add.f32 [tilespmem:s20], [sflag:$0xA], $0x80, s22, s23, $0xb8;
	[tilespmem:$0x1FF00] =	vst v63  }
0x61: {  	_ =	swait.ge [sflag:s21], $0x4000  }
0x62: {  	s12 =	sadd.s32 $0x3, s11;
	s13 =	rddreg [dreg:$0xa]  }
0x63: {  	p1 =	sge.u32 s12, s6;
	s15 =	rddreg [dreg:$0x9]  }
0x64: {  	s14 =	simm.s32 @!p1 $0x0;
	[sflag:s21] =	ssyncset.done $0x0;
	s17 =	rddreg [dreg:$0x3]  }
0x65: {  	[sflag:s21] =	ssyncadd.s32 $0xFFFFC000;
	s13 =	sadd.s32 @!p1 s10, s13;
	p2 =	sge.u32 s11, s17  }
0x66: {  	[tilespmem:s14], [sflag:$0x1] =	stream.linear.gather @!p1 [hbm4b:s13+s14], $0x80, $0x38;
	[tilespmem:$0x1FF00] =	vst v63  }
0x67: {  	s16 =	simm.s32 @!p1 $0x180;
	s15 =	sadd.s32 @!p1 s10, s15;
	s13 =	simm.s32 @!p2 $0x3  }
0x68: {  	[tilespmem:s16], [sflag:$0x4] =	stream.linear.gather @!p1 [hbm4b:s15+s14], $0x80, $0x38;
	[tilespmem:$0x1FF00] =	vst v63  }
0x69: {  	_ =	swait.ge @!p2 [sflag:s13], $0x80  }
0x6a: {  	s15 =	simm.s32 @!p2 $0x100;
	[sflag:s13] =	ssyncset.done @!p2 $0x0  }
0x6b: {  	s16 =	simm.s32 @!p2 $0x8300;
	[sflag:s13] =	ssyncadd.s32 @!p2 $0xFFFFFF80;
	s13 =	simm.s32 @!p2 $0x80  }
0x6c: {  	[tilespmem:s16], [sflag:$0x9] =	stream.indirect.gather @!p2 [hbm4b:s4+s13], $0x80, s15, s13, $0xb8;
	[tilespmem:$0x1FF00] =	vst v63  }
0x6d: {  	_ =	swait.ge [sflag:s26], $0x4000  }
0x6e: {  	[sflag:s26] =	ssyncset.done $0x0  }
0x6f: {  	[sflag:s26] =	ssyncadd.s32 $0xFFFFC000  }
0x70: {  	_ =	swait.ge [sflag:s2], $0x80  }
0x71: {  	s17 =	sadd.s32 $0x4, s11;
	[sflag:s2] =	ssyncset.done $0x0  }
0x72: {  	p2 =	sge.u32 s17, s6;
	[sflag:s2] =	ssyncadd.s32 $0xFFFFFF80  }
0x73: {  	[spmem:s1] =	stream.indirect.scatter.add.f32 [tilespmem:s31], [sflag:$0xA], $0x80, s24, s23, $0xb8;
	[tilespmem:$0x1FF00] =	vst v63  }
0x74: {  	s16 =	simm.s32 @!p2 $0x0;
	_ =	swait.ge [sflag:s21], $0x4000  }
0x75: {  	s17 =	simm.s32 @!p2 $0x80;
	s13 =	rddreg [dreg:$0x8];
	[sflag:s21] =	ssyncset.done $0x0  }
0x76: {  	s15 =	rddreg [dreg:$0x7];
	[sflag:s21] =	ssyncadd.s32 $0xFFFFC000;
	s13 =	sadd.s32 @!p2 s10, s13  }
0x77: {  	[tilespmem:s17], [sflag:$0x2] =	stream.linear.gather @!p2 [hbm4b:s13+s16], $0x80, $0x38;
	[tilespmem:$0x1FF00] =	vst v63  }
0x78: {  	s13 =	sadd.s32 @!p2 s10, s15;
	s15 =	simm.s32 @!p2 $0x200  }
0x79: {  	[tilespmem:s15], [sflag:$0x5] =	stream.linear.gather @!p2 [hbm4b:s13+s16], $0x80, $0x38;
	[tilespmem:$0x1FF00] =	vst v63  }
0x7a: {  	s13 =	simm.s32 @!p1 $0x1  }
0x7b: {  	_ =	swait.ge @!p1 [sflag:s13], $0x80  }
0x7c: {  	[sflag:s13] =	ssyncset.done @!p1 $0x0  }
0x7d: {  	s15 =	simm.s32 @!p1 $0x300;
	[sflag:s13] =	ssyncadd.s32 @!p1 $0xFFFFFF80;
	s13 =	simm.s32 @!p1 $0x80  }
0x7e: {  	[tilespmem:s15], [sflag:$0x7] =	stream.indirect.gather @!p1 [hbm4b:s4+s13], $0x80, s14, s13, $0xb8;
	[tilespmem:$0x1FF00] =	vst v63  }
0x7f: {  	_ =	swait.ge [sflag:s7], $0x4000  }
0x80: {  	[sflag:s7] =	ssyncset.done $0x0  }
0x81: {  	[sflag:s7] =	ssyncadd.s32 $0xFFFFC000  }
0x82: {  	_ =	swait.ge [sflag:s8], $0x80  }
0x83: {  	s15 =	sadd.s32 $0x5, s11;
	[sflag:s8] =	ssyncset.done $0x0  }
0x84: {  	p1 =	sge.u32 s15, s6;
	s14 =	rddreg [dreg:$0xb];
	[sflag:s8] =	ssyncadd.s32 $0xFFFFFF80  }
0x85: {  	[spmem:s1] =	stream.indirect.scatter.add.f32 [tilespmem:s14], [sflag:$0xA], $0x80, s28, s23, $0xb8;
	[tilespmem:$0x1FF00] =	vst v63  }
0x86: {  	s15 =	simm.s32 @!p1 $0x100;
	_ =	swait.ge [sflag:s21], $0x4000  }
0x87: {  	s14 =	simm.s32 @!p1 $0x0;
	s13 =	rddreg [dreg:$0x6];
	[sflag:s21] =	ssyncset.done $0x0  }
0x88: {  	s11 =	rddreg [dreg:$0x5];
	[sflag:s21] =	ssyncadd.s32 $0xFFFFC000;
	s13 =	sadd.s32 @!p1 s10, s13  }
0x89: {  	[tilespmem:s15], [sflag:$0x3] =	stream.linear.gather @!p1 [hbm4b:s13+s14], $0x80, $0x38;
	[tilespmem:$0x1FF00] =	vst v63  }
0x8a: {  	s11 =	sadd.s32 @!p1 s10, s11;
	s13 =	simm.s32 @!p1 $0x280  }
0x8b: {  	[tilespmem:s13], [sflag:$0x6] =	stream.linear.gather @!p1 [hbm4b:s11+s14], $0x80, $0x38;
	[tilespmem:$0x1FF00] =	vst v63  }
0x8c: {  	s11 =	simm.s32 @!p2 $0x2  }
0x8d: {  	_ =	swait.ge @!p2 [sflag:s11], $0x80  }
0x8e: {  	s10 =	sadd.s32 $0x30, s10;
	s16 =	rddreg [dreg:$0x4]  }
0x8f: {  	p1 =	sne.s32 s16, s10  }
.Ltmp1:
0x90: {  	_ = 	snop;
	(pc) =	sbr.rel @p1 .LBB2_4-.Ltmp1, $4  }
0x91: {  	[sflag:s11] =	ssyncset.done @!p2 $0x0  }
0x92: {  	[sflag:s11] =	ssyncadd.s32 @!p2 $0xFFFFFF80;
	s11 =	simm.s32 @!p2 $0x4300  }
0x93: {  	[tilespmem:s11], [sflag:$0x8] =	stream.indirect.gather @!p2 [hbm4b:s4+s17], $0x80, s17, s17, $0xb8;
	[tilespmem:$0x1FF00] =	vst v63  }
0x94: {  	s11 =	smov.u32 s12  }
0x95: {  	_ =	swait.ge [sflag:s0], $0x4000  }
0x96: {  	[sflag:s0] =	ssyncset.done $0x0  }
0x97: {  	[sflag:s0] =	ssyncadd.s32 $0xFFFFC000  }
0x98: {  	_ =	swait.ge [sflag:s3], $0x80  }
0x99: {  	[sflag:s3] =	ssyncset.done $0x0  }
0x9a: {  	[sflag:s3] =	ssyncadd.s32 $0xFFFFFF80  }
0x9b: {  	[spmem:s1] =	stream.indirect.scatter.add.f32 [tilespmem:s20], [sflag:$0xA], $0x80, s22, s23, $0xb8;
	[tilespmem:$0x1FF00] =	vst v63  }
0x9c: {  	_ =	swait.ge [sflag:s21], $0x4000  }
0x9d: {  	[sflag:s21] =	ssyncset.done $0x0  }
0x9e: {  	[sflag:s21] =	ssyncadd.s32 $0xFFFFC000  }
0x9f: {  	_ =	swait.ge [sflag:s26], $0x4000  }
0xa0: {  	[sflag:s26] =	ssyncset.done $0x0  }
0xa1: {  	[sflag:s26] =	ssyncadd.s32 $0xFFFFC000  }
0xa2: {  	_ =	swait.ge [sflag:s2], $0x80  }
0xa3: {  	[sflag:s2] =	ssyncset.done $0x0  }
0xa4: {  	[sflag:s2] =	ssyncadd.s32 $0xFFFFFF80  }
0xa5: {  	[spmem:s1] =	stream.indirect.scatter.add.f32 [tilespmem:s31], [sflag:$0xA], $0x80, s24, s23, $0xb8;
	[tilespmem:$0x1FF00] =	vst v63  }
0xa6: {  	_ =	swait.ge [sflag:s21], $0x4000  }
0xa7: {  	[sflag:s21] =	ssyncset.done $0x0  }
0xa8: {  	[sflag:s21] =	ssyncadd.s32 $0xFFFFC000  }
0xa9: {  	[bflag:$0x0] =	sbarrier.arrive $0xFFFF  }
0xaa: {  	s10 =	simm.s32 @p0 $0x1FCA;
	s11 =	rddreg [dreg:$0x14]  }
0xab: {  	[hbm:s11], [sflag:s10] =	dma.local @p0 [spmem:s25], $0x2080  }
0xac: {  	s10 =	simm.s32 @p0 $0xA  }
0xad: {  	s11 =	stileid.u32;
	_ =	swait.ge @p0 [sflag:s10], $0x2080  }
0xae: {  	s11 =	sshll.u32 @!p0 s11, $0x6;
	[sflag:s10] =	ssyncset.done @p0 $0x0;
	s12 =	rddreg [dreg:$0x13]  }
0xaf: {  	[sflag:s10] =	ssyncadd.s32 @p0 $0xFFFFDF80;
	s10 =	sor.u32 @!p0 $0x1C0A, s11;
	s11 =	sshrl.u32 @!p0 s5, $0x3  }
0xb0: {  	[hbm:s12], [sflag:s10] =	dma.local @!p0 [spmem:s11], $0x2780  }
0xb1: {  	s10 =	simm.s32 @!p0 $0xA  }
0xb2: {  	_ =	swait.ge @!p0 [sflag:s10], $0x2780  }
0xb3: {  	s9 =	sadd.s32 $0x1, s9;
	s17 =	rddreg [dreg:$0x15]  }
0xb4: {  	p1 =	sne.s32 s9, s17  }
.Ltmp2:
0xb5: {  	_ = 	snop;
	(pc) =	sbr.rel @p1 .LBB2_1-.Ltmp2, $3  }
0xb6: {  	_ =	sdelay $0x1  }
0xb7: {  	[sflag:s10] =	ssyncset.done @!p0 $0x0  }
0xb8: {  	[sflag:s10] =	ssyncadd.s32 @!p0 $0xFFFFD880  }
0xb9: {  	_ =	sfence.sel $0x180000  }
0xba: {  	[bflag:$0x0] =	sbarrier.arrive $0xFFFF  }
0xbb: {  	_ =	strace $0x9000004A  }
0xbc: {  	s0 =	stileid.u32;
	[bflag:$0x2] =	sbarrier.arrive $0xFFFF  }
0xbd: {  	p0 =	sne.s32 s0, $0x0;
	s0 =	rddreg [dreg:$0x2]  }
0xbe: {  	s0 =	sadd.s32 @!p0 $0x100000, s0  }
0xbf: {  	[sflag:s0] =	ssyncadd.tile.s32 @!p0 $0x1;
	_ =	shalt  }
.Lfunc_end2:
_tile_overlayer_lowered:
.L_overlay_start_2:
0xc0: {  	(tag) =	ssettag $0x2  }
0xc1: {  	s0 =	rddreg [dreg:$0x0];
	s2 =	stileid.u32  }
0xc2: {  	s1 =	rddreg [dreg:$0x1];
	p0 =	sne.s32 s2, $0x0  }
0xc3: {  	s3 =	rddreg [dreg:$0x2];
	[bflag:$0x3] =	sbarrier.arrive $0xFFFF;
	s2 =	simm.s32 @!p0 $0x1C0A  }
0xc4: {  	[timem:s3], [sflag:s2] =	dma.local @!p0 [hbm:s0], s1  }
0xc5: {  	s0 =	simm.s32 @!p0 $0xA  }
0xc6: {  	_ =	swait.ge @!p0 [sflag:s0], s1  }
0xc7: {  	s1 =	ssub.s32 @!p0 $0x0, s1;
	[sflag:s0] =	ssyncset.done @!p0 $0x0  }
0xc8: {  	[sflag:s0] =	ssyncadd.s32 @!p0 s1  }
0xc9: {  	[bflag:$0x3] =	sbarrier.arrive $0xFFFF  }
0xca: {  	_ =	shalt  }

// kernel: kernel.16.cloned.1.call-start
scs
__scs_entry_jumppad:
0x0: {  	(pc) =	sbr.rel $0x88, $3  }
0x1: {  	(tag) =	ssettag $0x0;
	lr =	simm.s32 $0x1  }
0x2: {  	[smem:$0x3F95] =	sst lr;
	_ =	strace $0xD0000000  }
0x3: {  	_ = 	snop  }
0x4: {  	_ = 	snop  }
0x5: {  	_ = 	snop  }
0x6: {  	_ = 	snop  }
0x7: {  	_ = 	snop  }
__scs_overlays_trampoline_lowered:
0x8: {  	[smem:$0x3FA4] =	sst s0  }
0x9: {  	[smem:$0x3FA5] =	sst s1  }
0xa: {  	[smem:$0x3FA6] =	sst s2  }
0xb: {  	[smem:$0x3FA7] =	sst s3  }
0xc: {  	[smem:$0x3FA8] =	sst s4  }
0xd: {  	[smem:$0x3FA9] =	sst s5  }
0xe: {  	[smem:$0x3FAA] =	sst s6  }
0xf: {  	[smem:$0x3FAB] =	sst s7  }
0x10: {  	[smem:$0x3FAC] =	sst s8  }
0x11: {  	[smem:$0x3FAD] =	sst s9;
	s0 =	simm.s32 @!p0 $0x0  }
0x12: {  	s1 =	sld [smem:$0x3F93];
	s0 =	simm.s32 @p0 $0x1  }
0x13: {  	[smem:$0x3FAE] =	sst s0;
	s0 =	simm.s32 @!p1 $0x0  }
0x14: {  	s2 =	sld [smem:$0x3F92];
	s0 =	simm.s32 @p1 $0x1  }
0x15: {  	[smem:$0x3FAF] =	sst s0;
	s0 =	simm.s32 @!p2 $0x0  }
0x16: {  	s3 =	sld [smem:$0x3FDB];
	s0 =	simm.s32 @p2 $0x1  }
0x17: {  	s4 =	simm.s32 $0x1BF5;
	[smem:$0x3FB1] =	sst s0  }
0x18: {  	s0 =	sld [smem:$0x3F94];
	_ =	swait.ge [sflag:s4], $0x0  }
0x19: {  	s7 =	sld [smem:$0x3F95]  }
0x1a: {  	s8 =	sadd.s32 $0xFFFFE003, lr  }
0x1b: {  	s9 =	sadd.s32 $0xFFFFFEF7, lr;
	s5 =	simm.s32 $0xFFFFFFFF;
	p2 =	slt.u32 s8, $0xFFFFF086  }
0x1c: {  	p1 =	slt.u32 s9, $0xF7A;
	s5 =	simm.s32 @!p2 $0x0  }
0x1d: {  	s5 =	simm.s32 @p1 $0x1;
	p0 =	seq.s32 s7, s2  }
0x1e: {  	s7 =	smul.u32 @!p0 $0xF7A, s2;
	p2 =	seq.s32 @!p0 s5, $0x0  }
0x1f: {  	s9 =	smul.u32 $0xF7A, s1;
	s8 =	simm.s32 @!p0 $0x1BF5;
	p2 =	por !p2, p0  }
0x20: {  	[sflag:s8] =	ssyncset.s32 @!p0 $0xFFFFF086;
	s6 =	sadd.s32 @!p0 s3, s7;
	s7 =	simm.s32 @!p0 $0x108  }
0x21: {  	s3 =	sadd.s32 s3, s9;
	s6 =	sadd.s32 @!p0 $0x88, s6;
	s7 =	simm.s32 @p2 $0x1082  }
0x22: {  	[simem:s7], [sflag:s8] =	dma.local @!p0 [hbm:s6], $0xF7A  }
0x23: {  	s9 =	sor.u32 $0xD0000000, s2;
	s6 =	simm.s32 $0x108;
	_ =	swait.ge @!p0 [sflag:s8], $0x0  }
0x24: {  	s3 =	sadd.s32 $0x88, s3;
	s6 =	simm.s32 @!p1 $0x1082;
	[sflag:s4] =	ssyncset.s32 $0xFFFFF086  }
0x25: {  	[simem:s6], [sflag:s4] =	dma.local [hbm:s3], $0xF7A  }
0x26: {  	[smem:$0x3F95] =	sst s1;
	(tag) =	ssettag s2;
	_ =	strace s9  }
0x27: {  	s1 =	sld [smem:$0x3FA5]  }
0x28: {  	s2 =	sld [smem:$0x3FA6]  }
0x29: {  	s4 =	sld [smem:$0x3FA8]  }
0x2a: {  	p0 =	seq.s32 s5, $0x0;
	s5 =	sld [smem:$0x3FA9]  }
0x2b: {  	s6 =	sld [smem:$0x3FAA]  }
0x2c: {  	s7 =	sld [smem:$0x3FAB]  }
0x2d: {  	s3 =	simm.s32 $0x108;
	s8 =	sld [smem:$0x3FAC]  }
0x2e: {  	s3 =	simm.s32 @!p0 $0x1082;
	s9 =	sld [smem:$0x3FAD]  }
0x2f: {  	lr =	sadd.s32 s0, s3;
	s0 =	sld [smem:$0x3FA4]  }
0x30: {  	s3 =	sld [smem:$0x3FA7]  }
0x31: {  	[smem:$0x3FB0] =	sst s10  }
0x32: {  	s10 =	sld [smem:$0x3FAE];
	_ =	sdelay $0x3  }
0x33: {  	p0 =	seq.s32 s10, $0x1;
	s10 =	sld [smem:$0x3FB0];
	_ =	sdelay $0x3  }
0x34: {  	[smem:$0x3FB0] =	sst s10  }
0x35: {  	s10 =	sld [smem:$0x3FAF];
	_ =	sdelay $0x3  }
0x36: {  	p1 =	seq.s32 s10, $0x1;
	s10 =	sld [smem:$0x3FB0];
	_ =	sdelay $0x3  }
0x37: {  	[smem:$0x3FB0] =	sst s10  }
0x38: {  	s10 =	sld [smem:$0x3FB1]  }
0x39: {  	_ = 	snop;
	(pc) =	sbr.ind lr, $3  }
0x3a: {  	_ = 	snop  }
0x3b: {  	_ = 	snop  }
0x3c: {  	p2 =	seq.s32 s10, $0x1;
	s10 =	sld [smem:$0x3FB0]  }
0x3d: {  	_ =	shalt  }
0x3e: {  	_ =	shalt  }
0x3f: {  	_ =	shalt  }
0x40: {  	_ =	shalt  }
0x41: {  	_ =	shalt  }
0x42: {  	_ =	shalt  }
0x43: {  	_ =	shalt  }
0x44: {  	_ =	shalt  }
0x45: {  	_ =	shalt  }
0x46: {  	_ =	shalt  }
0x47: {  	_ =	shalt  }
0x48: {  	_ =	shalt  }
0x49: {  	_ =	shalt  }
0x4a: {  	_ =	shalt  }
0x4b: {  	_ =	shalt  }
0x4c: {  	_ =	shalt  }
0x4d: {  	_ =	shalt  }
0x4e: {  	_ =	shalt  }
0x4f: {  	_ =	shalt  }
0x50: {  	_ =	shalt  }
0x51: {  	_ =	shalt  }
0x52: {  	_ =	shalt  }
0x53: {  	_ =	shalt  }
0x54: {  	_ =	shalt  }
0x55: {  	_ =	shalt  }
0x56: {  	_ =	shalt  }
0x57: {  	_ =	shalt  }
0x58: {  	_ =	shalt  }
0x59: {  	_ =	shalt  }
0x5a: {  	_ =	shalt  }
0x5b: {  	_ =	shalt  }
0x5c: {  	_ =	shalt  }
0x5d: {  	_ =	shalt  }
0x5e: {  	_ =	shalt  }
0x5f: {  	_ =	shalt  }
0x60: {  	_ =	shalt  }
0x61: {  	_ =	shalt  }
0x62: {  	_ =	shalt  }
0x63: {  	_ =	shalt  }
0x64: {  	_ =	shalt  }
0x65: {  	_ =	shalt  }
0x66: {  	_ =	shalt  }
0x67: {  	_ =	shalt  }
0x68: {  	_ =	shalt  }
0x69: {  	_ =	shalt  }
0x6a: {  	_ =	shalt  }
0x6b: {  	_ =	shalt  }
0x6c: {  	_ =	shalt  }
0x6d: {  	_ =	shalt  }
0x6e: {  	_ =	shalt  }
0x6f: {  	_ =	shalt  }
0x70: {  	_ =	shalt  }
0x71: {  	_ =	shalt  }
0x72: {  	_ =	shalt  }
0x73: {  	_ =	shalt  }
0x74: {  	_ =	shalt  }
0x75: {  	_ =	shalt  }
0x76: {  	_ =	shalt  }
0x77: {  	_ =	shalt  }
0x78: {  	_ =	shalt  }
0x79: {  	_ =	shalt  }
0x7a: {  	_ =	shalt  }
0x7b: {  	_ =	shalt  }
0x7c: {  	_ =	shalt  }
0x7d: {  	_ =	shalt  }
0x7e: {  	_ =	shalt  }
0x7f: {  	_ =	shalt  }
0x80: {  	_ =	shalt  }
0x81: {  	_ =	shalt  }
0x82: {  	_ =	shalt  }
0x83: {  	_ =	shalt  }
0x84: {  	_ =	shalt  }
0x85: {  	_ =	shalt  }
0x86: {  	_ =	shalt  }
0x87: {  	_ =	shalt  }
.Lfunc_end0:
.L_simem_size_0:
called_computation.2_lowered:
.L_overlay_start_0:
0x88: {  	s2 =	sld [smem:$0x3FD9]  }
0x89: {  	s3 =	sld [smem:$0x3FFE];
	_ =	sdelay $0x1  }
0x8a: {  	s1 =	srdreg.scid  }
0x8b: {  	s0 =	sand.u32 $0x1, s1  }
0x8c: {  	s16 =	sshll.u32 s0, $0xA;
	s2 =	sadd.s32 s3, s2  }
0x8d: {  	s2 =	sadd.s32 s2, s16  }
0x8e: {  	[smem:$0x3FBC] =	sst s2  }
0x8f: {  	_ = 	snop  }
0x90: {  	(tm) =	ssettm $0x1  }
0x91: {  	s17 =	sld [smem:$0x3FFB];
	_ =	sdelay $0x3  }
0x92: {  	_ =	strace s17  }
0x93: {  	s2 =	sld [smem:$0x3FFC];
	_ =	sdelay $0x3  }
0x94: {  	_ =	strace s2  }
0x95: {  	s2 =	sld [smem:$0x3FFD];
	_ =	sdelay $0x3  }
0x96: {  	_ =	strace s2  }
0x97: {  	_ =	strace $0x8FFFFFFF  }
0x98: {  	s18 =	sld [smem:$0x3FDB];
	_ =	sdelay $0x1  }
0x99: {  	s19 =	simm.s32 $_scs_section_size  }
0x9a: {  	s4 =	simm.s32 $_size__tile_overlayer_lowered;
	s5 =	simm.s32 $_tile_overlayer_lowered  }
0x9b: {  	s22 =	simm.s32 $0x1BFF;
	s21 =	sshll.u32 s5, $0x1;
	s2 =	sadd.s32 s19, s18  }
0x9c: {  	s6 =	simm.s32 $0x0;
	s20 =	sshll.u32 s4, $0x1;
	s4 =	sadd.s32 s21, s2  }
0x9d: {  	[timem:s6], [sflag:s22] =	dma.local [hbm:s4], s20  }
0x9e: {  	_ =	swait.ge [sflag:s22], s20  }
0x9f: {  	s3 =	ssub.s32 $0x0, s20;
	[sflag:s22] =	ssyncset.done $0x0  }
0xa0: {  	[sflag:s22] =	ssyncadd.s32 s3;
	_ =	sdelay $0x1  }
0xa1: {  	s23 =	simm.s32 $0x1B8B  }
0xa2: {  	_ =	swait.ge [sflag:s23], $0x1  }
0xa3: {  	[sflag:s23] =	ssyncset.done $0x0  }
0xa4: {  	s25 =	simm.s32 $0x1B8E;
	s24 =	sld [smem:$0x3FFE];
	[sflag:s23] =	ssyncadd.s32 $0xFFFFFFFF  }
0xa5: {  	s26 =	simm.s32 $execute0_lowered;
	[smem:$0x3FD2] =	sst s25  }
0xa6: {  	s4 =	sshll.u32 s26, $0x1;
	_ =	strace $0x8000004C;
	[dreg:$0x1] =	wrdreg $0xFFFFFFFF  }
0xa7: {  	s28 =	simm.s32 $_size_execute0_lowered;
	s2 =	sadd.s32 s2, s4;
	[dreg:$0x0] =	wrdreg $0x0  }
0xa8: {  	s4 =	sshll.u32 s28, $0x1;
	[dreg:$0x2] =	wrdreg s2  }
0xa9: {  	[dreg:$0x3] =	wrdreg s4  }
0xaa: {  	[dreg:$0x4] =	wrdreg $0xC0  }
0xab: {  	_ =	task [dreg:s6], $0x5FFFF  }
0xac: {  	[dreg:$0x1] =	wrdreg $0xFFFFFFFF  }
0xad: {  	[dreg:$0x0] =	wrdreg $0x60  }
0xae: {  	[dreg:$0x2] =	wrdreg s24  }
0xaf: {  	[dreg:$0x3] =	wrdreg $0xC3000  }
0xb0: {  	[dreg:$0x4] =	wrdreg $0x9  }
0xb1: {  	_ =	task.clear_ibuf [dreg:s6], $0x5FFFF;
	_ =	strace $0x9000004C  }
0xb2: {  	s29 =	simm.s32 $0x9;
	_ =	strace $0x8000004E  }
0xb3: {  	_ =	swait.ge [sflag:s29], $0x1  }
0xb4: {  	[sflag:s29] =	ssyncadd.s32 $0xFFFFFFFF  }
0xb5: {  	_ =	strace $0x9000004E  }
0xb6: {  	_ =	sfence  }
0xb7: {  	s30 =	sld [smem:$0x0];
	_ =	sdelay $0x2  }
0xb8: {  	s31 =	sshll.u32 s1, $0xD;
	s1 =	sshrl.u32 s1, $0x2  }
0xb9: {  	s3 =	sand.u32 $0x4000, s31;
	s1 =	sadd.s32 s1, s30  }
0xba: {  	s0 =	sor.u32 s3, s0;
	s1 =	sshll.u32 s1, $0x11  }
0xbb: {  	s0 =	sor.u32 s1, s0  }
0xbc: {  	s0 =	sadd.s32 $0x8F2B, s0  }
0xbd: {  	[sflag:s0] =	ssyncadd.remote.s32 $0x1  }
0xbe: {  	_ =	sfence.sel $0xFFFF  }
0xbf: {  	[dreg:$0x0] =	wrdreg $0xFFFFFFFF;
	(pc) =	sbr.abs _section_cstart, $3  }
0xc0: {  	[dreg:$0x1] =	wrdreg $0xFFFFFFFF  }
0xc1: {  	_ =	task.clear_ibuf [dreg:s6], $0x2FFFF;
	_ =	strace $0x9FFFFFFF  }
0xc2: {  	(tm) =	ssettm $0x7FFFFFFF  }
0xc3: {  	_ =	shalt  }
tec
execute0_lowered:
.L_overlay_start_1:
0x0: {  	(tag) =	ssettag $0x1  }
0x1: {  	s2 =	rddreg [dreg:$0x0]  }
0x2: {  	s1 =	rddreg [dreg:$0x1];
	s0 =	simm.s32 $0x0  }
0x3: {  	s3 =	srdreg.scid;
	s13 =	stileid.u32;
	s28 =	simm.s32 $0x280  }
0x4: {  	s29 =	simm.s32 $0x1;
	s30 =	simm.s32 $0x2;
	s31 =	simm.s32 $0x4300  }
0x5: {  	[smem:$0x7FF] =	sst s0;
	s4 =	sadd.s32 $0x17000, s2;
	s6 =	smul.u32 $0x4F000, s13  }
0x6: {  	s0 =	sadd.s32 $0xD200, s2;
	s7 =	sadd.s32 $0x3400, s2;
	s23 =	smul.u32 $0x13C00, s13  }
0x7: {  	s3 =	sand.u32 $0x1, s3;
	s2 =	sadd.s32 $0x3E200, s2;
	s26 =	smul.u32 $0x2800, s13  }
0x8: {  	_ =	strace $0x8000004D;
	s5 =	ssub.s32 $0x2, s3;
	s22 =	smul.u32 $0x138800, s3  }
0x9: {  	s8 =	sshll.u32 s3, $0x4;
	s3 =	smul.u32 $0x28000, s3;
	s9 =	sshrl.u32 s5, $0x1  }
0xa: {  	s8 =	sor.u32 s13, s8;
	s17 =	sshrl.u32 s6, $0x2;
	s6 =	simm.s32 $0x14  }
0xb: {  	s9 =	ssub.s32 s5, s9;
	s10 =	smul.u32 $0x2800, s8;
	s5 =	sadd.s32 s17, s1  }
0xc: {  	p0 =	seq.s32 s8, $0x1F;
	s24 =	sadd.s32 s23, s22;
	s25 =	sshrl.u32 s22, $0x3  }
0xd: {  	s18 =	sadd.s32 $0x10000, s5;
	s6 =	simm.s32 @!p0 $0x50;
	s23 =	smax.u32 s9, $0x1  }
0xe: {  	p0 =	seq.s32 s13, $0xF;
	[dreg:$0xc] =	wrdreg s18;
	s19 =	sshrl.u32 s10, $0x3  }
0xf: {  	s9 =	simm.s32 $0x0;
	[dreg:$0x15] =	wrdreg s23;
	s10 =	sadd.s32 s0, s19  }
0x10: {  	s20 =	sor.u32 $0x10, s19;
	s12 =	sadd.s32 s7, s19;
	[dreg:$0xd] =	wrdreg s10  }
0x11: {  	s11 =	smul.u32 $0x56, s6;
	[dreg:$0xe] =	wrdreg s12;
	s21 =	sadd.s32 s0, s20  }
0x12: {  	s8 =	sor.u32 $0x20, s19;
	s10 =	sadd.s32 s7, s20;
	[dreg:$0xf] =	wrdreg s21  }
0x13: {  	s23 =	simm.s32 $0x80;
	s14 =	sadd.s32 s0, s8;
	[dreg:$0x10] =	wrdreg s10  }
0x14: {  	s8 =	sadd.s32 s7, s8;
	s11 =	sshrl.u32 s11, $0x8;
	[dreg:$0x11] =	wrdreg s14  }
0x15: {  	s12 =	sadd.s32 s26, s3;
	s26 =	simm.s32 $0x8300;
	[dreg:$0x12] =	wrdreg s8  }
0x16: {  	s8 =	sshrl.u32 s24, $0x3;
	s10 =	sadd.s32 s2, s25;
	s14 =	sadd.s32 $0xFFFFFFFE, s6  }
0x17: {  	s15 =	smul.u32 $0x30, s11;
	s16 =	sor.u32 $0x280, s12;
	[dreg:$0xb] =	wrdreg s26  }
0x18: {  	s11 =	sadd.s32 $0x128400, s1;
	s25 =	sadd.s32 $0x4000, s5;
	[dreg:$0x3] =	wrdreg s14  }
0x19: {  	s19 =	sor.u32 $0x200, s12;
	s2 =	sadd.s32 s2, s8;
	[dreg:$0x16] =	wrdreg s25  }
0x1a: {  	s26 =	simm.s32 $0x8;
	s10 =	sadd.s32 $0x25080, s10;
	[dreg:$0x13] =	wrdreg s2  }
0x1b: {  	s17 =	sshrl.u32 s16, $0x3;
	s20 =	sshrl.u32 s19, $0x3;
	[dreg:$0x14] =	wrdreg s10  }
0x1c: {  	s19 =	sadd.s32 $0xC000, s5;
	[dreg:$0x4] =	wrdreg s15;
	s18 =	sadd.s32 s17, s7  }
0x1d: {  	s25 =	sshrl.u32 @p0 s11, $0x3;
	s3 =	sadd.s32 s17, s0;
	[dreg:$0x5] =	wrdreg s18  }
0x1e: {  	s8 =	simm.s32 $0x6;
	s21 =	sadd.s32 s20, s7;
	[dreg:$0x6] =	wrdreg s3  }
0x1f: {  	s2 =	sor.u32 $0x180, s12;
	s22 =	sadd.s32 s20, s0;
	[dreg:$0x7] =	wrdreg s21  }
0x20: {  	s20 =	simm.s32 $0x300;
	s2 =	sshrl.u32 s2, $0x3;
	[dreg:$0x8] =	wrdreg s22  }
0x21: {  	s18 =	sadd.s32 $0x8000, s5;
	s21 =	simm.s32 $0xA;
	s22 =	simm.s32 $0x180  }
0x22: {  	s3 =	simm.s32 $0x4;
	s24 =	sadd.s32 s2, s7;
	s0 =	sadd.s32 s2, s0  }
0x23: {  	s2 =	simm.s32 $0x5;
	s7 =	simm.s32 $0x9;
	[dreg:$0x9] =	wrdreg s24  }
0x24: {  	v0 =	vimm.f32 $0.0e+00;
	[dreg:$0xa] =	wrdreg s0;
	s24 =	simm.s32 $0x200;
	s0 =	simm.s32 $0x7  }
.LBB2_1:
0x25: {  	s11 =	simm.s32 $0x0  }
0x26: {  	s10 =	sand.u32 $0xFE00, s11  }
0x27: {  	s11 =	sand.u32 $0x70, s11;
	s12 =	sshrl.u32 s10, $0x2  }
0x28: {  	s10 =	simm.s32 $0x40;
	s12 =	sor.u32 s11, s12;
	s11 =	simm.s32 $0x0  }
.LBB2_2:
0x29: {  	p1 =	sne.s32 s10, $0xFFC0  }
0x2a: {  	[tilespmem:s12+$0x300] =	vst v0;
	s11 =	sadd.s32 $0x10, s11;
	s12 =	smov.u32 s10;
	s10 =	sadd.s32 $0x40, s10  }
.Ltmp0:
0x2b: {  	(pc) =	sbr.rel @p1 .LBB2_2-.Ltmp0, $4  }
0x2c: {  	_ = 	snop  }
0x2d: {  	s12 =	sand.u32 $0xFE00, s12  }
0x2e: {  	s13 =	sand.u32 $0x70, s11;
	s12 =	sshrl.u32 s12, $0x2  }
0x2f: {  	s12 =	sor.u32 s13, s12  }
0x30: {  	[tilespmem:s12+$0x300] =	vst v0  }
0x31: {  	[spmem:s5] =	stream.linear.scatter [tilespmem:s20], [sflag:$0xA], $0x4000, $0x38;
	[tilespmem:$0x1FF00] =	vst v63  }
0x32: {  	_ =	swait.ge [sflag:s21], $0x4000  }
0x33: {  	[sflag:s21] =	ssyncset.done $0x0  }
0x34: {  	s10 =	rddreg [dreg:$0x16];
	[sflag:s21] =	ssyncadd.s32 $0xFFFFC000  }
0x35: {  	[spmem:s10] =	stream.linear.scatter [tilespmem:s20], [sflag:$0xA], $0x4000, $0x38;
	[tilespmem:$0x1FF00] =	vst v63  }
0x36: {  	_ =	swait.ge [sflag:s21], $0x4000  }
0x37: {  	[sflag:s21] =	ssyncset.done $0x0  }
0x38: {  	[sflag:s21] =	ssyncadd.s32 $0xFFFFC000  }
0x39: {  	[spmem:s18] =	stream.linear.scatter [tilespmem:s20], [sflag:$0xA], $0x4000, $0x38;
	[tilespmem:$0x1FF00] =	vst v63  }
0x3a: {  	_ =	swait.ge [sflag:s21], $0x4000  }
0x3b: {  	[sflag:s21] =	ssyncset.done $0x0  }
0x3c: {  	[sflag:s21] =	ssyncadd.s32 $0xFFFFC000  }
0x3d: {  	[spmem:s19] =	stream.linear.scatter [tilespmem:s20], [sflag:$0xA], $0x4000, $0x38;
	[tilespmem:$0x1FF00] =	vst v63  }
0x3e: {  	_ =	swait.ge [sflag:s21], $0x4000  }
0x3f: {  	[sflag:s21] =	ssyncset.done $0x0  }
0x40: {  	s16 =	rddreg [dreg:$0xc];
	[sflag:s21] =	ssyncadd.s32 $0xFFFFC000  }
0x41: {  	[spmem:s16] =	stream.linear.scatter [tilespmem:s20], [sflag:$0xA], $0x3C00, $0x38;
	[tilespmem:$0x1FF00] =	vst v63  }
0x42: {  	_ =	swait.ge [sflag:s21], $0x3C00  }
0x43: {  	[sflag:s21] =	ssyncset.done $0x0  }
0x44: {  	[sflag:s21] =	ssyncadd.s32 $0xFFFFC400  }
0x45: {  	[bflag:$0x0] =	sbarrier.arrive $0xFFFF  }
0x46: {  	s11 =	simm.s32 $0x0;
	s17 =	rddreg [dreg:$0xd]  }
0x47: {  	[tilespmem:s11], [sflag:$0x1] =	stream.linear.gather [hbm4b:s17+s11], $0x80, $0x38;
	[tilespmem:$0x1FF00] =	vst v63  }
0x48: {  	s12 =	rddreg [dreg:$0xe]  }
0x49: {  	[tilespmem:s22], [sflag:$0x4] =	stream.linear.gather [hbm4b:s12+s11], $0x80, $0x38;
	[tilespmem:$0x1FF00] =	vst v63  }
0x4a: {  	s13 =	rddreg [dreg:$0xf]  }
0x4b: {  	[tilespmem:s23], [sflag:$0x2] =	stream.linear.gather [hbm4b:s13+s11], $0x80, $0x38;
	[tilespmem:$0x1FF00] =	vst v63  }
0x4c: {  	s14 =	rddreg [dreg:$0x10]  }
0x4d: {  	[tilespmem:s24], [sflag:$0x5] =	stream.linear.gather [hbm4b:s14+s11], $0x80, $0x38;
	[tilespmem:$0x1FF00] =	vst v63  }
0x4e: {  	s16 =	simm.s32 $0x100;
	s15 =	rddreg [dreg:$0x11]  }
0x4f: {  	[tilespmem:s16], [sflag:$0x3] =	stream.linear.gather [hbm4b:s15+s11], $0x80, $0x38;
	[tilespmem:$0x1FF00] =	vst v63  }
0x50: {  	s17 =	rddreg [dreg:$0x12]  }
0x51: {  	[tilespmem:s28], [sflag:$0x6] =	stream.linear.gather [hbm4b:s17+s11], $0x80, $0x38;
	[tilespmem:$0x1FF00] =	vst v63  }
0x52: {  	_ =	swait.ge [sflag:s29], $0x80  }
0x53: {  	[sflag:s29] =	ssyncset.done $0x0  }
0x54: {  	[sflag:s29] =	ssyncadd.s32 $0xFFFFFF80  }
0x55: {  	[tilespmem:s20], [sflag:$0x7] =	stream.indirect.gather [hbm4b:s4+s23], $0x80, s11, s23, $0xb8;
	[tilespmem:$0x1FF00] =	vst v63  }
0x56: {  	_ =	swait.ge [sflag:s30], $0x80  }
0x57: {  	[sflag:s30] =	ssyncset.done $0x0  }
0x58: {  	s10 =	simm.s32 $0x0;
	[sflag:s30] =	ssyncadd.s32 $0xFFFFFF80  }
0x59: {  	[tilespmem:s31], [sflag:$0x8] =	stream.indirect.gather [hbm4b:s4+s23], $0x80, s23, s23, $0xb8;
	[tilespmem:$0x1FF00] =	vst v63  }
.LBB2_4:
0x5a: {  	_ =	swait.ge [sflag:s0], $0x4000  }
0x5b: {  	[sflag:s0] =	ssyncset.done $0x0  }
0x5c: {  	[sflag:s0] =	ssyncadd.s32 $0xFFFFC000  }
0x5d: {  	_ =	swait.ge [sflag:s3], $0x80  }
0x5e: {  	[sflag:s3] =	ssyncset.done $0x0  }
0x5f: {  	[sflag:s3] =	ssyncadd.s32 $0xFFFFFF80  }
0x60: {  	[spmem:s1] =	stream.indirect.scatter.add.f32 [tilespmem:s20], [sflag:$0xA], $0x80, s22, s23, $0xb8;
	[tilespmem:$0x1FF00] =	vst v63  }
0x61: {  	_ =	swait.ge [sflag:s21], $0x4000  }
0x62: {  	s12 =	sadd.s32 $0x3, s11;
	s13 =	rddreg [dreg:$0xa]  }
0x63: {  	p1 =	sge.u32 s12, s6;
	s15 =	rddreg [dreg:$0x9]  }
0x64: {  	s14 =	simm.s32 @!p1 $0x0;
	[sflag:s21] =	ssyncset.done $0x0;
	s17 =	rddreg [dreg:$0x3]  }
0x65: {  	[sflag:s21] =	ssyncadd.s32 $0xFFFFC000;
	s13 =	sadd.s32 @!p1 s10, s13;
	p2 =	sge.u32 s11, s17  }
0x66: {  	[tilespmem:s14], [sflag:$0x1] =	stream.linear.gather @!p1 [hbm4b:s13+s14], $0x80, $0x38;
	[tilespmem:$0x1FF00] =	vst v63  }
0x67: {  	s16 =	simm.s32 @!p1 $0x180;
	s15 =	sadd.s32 @!p1 s10, s15;
	s13 =	simm.s32 @!p2 $0x3  }
0x68: {  	[tilespmem:s16], [sflag:$0x4] =	stream.linear.gather @!p1 [hbm4b:s15+s14], $0x80, $0x38;
	[tilespmem:$0x1FF00] =	vst v63  }
0x69: {  	_ =	swait.ge @!p2 [sflag:s13], $0x80  }
0x6a: {  	s15 =	simm.s32 @!p2 $0x100;
	[sflag:s13] =	ssyncset.done @!p2 $0x0  }
0x6b: {  	s16 =	simm.s32 @!p2 $0x8300;
	[sflag:s13] =	ssyncadd.s32 @!p2 $0xFFFFFF80;
	s13 =	simm.s32 @!p2 $0x80  }
0x6c: {  	[tilespmem:s16], [sflag:$0x9] =	stream.indirect.gather @!p2 [hbm4b:s4+s13], $0x80, s15, s13, $0xb8;
	[tilespmem:$0x1FF00] =	vst v63  }
0x6d: {  	_ =	swait.ge [sflag:s26], $0x4000  }
0x6e: {  	[sflag:s26] =	ssyncset.done $0x0  }
0x6f: {  	[sflag:s26] =	ssyncadd.s32 $0xFFFFC000  }
0x70: {  	_ =	swait.ge [sflag:s2], $0x80  }
0x71: {  	s17 =	sadd.s32 $0x4, s11;
	[sflag:s2] =	ssyncset.done $0x0  }
0x72: {  	p2 =	sge.u32 s17, s6;
	[sflag:s2] =	ssyncadd.s32 $0xFFFFFF80  }
0x73: {  	[spmem:s1] =	stream.indirect.scatter.add.f32 [tilespmem:s31], [sflag:$0xA], $0x80, s24, s23, $0xb8;
	[tilespmem:$0x1FF00] =	vst v63  }
0x74: {  	s16 =	simm.s32 @!p2 $0x0;
	_ =	swait.ge [sflag:s21], $0x4000  }
0x75: {  	s17 =	simm.s32 @!p2 $0x80;
	s13 =	rddreg [dreg:$0x8];
	[sflag:s21] =	ssyncset.done $0x0  }
0x76: {  	s15 =	rddreg [dreg:$0x7];
	[sflag:s21] =	ssyncadd.s32 $0xFFFFC000;
	s13 =	sadd.s32 @!p2 s10, s13  }
0x77: {  	[tilespmem:s17], [sflag:$0x2] =	stream.linear.gather @!p2 [hbm4b:s13+s16], $0x80, $0x38;
	[tilespmem:$0x1FF00] =	vst v63  }
0x78: {  	s13 =	sadd.s32 @!p2 s10, s15;
	s15 =	simm.s32 @!p2 $0x200  }
0x79: {  	[tilespmem:s15], [sflag:$0x5] =	stream.linear.gather @!p2 [hbm4b:s13+s16], $0x80, $0x38;
	[tilespmem:$0x1FF00] =	vst v63  }
0x7a: {  	s13 =	simm.s32 @!p1 $0x1  }
0x7b: {  	_ =	swait.ge @!p1 [sflag:s13], $0x80  }
0x7c: {  	[sflag:s13] =	ssyncset.done @!p1 $0x0  }
0x7d: {  	s15 =	simm.s32 @!p1 $0x300;
	[sflag:s13] =	ssyncadd.s32 @!p1 $0xFFFFFF80;
	s13 =	simm.s32 @!p1 $0x80  }
0x7e: {  	[tilespmem:s15], [sflag:$0x7] =	stream.indirect.gather @!p1 [hbm4b:s4+s13], $0x80, s14, s13, $0xb8;
	[tilespmem:$0x1FF00] =	vst v63  }
0x7f: {  	_ =	swait.ge [sflag:s7], $0x4000  }
0x80: {  	[sflag:s7] =	ssyncset.done $0x0  }
0x81: {  	[sflag:s7] =	ssyncadd.s32 $0xFFFFC000  }
0x82: {  	_ =	swait.ge [sflag:s8], $0x80  }
0x83: {  	s15 =	sadd.s32 $0x5, s11;
	[sflag:s8] =	ssyncset.done $0x0  }
0x84: {  	p1 =	sge.u32 s15, s6;
	s14 =	rddreg [dreg:$0xb];
	[sflag:s8] =	ssyncadd.s32 $0xFFFFFF80  }
0x85: {  	[spmem:s1] =	stream.indirect.scatter.add.f32 [tilespmem:s14], [sflag:$0xA], $0x80, s28, s23, $0xb8;
	[tilespmem:$0x1FF00] =	vst v63  }
0x86: {  	s15 =	simm.s32 @!p1 $0x100;
	_ =	swait.ge [sflag:s21], $0x4000  }
0x87: {  	s14 =	simm.s32 @!p1 $0x0;
	s13 =	rddreg [dreg:$0x6];
	[sflag:s21] =	ssyncset.done $0x0  }
0x88: {  	s11 =	rddreg [dreg:$0x5];
	[sflag:s21] =	ssyncadd.s32 $0xFFFFC000;
	s13 =	sadd.s32 @!p1 s10, s13  }
0x89: {  	[tilespmem:s15], [sflag:$0x3] =	stream.linear.gather @!p1 [hbm4b:s13+s14], $0x80, $0x38;
	[tilespmem:$0x1FF00] =	vst v63  }
0x8a: {  	s11 =	sadd.s32 @!p1 s10, s11;
	s13 =	simm.s32 @!p1 $0x280  }
0x8b: {  	[tilespmem:s13], [sflag:$0x6] =	stream.linear.gather @!p1 [hbm4b:s11+s14], $0x80, $0x38;
	[tilespmem:$0x1FF00] =	vst v63  }
0x8c: {  	s11 =	simm.s32 @!p2 $0x2  }
0x8d: {  	_ =	swait.ge @!p2 [sflag:s11], $0x80  }
0x8e: {  	s10 =	sadd.s32 $0x30, s10;
	s16 =	rddreg [dreg:$0x4]  }
0x8f: {  	p1 =	sne.s32 s16, s10  }
.Ltmp1:
0x90: {  	_ = 	snop;
	(pc) =	sbr.rel @p1 .LBB2_4-.Ltmp1, $4  }
0x91: {  	[sflag:s11] =	ssyncset.done @!p2 $0x0  }
0x92: {  	[sflag:s11] =	ssyncadd.s32 @!p2 $0xFFFFFF80;
	s11 =	simm.s32 @!p2 $0x4300  }
0x93: {  	[tilespmem:s11], [sflag:$0x8] =	stream.indirect.gather @!p2 [hbm4b:s4+s17], $0x80, s17, s17, $0xb8;
	[tilespmem:$0x1FF00] =	vst v63  }
0x94: {  	s11 =	smov.u32 s12  }
0x95: {  	_ =	swait.ge [sflag:s0], $0x4000  }
0x96: {  	[sflag:s0] =	ssyncset.done $0x0  }
0x97: {  	[sflag:s0] =	ssyncadd.s32 $0xFFFFC000  }
0x98: {  	_ =	swait.ge [sflag:s3], $0x80  }
0x99: {  	[sflag:s3] =	ssyncset.done $0x0  }
0x9a: {  	[sflag:s3] =	ssyncadd.s32 $0xFFFFFF80  }
0x9b: {  	[spmem:s1] =	stream.indirect.scatter.add.f32 [tilespmem:s20], [sflag:$0xA], $0x80, s22, s23, $0xb8;
	[tilespmem:$0x1FF00] =	vst v63  }
0x9c: {  	_ =	swait.ge [sflag:s21], $0x4000  }
0x9d: {  	[sflag:s21] =	ssyncset.done $0x0  }
0x9e: {  	[sflag:s21] =	ssyncadd.s32 $0xFFFFC000  }
0x9f: {  	_ =	swait.ge [sflag:s26], $0x4000  }
0xa0: {  	[sflag:s26] =	ssyncset.done $0x0  }
0xa1: {  	[sflag:s26] =	ssyncadd.s32 $0xFFFFC000  }
0xa2: {  	_ =	swait.ge [sflag:s2], $0x80  }
0xa3: {  	[sflag:s2] =	ssyncset.done $0x0  }
0xa4: {  	[sflag:s2] =	ssyncadd.s32 $0xFFFFFF80  }
0xa5: {  	[spmem:s1] =	stream.indirect.scatter.add.f32 [tilespmem:s31], [sflag:$0xA], $0x80, s24, s23, $0xb8;
	[tilespmem:$0x1FF00] =	vst v63  }
0xa6: {  	_ =	swait.ge [sflag:s21], $0x4000  }
0xa7: {  	[sflag:s21] =	ssyncset.done $0x0  }
0xa8: {  	[sflag:s21] =	ssyncadd.s32 $0xFFFFC000  }
0xa9: {  	[bflag:$0x0] =	sbarrier.arrive $0xFFFF  }
0xaa: {  	s10 =	simm.s32 @p0 $0x1FCA;
	s11 =	rddreg [dreg:$0x14]  }
0xab: {  	[hbm:s11], [sflag:s10] =	dma.local @p0 [spmem:s25], $0x2080  }
0xac: {  	s10 =	simm.s32 @p0 $0xA  }
0xad: {  	s11 =	stileid.u32;
	_ =	swait.ge @p0 [sflag:s10], $0x2080  }
0xae: {  	s11 =	sshll.u32 @!p0 s11, $0x6;
	[sflag:s10] =	ssyncset.done @p0 $0x0;
	s12 =	rddreg [dreg:$0x13]  }
0xaf: {  	[sflag:s10] =	ssyncadd.s32 @p0 $0xFFFFDF80;
	s10 =	sor.u32 @!p0 $0x1C0A, s11;
	s11 =	sshrl.u32 @!p0 s5, $0x3  }
0xb0: {  	[hbm:s12], [sflag:s10] =	dma.local @!p0 [spmem:s11], $0x2780  }
0xb1: {  	s10 =	simm.s32 @!p0 $0xA  }
0xb2: {  	_ =	swait.ge @!p0 [sflag:s10], $0x2780  }
0xb3: {  	s9 =	sadd.s32 $0x1, s9;
	s17 =	rddreg [dreg:$0x15]  }
0xb4: {  	p1 =	sne.s32 s9, s17  }
.Ltmp2:
0xb5: {  	_ = 	snop;
	(pc) =	sbr.rel @p1 .LBB2_1-.Ltmp2, $3  }
0xb6: {  	_ =	sdelay $0x1  }
0xb7: {  	[sflag:s10] =	ssyncset.done @!p0 $0x0  }
0xb8: {  	[sflag:s10] =	ssyncadd.s32 @!p0 $0xFFFFD880  }
0xb9: {  	_ =	sfence.sel $0x180000  }
0xba: {  	[bflag:$0x0] =	sbarrier.arrive $0xFFFF  }
0xbb: {  	_ =	strace $0x9000004D  }
0xbc: {  	s0 =	stileid.u32;
	[bflag:$0x2] =	sbarrier.arrive $0xFFFF  }
0xbd: {  	p0 =	sne.s32 s0, $0x0;
	s0 =	rddreg [dreg:$0x2]  }
0xbe: {  	s0 =	sadd.s32 @!p0 $0x100000, s0  }
0xbf: {  	[sflag:s0] =	ssyncadd.tile.s32 @!p0 $0x1;
	_ =	shalt  }
.Lfunc_end2:
_tile_overlayer_lowered:
.L_overlay_start_2:
0xc0: {  	(tag) =	ssettag $0x2  }
0xc1: {  	s0 =	rddreg [dreg:$0x0];
	s2 =	stileid.u32  }
0xc2: {  	s1 =	rddreg [dreg:$0x1];
	p0 =	sne.s32 s2, $0x0  }
0xc3: {  	s3 =	rddreg [dreg:$0x2];
	[bflag:$0x3] =	sbarrier.arrive $0xFFFF;
	s2 =	simm.s32 @!p0 $0x1C0A  }
0xc4: {  	[timem:s3], [sflag:s2] =	dma.local @!p0 [hbm:s0], s1  }
0xc5: {  	s0 =	simm.s32 @!p0 $0xA  }
0xc6: {  	_ =	swait.ge @!p0 [sflag:s0], s1  }
0xc7: {  	s1 =	ssub.s32 @!p0 $0x0, s1;
	[sflag:s0] =	ssyncset.done @!p0 $0x0  }
0xc8: {  	[sflag:s0] =	ssyncadd.s32 @!p0 s1  }
0xc9: {  	[bflag:$0x3] =	sbarrier.arrive $0xFFFF  }
0xca: {  	_ =	shalt  }

</sc_bundles>
